<compile_context>
chip_gen: v7x
topology: tpu7x:2x2x1
jax: 0.10.2.dev20260603
libtpu: 0.0.44.dev20260713+nightly
codegen_flags: <defaults>
</compile_context>

<pallas_src>
import functools

import jax
import jax.numpy as jnp
from jax import lax
from jax.experimental import pallas as pl
from jax.experimental.pallas import tpu as pltpu
from jax.experimental.pallas import tpu_sc as plsc

N = 10000
E = 160000
G = 100
BN = 1.0 / (1.0 + 1e-5) ** 0.5

NC = 2
NS = 16
NW = NC * NS
CK = 128
NCHUNK = E // CK
ITERS = (NCHUNK + NW - 1) // NW


def _leaky(x):
    return jnp.where(x >= 0, x, 0.01 * x)


def _pad128(w):
    return jnp.pad(w, ((0, 0), (0, 128 - w.shape[1])))


BE = 256


def _curve_body(x_ref, w1_ref, w2_ref, w3_ref, fc_ref, pw_ref, pb_ref,
                crv_ref, ep_ref, s1, s2, s3):
    b = BE

    def fill(s, val, c):
        s[pl.ds(0, b), :] = jnp.zeros((b, c), jnp.float32)
        s[pl.ds(11 * b, b), :] = jnp.zeros((b, c), jnp.float32)
        s[pl.ds(b, 10 * b), :] = val

    y1 = _leaky(jnp.dot(x_ref[...], w1_ref[...],
                        preferred_element_type=jnp.float32) * BN)
    s1[pl.ds(0, b), :] = jnp.zeros((b, 64), jnp.float32)
    s1[pl.ds(11 * b, b), :] = jnp.zeros((b, 64), jnp.float32)
    for l in range(10):
        s1[pl.ds((1 + l) * b, b), :] = y1[:, l * 64:(l + 1) * 64]

    def layer(s_in, s_out, w_ref, cout):
        acc = jnp.dot(s_in[pl.ds(0, 10 * b), :], w_ref[0],
                      preferred_element_type=jnp.float32)
        acc = acc + jnp.dot(s_in[pl.ds(b, 10 * b), :], w_ref[1],
                            preferred_element_type=jnp.float32)
        acc = acc + jnp.dot(s_in[pl.ds(2 * b, 10 * b), :], w_ref[2],
                            preferred_element_type=jnp.float32)
        fill(s_out, _leaky(acc * BN), cout)

    layer(s1, s2, w2_ref, 128)
    layer(s2, s3, w3_ref, 256)

    m = s3[pl.ds(b, b), :]
    for l in range(1, 10):
        m = m + s3[pl.ds((1 + l) * b, b), :]
    m = m * 0.1
    crv = _leaky(jnp.dot(m, fc_ref[...], preferred_element_type=jnp.float32) * BN)
    crv_ref[...] = crv
    ep_ref[...] = jnp.dot(crv, pw_ref[...],
                          preferred_element_type=jnp.float32) + pb_ref[...]


def _curve_band(cw1):
    import numpy as np
    sel = np.zeros((30, 10, 9), np.float32)
    for l in range(10):
        for d in range(3):
            lp = l + d - 1
            if 0 <= lp < 10:
                for c in range(3):
                    sel[c * 10 + lp, l, c * 3 + d] = 1.0
    wflat = jnp.transpose(cw1, (1, 2, 0)).reshape(9, 64)
    return jnp.tensordot(jnp.asarray(sel), wflat, axes=([2], [0])).reshape(30, 640)


def _run_curve(efeat, cw1, cw2, cw3, cfc, pw0, pb0):
    x30 = efeat.reshape(E, 30)
    grid = E // BE
    return pl.pallas_call(
        _curve_body,
        grid=(grid,),
        in_specs=[
            pl.BlockSpec((BE, 30), lambda i: (i, 0)),
            pl.BlockSpec((30, 640), lambda i: (0, 0)),
            pl.BlockSpec((3, 64, 128), lambda i: (0, 0, 0)),
            pl.BlockSpec((3, 128, 256), lambda i: (0, 0, 0)),
            pl.BlockSpec((256, 64), lambda i: (0, 0)),
            pl.BlockSpec((64, 128), lambda i: (0, 0)),
            pl.BlockSpec((1, 128), lambda i: (0, 0)),
        ],
        out_specs=[
            pl.BlockSpec((BE, 64), lambda i: (i, 0)),
            pl.BlockSpec((BE, 128), lambda i: (i, 0)),
        ],
        out_shape=[
            jax.ShapeDtypeStruct((E, 64), jnp.float32),
            jax.ShapeDtypeStruct((E, 128), jnp.float32),
        ],
        scratch_shapes=[
            pltpu.VMEM((12 * BE, 64), jnp.float32),
            pltpu.VMEM((12 * BE, 128), jnp.float32),
            pltpu.VMEM((12 * BE, 256), jnp.float32),
        ],
    )(x30, _curve_band(cw1), jnp.transpose(cw2, (2, 1, 0)),
      jnp.transpose(cw3, (2, 1, 0)), cfc.T, _pad128(pw0.T),
      _pad128(pb0.reshape(1, 64)))


BS = 16


def _surface_body(x_ref, w1_ref, w2_ref, w3_ref, fc_ref, srf_ref, s1, s2, s3):
    b = BS
    rows = 118 * b

    y1 = _leaky(jnp.dot(x_ref[...], w1_ref[...],
                        preferred_element_type=jnp.float32) * BN)
    s1[...] = jnp.zeros((144 * b, 64), jnp.float32)
    for y in range(10):
        for x in range(10):
            q = (y + 1) * 12 + (x + 1)
            v = y * 10 + x
            s1[pl.ds(q * b, b), :] = y1[:, v * 64:(v + 1) * 64]

    def layer(s_in, s_out, w_ref, cout):
        acc = None
        for dy in range(3):
            for dx in range(3):
                sh = ((dy - 1) * 12 + (dx - 1)) * b
                t = jnp.dot(s_in[pl.ds(13 * b + sh, rows), :], w_ref[dy, dx],
                            preferred_element_type=jnp.float32)
                acc = t if acc is None else acc + t
        y = _leaky(acc * BN)
        ridx = lax.broadcasted_iota(jnp.int32, (rows, cout), 0)
        pos = ridx // b + 13
        hh = pos // 12
        ww = pos - hh * 12
        valid = (hh >= 1) & (hh <= 10) & (ww >= 1) & (ww <= 10)
        y = jnp.where(valid, y, 0.0)
        s_out[pl.ds(0, 13 * b), :] = jnp.zeros((13 * b, cout), jnp.float32)
        s_out[pl.ds(131 * b, 13 * b), :] = jnp.zeros((13 * b, cout), jnp.float32)
        s_out[pl.ds(13 * b, rows), :] = y

    layer(s1, s2, w2_ref, 128)
    layer(s2, s3, w3_ref, 256)

    v = s3[...]
    a = v[0:12 * b, :]
    for p in range(1, 12):
        a = a + v[p * 12 * b:(p + 1) * 12 * b, :]
    mrow = a[0:b, :]
    for q in range(1, 12):
        mrow = mrow + a[q * b:(q + 1) * b, :]
    m = mrow * 0.01
    srf_ref[...] = _leaky(jnp.dot(m, fc_ref[...],
                                  preferred_element_type=jnp.float32) * BN)


def _surface_band(sw1):
    import numpy as np
    sel = np.zeros((400, 100, 36), np.float32)
    for y in range(10):
        for x in range(10):
            v = y * 10 + x
            for dy in range(3):
                for dx in range(3):
                    py, px = y + dy - 1, x + dx - 1
                    if 0 <= py < 10 and 0 <= px < 10:
                        for c in range(4):
                            sel[c * 100 + py * 10 + px, v, c * 9 + dy * 3 + dx] = 1.0
    wflat = jnp.transpose(sw1, (1, 2, 3, 0)).reshape(36, 64)
    return jnp.tensordot(jnp.asarray(sel), wflat,
                         axes=([2], [0])).reshape(400, 6400)


def _run_surface(nfeat, sw1, sw2, sw3, sfc):
    x400 = nfeat.reshape(N, 400)
    grid = N // BS
    return pl.pallas_call(
        _surface_body,
        grid=(grid,),
        in_specs=[
            pl.BlockSpec((BS, 400), lambda i: (i, 0)),
            pl.BlockSpec((400, 6400), lambda i: (0, 0)),
            pl.BlockSpec((3, 3, 64, 128), lambda i: (0, 0, 0, 0)),
            pl.BlockSpec((3, 3, 128, 256), lambda i: (0, 0, 0, 0)),
            pl.BlockSpec((256, 128), lambda i: (0, 0)),
        ],
        out_specs=pl.BlockSpec((BS, 128), lambda i: (i, 0)),
        out_shape=jax.ShapeDtypeStruct((N, 128), jnp.float32),
        scratch_shapes=[
            pltpu.VMEM((144 * BS, 64), jnp.float32),
            pltpu.VMEM((144 * BS, 128), jnp.float32),
            pltpu.VMEM((144 * BS, 256), jnp.float32),
        ],
        compiler_params=pltpu.CompilerParams(
            vmem_limit_bytes=100 * 1024 * 1024),
    )(x400, _surface_band(sw1), jnp.transpose(sw2, (2, 3, 1, 0)),
      jnp.transpose(sw3, (2, 3, 1, 0)), _pad128(sfc.T))


def _seg_body(h_hbm, ep_hbm, src_hbm, dst_hbm, zeros_hbm, out_hbm,
              src_v, dst_v, rows_v, ep_v, shared):
    cidx = lax.axis_index("c")
    sid = lax.axis_index("s")
    w = sid * NC + cidx

    @pl.when(sid < 10)
    def _():
        pltpu.sync_copy(zeros_hbm, shared.at[pl.ds(sid * 1000, 1000)])

    plsc.subcore_barrier()

    def body(it, _):
        cid = it * NW + w

        @pl.when(cid < NCHUNK)
        def _():
            base = cid * CK
            pltpu.sync_copy(src_hbm.at[pl.ds(base, CK)], src_v)
            pltpu.sync_copy(dst_hbm.at[pl.ds(base, CK)], dst_v)
            pltpu.sync_copy(h_hbm.at[src_v], rows_v)
            pltpu.sync_copy(ep_hbm.at[pl.ds(base, CK)], ep_v)
            pltpu.sync_copy(rows_v, shared.at[dst_v], add=True)
            pltpu.sync_copy(ep_v, shared.at[dst_v], add=True)
        return 0

    lax.fori_loop(0, ITERS, body, 0)
    plsc.subcore_barrier()

    @pl.when(sid < 10)
    def _():
        pltpu.sync_copy(shared.at[pl.ds(sid * 1000, 1000)],
                        out_hbm.at[pl.ds(cidx * N + sid * 1000, 1000)])


def _run_seg(h, ep, src, dst):
    zeros = jnp.zeros((1000, 128), jnp.float32)
    mesh = plsc.VectorSubcoreMesh(core_axis_name="c", subcore_axis_name="s")
    fn = functools.partial(
        pl.kernel, mesh=mesh,
        out_type=jax.ShapeDtypeStruct((2 * N, 128), jnp.float32),
        scratch_types=[
            pltpu.VMEM((CK,), jnp.int32),
            pltpu.VMEM((CK,), jnp.int32),
            pltpu.VMEM((CK, 128), jnp.float32),
            pltpu.VMEM((CK, 128), jnp.float32),
            pltpu.VMEM_SHARED((N, 128), jnp.float32),
        ],
    )(_seg_body)
    return fn(h, ep, src, dst, zeros)


def _g2_body(t_hbm, src_hbm, dst_hbm, g1_hbm, g2_hbm, src_v, dst_v, r1_v, r2_v):
    cidx = lax.axis_index("c")
    sid = lax.axis_index("s")
    w = sid * NC + cidx

    def body(it, _):
        cid = it * NW + w

        @pl.when(cid < NCHUNK)
        def _():
            base = cid * CK
            pltpu.sync_copy(src_hbm.at[pl.ds(base, CK)], src_v)
            pltpu.sync_copy(dst_hbm.at[pl.ds(base, CK)], dst_v)
            pltpu.sync_copy(t_hbm.at[src_v], r1_v)
            pltpu.sync_copy(t_hbm.at[dst_v], r2_v)
            pltpu.sync_copy(r1_v, g1_hbm.at[pl.ds(base, CK)])
            pltpu.sync_copy(r2_v, g2_hbm.at[pl.ds(base, CK)])
        return 0

    lax.fori_loop(0, ITERS, body, 0)


def _run_gather2(table, src, dst):
    mesh = plsc.VectorSubcoreMesh(core_axis_name="c", subcore_axis_name="s")
    fn = functools.partial(
        pl.kernel, mesh=mesh,
        out_type=[jax.ShapeDtypeStruct((E, 128), jnp.float32),
                  jax.ShapeDtypeStruct((E, 128), jnp.float32)],
        scratch_types=[
            pltpu.VMEM((CK,), jnp.int32),
            pltpu.VMEM((CK,), jnp.int32),
            pltpu.VMEM((CK, 128), jnp.float32),
            pltpu.VMEM((CK, 128), jnp.float32),
        ],
    )(_g2_body)
    return fn(table, src, dst)


BR = 2000


def _node_body(h_ref, a0_ref, a1_ref, eps_ref, w1_ref, b1_ref, w2_ref, b2_ref,
               pw_ref, hn_ref, hnp_ref):
    x = (eps_ref[0, 0] * h_ref[...][:, 0:64] + a0_ref[...][:, 0:64]
         + a1_ref[...][:, 0:64])
    hh = jnp.maximum((jnp.dot(x, w1_ref[...], preferred_element_type=jnp.float32)
                      + b1_ref[...]) * BN, 0.0)
    y = _leaky((jnp.dot(hh, w2_ref[...], preferred_element_type=jnp.float32)
                + b2_ref[...]) * BN)
    hn_ref[...] = y
    hnp_ref[...] = jnp.dot(y[:, 0:64], pw_ref[...],
                           preferred_element_type=jnp.float32)


def _run_node(h, a0, a1, nc, ec_pw):
    grid = N // BR
    full = lambda shape: pl.BlockSpec(shape, lambda i: tuple(0 for _ in shape))
    return pl.pallas_call(
        _node_body,
        grid=(grid,),
        in_specs=[
            pl.BlockSpec((BR, 128), lambda i: (i, 0)),
            pl.BlockSpec((BR, 128), lambda i: (i, 0)),
            pl.BlockSpec((BR, 128), lambda i: (i, 0)),
            full((1, 1)), full((64, 64)), full((1, 64)), full((64, 128)),
            full((1, 128)), full((64, 128)),
        ],
        out_specs=[pl.BlockSpec((BR, 128), lambda i: (i, 0)),
                   pl.BlockSpec((BR, 128), lambda i: (i, 0))],
        out_shape=[jax.ShapeDtypeStruct((N, 128), jnp.float32),
                   jax.ShapeDtypeStruct((N, 128), jnp.float32)],
    )(h, a0, a1, jnp.full((1, 1), 1.0 + nc['eps'], jnp.float32),
      nc['w1'].T, nc['b1'].reshape(1, 64), _pad128(nc['w2'].T),
      _pad128(nc['b2'].reshape(1, 64)), _pad128(ec_pw.T))


def _node2_body(h_ref, a0_ref, a1_ref, eps_ref, w1_ref, b1_ref, w2_ref, b2_ref,
                hn_ref):
    x = (eps_ref[0, 0] * h_ref[...][:, 0:64] + a0_ref[...][:, 0:64]
         + a1_ref[...][:, 0:64])
    hh = jnp.maximum((jnp.dot(x, w1_ref[...], preferred_element_type=jnp.float32)
                      + b1_ref[...]) * BN, 0.0)
    hn_ref[...] = _leaky((jnp.dot(hh, w2_ref[...],
                                  preferred_element_type=jnp.float32)
                          + b2_ref[...]) * BN)


def _run_node2(h, a0, a1, nc):
    grid = N // BR
    full = lambda shape: pl.BlockSpec(shape, lambda i: tuple(0 for _ in shape))
    return pl.pallas_call(
        _node2_body,
        grid=(grid,),
        in_specs=[
            pl.BlockSpec((BR, 128), lambda i: (i, 0)),
            pl.BlockSpec((BR, 128), lambda i: (i, 0)),
            pl.BlockSpec((BR, 128), lambda i: (i, 0)),
            full((1, 1)), full((64, 64)), full((1, 64)), full((64, 64)),
            full((1, 64)),
        ],
        out_specs=pl.BlockSpec((BR, 64), lambda i: (i, 0)),
        out_shape=jax.ShapeDtypeStruct((N, 64), jnp.float32),
    )(h, a0, a1, jnp.full((1, 1), 1.0 + nc['eps'], jnp.float32),
      nc['w1'].T, nc['b1'].reshape(1, 64), nc['w2'].T, nc['b2'].reshape(1, 64))


def _edge_body(he_ref, g1_ref, g2_ref, eps_ref, pb2_ref, w1_ref, b1_ref,
               w2_ref, b2_ref, npw_ref, npb_ref, ep_ref):
    x = (eps_ref[0, 0] * he_ref[...] + g1_ref[...][:, 0:64]
         + g2_ref[...][:, 0:64] + pb2_ref[...])
    hh = jnp.maximum((jnp.dot(x, w1_ref[...], preferred_element_type=jnp.float32)
                      + b1_ref[...]) * BN, 0.0)
    y = _leaky((jnp.dot(hh, w2_ref[...], preferred_element_type=jnp.float32)
                + b2_ref[...]) * BN)
    ep_ref[...] = jnp.dot(y, npw_ref[...],
                          preferred_element_type=jnp.float32) + npb_ref[...]


def _run_edge(he, g1, g2, ec, nc1):
    grid = E // BR
    full = lambda shape: pl.BlockSpec(shape, lambda i: tuple(0 for _ in shape))
    return pl.pallas_call(
        _edge_body,
        grid=(grid,),
        in_specs=[
            pl.BlockSpec((BR, 64), lambda i: (i, 0)),
            pl.BlockSpec((BR, 128), lambda i: (i, 0)),
            pl.BlockSpec((BR, 128), lambda i: (i, 0)),
            full((1, 1)), full((1, 64)), full((64, 64)), full((1, 64)),
            full((64, 64)), full((1, 64)), full((64, 128)), full((1, 128)),
        ],
        out_specs=pl.BlockSpec((BR, 128), lambda i: (i, 0)),
        out_shape=jax.ShapeDtypeStruct((E, 128), jnp.float32),
    )(he, g1, g2, jnp.full((1, 1), 1.0 + ec['eps'], jnp.float32),
      (2.0 * ec['pb']).reshape(1, 64), ec['w1'].T, ec['b1'].reshape(1, 64),
      ec['w2'].T, ec['b2'].reshape(1, 64), _pad128(nc1['pw'].T),
      _pad128(nc1['pb'].reshape(1, 64)))


GP = 104


def _readout_body(h0_ref, h1_ref, h2_ref, ids_ref, pw0_ref, pw1_ref, pw2_ref,
                  pb_ref, pj1_ref, pj2_ref, pj3_ref, out_ref, p0, p1, p2):
    v0 = h0_ref[...]
    v1 = h1_ref[...]
    v2 = h2_ref[...]
    ids = ids_ref[...]
    neg = jnp.float32(-jnp.inf)

    def body(g, _):
        mask = ids == g
        p0[pl.ds(g, 1), :] = jnp.max(jnp.where(mask, v0, neg), axis=0,
                                     keepdims=True)
        p1[pl.ds(g, 1), :] = jnp.max(jnp.where(mask, v1, neg), axis=0,
                                     keepdims=True)
        p2[pl.ds(g, 1), :] = jnp.max(jnp.where(mask, v2, neg), axis=0,
                                     keepdims=True)
        return 0

    lax.fori_loop(0, G, body, 0)

    score = (jnp.dot(p0[...], pw0_ref[...], preferred_element_type=jnp.float32)
             + jnp.dot(p1[...], pw1_ref[...], preferred_element_type=jnp.float32)
             + jnp.dot(p2[...], pw2_ref[...], preferred_element_type=jnp.float32)
             + pb_ref[...])
    t = jnp.maximum(jnp.dot(score, pj1_ref[...],
                            preferred_element_type=jnp.float32) * BN, 0.0)
    t = jnp.maximum(jnp.dot(t, pj2_ref[...],
                            preferred_element_type=jnp.float32) * BN, 0.0)
    t = jnp.dot(t, pj3_ref[...], preferred_element_type=jnp.float32)
    nrm = jnp.sqrt(jnp.sum(t * t, axis=-1, keepdims=True))
    out = t / jnp.maximum(nrm, 1e-12)
    out_ref[...] = out[0:G, :]


def _run_readout(h0, h1, h2, graph_ids, params):
    pbsum = (params['pred_b'][0] + params['pred_b'][1]
             + params['pred_b'][2]).reshape(1, 128)
    full = lambda shape: pl.BlockSpec(shape, lambda: tuple(0 for _ in shape))
    return pl.pallas_call(
        _readout_body,
        in_specs=[
            full((N, 64)), full((N, 64)), full((N, 64)), full((N, 1)),
            full((64, 128)), full((64, 128)), full((64, 128)), full((1, 128)),
            full((128, 128)), full((128, 128)), full((128, 128)),
        ],
        out_specs=full((G, 128)),
        out_shape=jax.ShapeDtypeStruct((G, 128), jnp.float32),
        scratch_shapes=[
            pltpu.VMEM((GP, 64), jnp.float32),
            pltpu.VMEM((GP, 64), jnp.float32),
            pltpu.VMEM((GP, 64), jnp.float32),
        ],
    )(h0, h1, h2, graph_ids.reshape(N, 1),
      params['pred_w'][0].T, params['pred_w'][1].T, params['pred_w'][2].T,
      pbsum, params['pjw1'].T, params['pjw2'].T, params['pjw3'].T)


def kernel(node_x, edge_x, params, src, dst, graph_ids):
    nfeat = node_x[:, jnp.array([0, 1, 2, 6]), :, :]
    efeat = edge_x[:, :3, :]

    crv, ep0 = _run_curve(efeat, params['cw1'], params['cw2'], params['cw3'],
                          params['cfc'], params['nc'][0]['pw'],
                          params['nc'][0]['pb'])
    srf = _run_surface(nfeat, params['sw1'], params['sw2'], params['sw3'],
                       params['sfc'])

    agg0 = _run_seg(srf, ep0, src, dst)
    hn1, hnp1 = _run_node(srf, agg0[0:N], agg0[N:2 * N],
                          params['nc'][0], params['ec'][0]['pw'])
    g1, g2 = _run_gather2(hnp1, src, dst)
    ep1 = _run_edge(crv, g1, g2, params['ec'][0], params['nc'][1])
    agg1 = _run_seg(hn1, ep1, src, dst)
    hn2 = _run_node2(hn1, agg1[0:N], agg1[N:2 * N], params['nc'][1])

    return _run_readout(srf[:, 0:64], hn1[:, 0:64], hn2, graph_ids, params)

# --- scband reference (transcript-rebuilt; emitter-appended) ---
"""Pipeline reference for scband-uvnet-mo-co-encoder-85212151152758 (READ-ONLY COPY).

The authoritative reference and input builder live on the scoring server;
editing this copy changes nothing except your own understanding.
"""

import jax, jax.numpy as jnp
import numpy as np

N = 10000
E = 160000
G = 100
_BN = 1.0 / np.sqrt(1.0 + 1e-5)

def _leaky(x):
    return jnp.where(x >= 0, x, 0.01 * x)

def _conv1(x, w):
    return jax.lax.conv_general_dilated(x, w, (1,), [(1, 1)], dimension_numbers=('NCH', 'OIH', 'NCH'))

def _conv2(x, w):
    return jax.lax.conv_general_dilated(x, w, (1, 1), [(1, 1), (1, 1)], dimension_numbers=('NCHW', 'OIHW', 'NCHW'))

def _mlp2(x, w1, b1, w2, b2):
    h = jax.nn.relu((x @ w1.T + b1) * _BN)
    return h @ w2.T + b2

def setup_inputs(seed: int = 0):
    key = jax.random.key(seed)
    ks = iter(jax.random.split(key, 64))
    def nrm(shape):
        fan_in = int(np.prod(shape[1:])) if len(shape) > 1 else int(shape[0])
        return jax.random.normal(next(ks), shape, dtype=jnp.float32) / np.sqrt(fan_in)
    node_x = jax.random.normal(next(ks), (N, 7, 10, 10), dtype=jnp.float32)
    edge_x = jax.random.normal(next(ks), (E, 6, 10), dtype=jnp.float32)
    src = jax.random.randint(next(ks), (E,), 0, N, dtype=jnp.int32)
    dst = jax.random.randint(next(ks), (E,), 0, N, dtype=jnp.int32)
    graph_ids = jnp.sort(jax.random.randint(next(ks), (N,), 0, G, dtype=jnp.int32))
    def conv_layer():
        return {'pw': nrm((64, 64)), 'pb': jnp.zeros((64,), jnp.float32),
                'w1': nrm((64, 64)), 'b1': jnp.zeros((64,), jnp.float32),
                'w2': nrm((64, 64)), 'b2': jnp.zeros((64,), jnp.float32),
                'eps': jnp.zeros((), jnp.float32)}
    params = {
        'cw1': nrm((64, 3, 3)), 'cw2': nrm((128, 64, 3)), 'cw3': nrm((256, 128, 3)), 'cfc': nrm((64, 256)),
        'sw1': nrm((64, 4, 3, 3)), 'sw2': nrm((128, 64, 3, 3)), 'sw3': nrm((256, 128, 3, 3)), 'sfc': nrm((64, 256)),
        'nc': [conv_layer(), conv_layer()],
        'ec': [conv_layer(), conv_layer()],
        'pred_w': [nrm((128, 64)) for _ in range(3)],
        'pred_b': [jnp.zeros((128,), jnp.float32) for _ in range(3)],
        'pjw1': nrm((128, 128)), 'pjw2': nrm((128, 128)), 'pjw3': nrm((128, 128)),
    }
    return {'node_x': node_x, 'edge_x': edge_x, 'params': params, 'src': src, 'dst': dst, 'graph_ids': graph_ids}

def _forward(node_x, edge_x, params, src, dst, graph_ids):
    # bg.ndata['x'][:, [0,1,2,6], :, :] (XYZ + visibility mask), bg.edata['x'][:, :3, :]
    nfeat = node_x[:, jnp.array([0, 1, 2, 6]), :, :]
    efeat = edge_x[:, :3, :]
    # UVNetCurveEncoder: 3x [conv1d(k=3,p=1,no bias) -> BN(eval) -> LeakyReLU], adaptive avg pool, fc -> BN -> LeakyReLU
    x = _leaky(_conv1(efeat, params['cw1']) * _BN)
    x = _leaky(_conv1(x, params['cw2']) * _BN)
    x = _leaky(_conv1(x, params['cw3']) * _BN)
    x = x.mean(axis=2)
    crv = _leaky((x @ params['cfc'].T) * _BN)
    # UVNetSurfaceEncoder: 3x [conv2d -> BN -> LeakyReLU], avg pool, fc -> BN -> LeakyReLU
    y = _leaky(_conv2(nfeat, params['sw1']) * _BN)
    y = _leaky(_conv2(y, params['sw2']) * _BN)
    y = _leaky(_conv2(y, params['sw3']) * _BN)
    y = y.mean(axis=(2, 3))
    srf = _leaky((y @ params['sfc'].T) * _BN)
    # UVNetGraphEncoder: num_layers=3 -> 2 (_NodeConv, _EdgeConv) rounds, hidden=64
    h = srf
    he = crv
    hidden = [h]
    for i in range(2):
        nc = params['nc'][i]
        eproj = he @ nc['pw'].T + nc['pb']
        agg = jax.ops.segment_sum(h[src] + eproj, dst, num_segments=N)  # u_add_e -> sum
        hn = (1.0 + nc['eps']) * h + agg
        hn = _leaky(_mlp2(hn, nc['w1'], nc['b1'], nc['w2'], nc['b2']) * _BN)
        ec = params['ec'][i]
        p1 = hn[src] @ ec['pw'].T + ec['pb']
        p2 = hn[dst] @ ec['pw'].T + ec['pb']
        he = (1.0 + ec['eps']) * he + p1 + p2
        he = _leaky(_mlp2(he, ec['w1'], ec['b1'], ec['w2'], ec['b2']) * _BN)
        h = hn
        hidden.append(h)
    # jumping-knowledge readout: per-graph max pool of each layer + linear, summed (dropout=eval noop)
    score = jnp.zeros((G, 128), jnp.float32)
    for i, hi in enumerate(hidden):
        pooled = jax.ops.segment_max(hi, graph_ids, num_segments=G)
        score = score + pooled @ params['pred_w'][i].T + params['pred_b'][i]
    # bottleneck = Identity (latent_dim == graph_emb_dim); projection head (BN eval, dropout eval)
    t = jax.nn.relu((score @ params['pjw1'].T) * _BN)
    t = jax.nn.relu((t @ params['pjw2'].T) * _BN)
    t = t @ params['pjw3'].T
    return t / jnp.maximum(jnp.linalg.norm(t, axis=-1, keepdims=True), 1e-12)

def reference(node_x, edge_x, params, src, dst, graph_ids):
    return _forward(node_x, edge_x, params, src, dst, graph_ids)

if __name__ == "__main__":
    import jax
    _d = setup_inputs()
    print(jax.jit(kernel)(*tuple(_d.values())))

</pallas_src>

<mosaic_0001>
#map = affine_map<(d0, d1) -> (0, 0)>
#map1 = affine_map<(d0, d1) -> (0)>
module attributes {stable_mosaic.version = 14 : i64} {
  func.func @_seg_body(%arg0: i32, %arg1: i32, %arg2: memref<10000x128xf32, #tpu.memory_space<hbm>>, %arg3: memref<160000x128xf32, #tpu.memory_space<hbm>>, %arg4: memref<160000xi32, #tpu.memory_space<hbm>>, %arg5: memref<160000xi32, #tpu.memory_space<hbm>>, %arg6: memref<1000x128xf32, #tpu.memory_space<hbm>>, %arg7: memref<20000x128xf32, #tpu.memory_space<hbm>>, %arg8: memref<128xi32, #tpu.memory_space<vmem>>, %arg9: memref<128xi32, #tpu.memory_space<vmem>>, %arg10: memref<128x128xf32, #tpu.memory_space<vmem>>, %arg11: memref<128x128xf32, #tpu.memory_space<vmem>>, %arg12: memref<10000x128xf32, #tpu.memory_space<vmem_shared>>) attributes {dimension_semantics = [#tpu.dimension_semantics<core_parallel>, #tpu.dimension_semantics<subcore_parallel>], iteration_bounds = array<i64: 2, 16>, scalar_prefetch = 0 : i64, scratch_operands = 5 : i64, tpu.core_type = #tpu.core_type<sc_vector_subcore>, window_params = [{transform_indices = #map}, {transform_indices = #map}, {transform_indices = #map1}, {transform_indices = #map1}, {transform_indices = #map}, {transform_indices = #map}]} {
    %mul3A = arith.constant 2 : i32
    %mul3A_0 = arith.muli %arg1, %mul3A : i32
    %add3A = arith.addi %mul3A_0, %arg0 : i32
    %lt3A = arith.constant 10 : i32
    %lt3A_1 = arith.cmpi slt, %arg1, %lt3A : i32
    %convert_element_type3A = arith.extui %lt3A_1 : i1 to i32
    %cond3A = arith.constant 0 : i32
    %cond3A_2 = arith.cmpi ne, %convert_element_type3A, %cond3A : i32
    scf.if %cond3A_2 {
      %mul3A_15 = arith.constant 1000 : i32
      %mul3A_16 = arith.muli %arg1, %mul3A_15 : i32
      "tpu.region"() ({
        %run_scoped3A = tpu.sem_alloc : memref<!tpu.dma_semaphore, #tpu.memory_space<semaphore_mem>>
        %dma_start3A = arith.constant 0 : i32
        %dma_start3A_17 = tpu.memref_slice %arg12[%mul3A_16, %dma_start3A] : memref<10000x128xf32, #tpu.memory_space<vmem_shared>> -> memref<1000x128xf32, #tpu.memory_space<vmem_shared>>
        tpu.enqueue_dma source(%arg6 : memref<1000x128xf32, #tpu.memory_space<hbm>>) target(%dma_start3A_17 : memref<1000x128xf32, #tpu.memory_space<vmem_shared>>) target_semaphore(%run_scoped3A : memref<!tpu.dma_semaphore, #tpu.memory_space<semaphore_mem>>)
        %dma_wait3A = arith.constant 0 : i32
        %dma_wait3A_18 = tpu.memref_slice %arg12[%mul3A_16, %dma_wait3A] : memref<10000x128xf32, #tpu.memory_space<vmem_shared>> -> memref<1000x128xf32, #tpu.memory_space<vmem_shared>>
        tpu.wait_dma2 semaphore(%run_scoped3A : memref<!tpu.dma_semaphore, #tpu.memory_space<semaphore_mem>>) src(%arg6 : memref<1000x128xf32, #tpu.memory_space<hbm>>) dst(%dma_wait3A_18 : memref<1000x128xf32, #tpu.memory_space<vmem_shared>>)
        tpu.yield
      }) : () -> ()
    } else {
    }
    %barrier3A = arith.constant 0 : index
    tpu.barrier barrier_id(%barrier3A)
    %scan3A = arith.constant 0 : i32
    %scan3A_3 = arith.constant 0 : i32
    %scan3A_4 = arith.constant 40 : i32
    %scan3A_5 = arith.addi %scan3A_3, %scan3A_4 : i32
    %scan3A_6 = arith.constant 1 : i32
    %scan3A_7 = scf.for %scan3A_15 = %scan3A_3 to %scan3A_5 step %scan3A_6 iter_args(%scan3A_16 = %scan3A) -> (i32)  : i32 {
      %mul3A_17 = arith.constant 32 : i32
      %mul3A_18 = arith.muli %scan3A_15, %mul3A_17 : i32
      %add3A_19 = arith.addi %mul3A_18, %add3A : i32
      %lt3A_20 = arith.constant 1250 : i32
      %lt3A_21 = arith.cmpi slt, %add3A_19, %lt3A_20 : i32
      %convert_element_type3A_22 = arith.extui %lt3A_21 : i1 to i32
      %cond3A_23 = arith.constant 0 : i32
      %cond3A_24 = arith.cmpi ne, %convert_element_type3A_22, %cond3A_23 : i32
      scf.if %cond3A_24 {
        %mul3A_26 = arith.constant 128 : i32
        %mul3A_27 = arith.muli %add3A_19, %mul3A_26 : i32
        "tpu.region"() ({
          %run_scoped3A = tpu.sem_alloc : memref<!tpu.dma_semaphore, #tpu.memory_space<semaphore_mem>>
          %dma_start3A = tpu.memref_slice %arg4[%mul3A_27] : memref<160000xi32, #tpu.memory_space<hbm>> -> memref<128xi32, #tpu.memory_space<hbm>>
          %dma_start3A_28 = tpu.memref_slice %arg4[%mul3A_27] : memref<160000xi32, #tpu.memory_space<hbm>> -> memref<128xi32, #tpu.memory_space<hbm>>
          tpu.enqueue_dma source(%dma_start3A_28 : memref<128xi32, #tpu.memory_space<hbm>>) target(%arg8 : memref<128xi32, #tpu.memory_space<vmem>>) target_semaphore(%run_scoped3A : memref<!tpu.dma_semaphore, #tpu.memory_space<semaphore_mem>>)
          %dma_wait3A = tpu.memref_slice %arg4[%mul3A_27] : memref<160000xi32, #tpu.memory_space<hbm>> -> memref<128xi32, #tpu.memory_space<hbm>>
          %dma_wait3A_29 = tpu.memref_slice %arg4[%mul3A_27] : memref<160000xi32, #tpu.memory_space<hbm>> -> memref<128xi32, #tpu.memory_space<hbm>>
          tpu.wait_dma2 semaphore(%run_scoped3A : memref<!tpu.dma_semaphore, #tpu.memory_space<semaphore_mem>>) src(%dma_wait3A_29 : memref<128xi32, #tpu.memory_space<hbm>>) dst(%arg8 : memref<128xi32, #tpu.memory_space<vmem>>)
          tpu.yield
        }) : () -> ()
        "tpu.region"() ({
          %run_scoped3A = tpu.sem_alloc : memref<!tpu.dma_semaphore, #tpu.memory_space<semaphore_mem>>
          %dma_start3A = tpu.memref_slice %arg5[%mul3A_27] : memref<160000xi32, #tpu.memory_space<hbm>> -> memref<128xi32, #tpu.memory_space<hbm>>
          %dma_start3A_28 = tpu.memref_slice %arg5[%mul3A_27] : memref<160000xi32, #tpu.memory_space<hbm>> -> memref<128xi32, #tpu.memory_space<hbm>>
          tpu.enqueue_dma source(%dma_start3A_28 : memref<128xi32, #tpu.memory_space<hbm>>) target(%arg9 : memref<128xi32, #tpu.memory_space<vmem>>) target_semaphore(%run_scoped3A : memref<!tpu.dma_semaphore, #tpu.memory_space<semaphore_mem>>)
          %dma_wait3A = tpu.memref_slice %arg5[%mul3A_27] : memref<160000xi32, #tpu.memory_space<hbm>> -> memref<128xi32, #tpu.memory_space<hbm>>
          %dma_wait3A_29 = tpu.memref_slice %arg5[%mul3A_27] : memref<160000xi32, #tpu.memory_space<hbm>> -> memref<128xi32, #tpu.memory_space<hbm>>
          tpu.wait_dma2 semaphore(%run_scoped3A : memref<!tpu.dma_semaphore, #tpu.memory_space<semaphore_mem>>) src(%dma_wait3A_29 : memref<128xi32, #tpu.memory_space<hbm>>) dst(%arg9 : memref<128xi32, #tpu.memory_space<vmem>>)
          tpu.yield
        }) : () -> ()
        "tpu.region"() ({
          %run_scoped3A = tpu.sem_alloc : memref<!tpu.dma_semaphore, #tpu.memory_space<semaphore_mem>>
          %dma_start3A = arith.constant 0 : i32
          %dma_start3A_28 = arith.constant 0 : i32
          %dma_start3A_29 = tpu.memref_slice %arg2[%dma_start3A, %dma_start3A_28] : memref<10000x128xf32, #tpu.memory_space<hbm>> -> memref<10000x128xf32, #tpu.memory_space<hbm>>
          tpu.enqueue_indirect_dma source(%dma_start3A_29 : memref<10000x128xf32, #tpu.memory_space<hbm>>) target(%arg10 : memref<128x128xf32, #tpu.memory_space<vmem>>) offsets(%arg8 : memref<128xi32, #tpu.memory_space<vmem>>) semaphore(%run_scoped3A : memref<!tpu.dma_semaphore, #tpu.memory_space<semaphore_mem>>)
          %dma_wait3A = arith.constant 0 : i32
          %dma_wait3A_30 = arith.constant 0 : i32
          %dma_wait3A_31 = tpu.memref_slice %arg2[%dma_wait3A, %dma_wait3A_30] : memref<10000x128xf32, #tpu.memory_space<hbm>> -> memref<10000x128xf32, #tpu.memory_space<hbm>>
          tpu.wait_indirect_dma semaphore(%run_scoped3A : memref<!tpu.dma_semaphore, #tpu.memory_space<semaphore_mem>>) src(%dma_wait3A_31 : memref<10000x128xf32, #tpu.memory_space<hbm>>) dst(%arg10 : memref<128x128xf32, #tpu.memory_space<vmem>>)
          tpu.yield
        }) : () -> ()
        "tpu.region"() ({
          %run_scoped3A = tpu.sem_alloc : memref<!tpu.dma_semaphore, #tpu.memory_space<semaphore_mem>>
          %dma_start3A = arith.constant 0 : i32
          %dma_start3A_28 = tpu.memref_slice %arg3[%mul3A_27, %dma_start3A] : memref<160000x128xf32, #tpu.memory_space<hbm>> -> memref<128x128xf32, #tpu.memory_space<hbm>>
          %dma_start3A_29 = arith.constant 0 : i32
          %dma_start3A_30 = tpu.memref_slice %arg3[%mul3A_27, %dma_start3A_29] : memref<160000x128xf32, #tpu.memory_space<hbm>> -> memref<128x128xf32, #tpu.memory_space<hbm>>
          tpu.enqueue_dma source(%dma_start3A_30 : memref<128x128xf32, #tpu.memory_space<hbm>>) target(%arg11 : memref<128x128xf32, #tpu.memory_space<vmem>>) target_semaphore(%run_scoped3A : memref<!tpu.dma_semaphore, #tpu.memory_space<semaphore_mem>>)
          %dma_wait3A = arith.constant 0 : i32
          %dma_wait3A_31 = tpu.memref_slice %arg3[%mul3A_27, %dma_wait3A] : memref<160000x128xf32, #tpu.memory_space<hbm>> -> memref<128x128xf32, #tpu.memory_space<hbm>>
          %dma_wait3A_32 = arith.constant 0 : i32
          %dma_wait3A_33 = tpu.memref_slice %arg3[%mul3A_27, %dma_wait3A_32] : memref<160000x128xf32, #tpu.memory_space<hbm>> -> memref<128x128xf32, #tpu.memory_space<hbm>>
          tpu.wait_dma2 semaphore(%run_scoped3A : memref<!tpu.dma_semaphore, #tpu.memory_space<semaphore_mem>>) src(%dma_wait3A_33 : memref<128x128xf32, #tpu.memory_space<hbm>>) dst(%arg11 : memref<128x128xf32, #tpu.memory_space<vmem>>)
          tpu.yield
        }) : () -> ()
        "tpu.region"() ({
          %run_scoped3A = tpu.sem_alloc : memref<!tpu.dma_semaphore, #tpu.memory_space<semaphore_mem>>
          %dma_start3A = arith.constant 0 : i32
          %dma_start3A_28 = arith.constant 0 : i32
          %dma_start3A_29 = tpu.memref_slice %arg12[%dma_start3A, %dma_start3A_28] : memref<10000x128xf32, #tpu.memory_space<vmem_shared>> -> memref<10000x128xf32, #tpu.memory_space<vmem_shared>>
          tpu.enqueue_indirect_dma source(%arg10 : memref<128x128xf32, #tpu.memory_space<vmem>>) target(%dma_start3A_29 : memref<10000x128xf32, #tpu.memory_space<vmem_shared>>) offsets(%arg9 : memref<128xi32, #tpu.memory_space<vmem>>) semaphore(%run_scoped3A : memref<!tpu.dma_semaphore, #tpu.memory_space<semaphore_mem>>) {add = true}
          %dma_wait3A = arith.constant 0 : i32
          %dma_wait3A_30 = arith.constant 0 : i32
          %dma_wait3A_31 = tpu.memref_slice %arg12[%dma_wait3A, %dma_wait3A_30] : memref<10000x128xf32, #tpu.memory_space<vmem_shared>> -> memref<10000x128xf32, #tpu.memory_space<vmem_shared>>
          tpu.wait_indirect_dma semaphore(%run_scoped3A : memref<!tpu.dma_semaphore, #tpu.memory_space<semaphore_mem>>) src(%arg10 : memref<128x128xf32, #tpu.memory_space<vmem>>) dst(%dma_wait3A_31 : memref<10000x128xf32, #tpu.memory_space<vmem_shared>>)
          tpu.yield
        }) : () -> ()
        "tpu.region"() ({
          %run_scoped3A = tpu.sem_alloc : memref<!tpu.dma_semaphore, #tpu.memory_space<semaphore_mem>>
          %dma_start3A = arith.constant 0 : i32
          %dma_start3A_28 = arith.constant 0 : i32
          %dma_start3A_29 = tpu.memref_slice %arg12[%dma_start3A, %dma_start3A_28] : memref<10000x128xf32, #tpu.memory_space<vmem_shared>> -> memref<10000x128xf32, #tpu.memory_space<vmem_shared>>
          tpu.enqueue_indirect_dma source(%arg11 : memref<128x128xf32, #tpu.memory_space<vmem>>) target(%dma_start3A_29 : memref<10000x128xf32, #tpu.memory_space<vmem_shared>>) offsets(%arg9 : memref<128xi32, #tpu.memory_space<vmem>>) semaphore(%run_scoped3A : memref<!tpu.dma_semaphore, #tpu.memory_space<semaphore_mem>>) {add = true}
          %dma_wait3A = arith.constant 0 : i32
          %dma_wait3A_30 = arith.constant 0 : i32
          %dma_wait3A_31 = tpu.memref_slice %arg12[%dma_wait3A, %dma_wait3A_30] : memref<10000x128xf32, #tpu.memory_space<vmem_shared>> -> memref<10000x128xf32, #tpu.memory_space<vmem_shared>>
          tpu.wait_indirect_dma semaphore(%run_scoped3A : memref<!tpu.dma_semaphore, #tpu.memory_space<semaphore_mem>>) src(%arg11 : memref<128x128xf32, #tpu.memory_space<vmem>>) dst(%dma_wait3A_31 : memref<10000x128xf32, #tpu.memory_space<vmem_shared>>)
          tpu.yield
        }) : () -> ()
      } else {
      }
      %scan3A_25 = arith.constant 0 : i32
      scf.yield %scan3A_25 : i32
    }
    %scan3A_8 = arith.constant 40 : i32
    %barrier3A_9 = arith.constant 0 : index
    tpu.barrier barrier_id(%barrier3A_9)
    %lt3A_10 = arith.constant 10 : i32
    %lt3A_11 = arith.cmpi slt, %arg1, %lt3A_10 : i32
    %convert_element_type3A_12 = arith.extui %lt3A_11 : i1 to i32
    %cond3A_13 = arith.constant 0 : i32
    %cond3A_14 = arith.cmpi ne, %convert_element_type3A_12, %cond3A_13 : i32
    scf.if %cond3A_14 {
      %mul3A_15 = arith.constant 1000 : i32
      %mul3A_16 = arith.muli %arg1, %mul3A_15 : i32
      %mul3A_17 = arith.constant 10000 : i32
      %mul3A_18 = arith.muli %arg0, %mul3A_17 : i32
      %mul3A_19 = arith.constant 1000 : i32
      %mul3A_20 = arith.muli %arg1, %mul3A_19 : i32
      %add3A_21 = arith.addi %mul3A_18, %mul3A_20 : i32
      "tpu.region"() ({
        %run_scoped3A = tpu.sem_alloc : memref<!tpu.dma_semaphore, #tpu.memory_space<semaphore_mem>>
        %dma_start3A = arith.constant 0 : i32
        %dma_start3A_22 = tpu.memref_slice %arg7[%add3A_21, %dma_start3A] : memref<20000x128xf32, #tpu.memory_space<hbm>> -> memref<1000x128xf32, #tpu.memory_space<hbm>>
        %dma_start3A_23 = arith.constant 0 : i32
        %dma_start3A_24 = tpu.memref_slice %arg12[%mul3A_16, %dma_start3A_23] : memref<10000x128xf32, #tpu.memory_space<vmem_shared>> -> memref<1000x128xf32, #tpu.memory_space<vmem_shared>>
        tpu.enqueue_dma source(%dma_start3A_24 : memref<1000x128xf32, #tpu.memory_space<vmem_shared>>) target(%dma_start3A_22 : memref<1000x128xf32, #tpu.memory_space<hbm>>) target_semaphore(%run_scoped3A : memref<!tpu.dma_semaphore, #tpu.memory_space<semaphore_mem>>)
        %dma_wait3A = arith.constant 0 : i32
        %dma_wait3A_25 = tpu.memref_slice %arg7[%add3A_21, %dma_wait3A] : memref<20000x128xf32, #tpu.memory_space<hbm>> -> memref<1000x128xf32, #tpu.memory_space<hbm>>
        %dma_wait3A_26 = arith.constant 0 : i32
        %dma_wait3A_27 = tpu.memref_slice %arg12[%mul3A_16, %dma_wait3A_26] : memref<10000x128xf32, #tpu.memory_space<vmem_shared>> -> memref<1000x128xf32, #tpu.memory_space<vmem_shared>>
        tpu.wait_dma2 semaphore(%run_scoped3A : memref<!tpu.dma_semaphore, #tpu.memory_space<semaphore_mem>>) src(%dma_wait3A_27 : memref<1000x128xf32, #tpu.memory_space<vmem_shared>>) dst(%dma_wait3A_25 : memref<1000x128xf32, #tpu.memory_space<hbm>>)
        tpu.yield
      }) : () -> ()
    } else {
    }
    return
  }
}

#map = affine_map<(d0, d1) -> (0, 0)>
#map1 = affine_map<(d0, d1) -> (0)>
module attributes {stable_mosaic.version = 14 : i64} {
  func.func @_seg_body(%arg0: i32, %arg1: i32, %arg2: memref<10000x128xf32, #tpu.memory_space<hbm>>, %arg3: memref<160000x128xf32, #tpu.memory_space<hbm>>, %arg4: memref<160000xi32, #tpu.memory_space<hbm>>, %arg5: memref<160000xi32, #tpu.memory_space<hbm>>, %arg6: memref<1000x128xf32, #tpu.memory_space<hbm>>, %arg7: memref<20000x128xf32, #tpu.memory_space<hbm>>, %arg8: memref<128xi32, #tpu.memory_space<vmem>>, %arg9: memref<128xi32, #tpu.memory_space<vmem>>, %arg10: memref<128x128xf32, #tpu.memory_space<vmem>>, %arg11: memref<128x128xf32, #tpu.memory_space<vmem>>, %arg12: memref<10000x128xf32, #tpu.memory_space<vmem_shared>>) attributes {dimension_semantics = [#tpu.dimension_semantics<core_parallel>, #tpu.dimension_semantics<subcore_parallel>], iteration_bounds = array<i64: 2, 16>, scalar_prefetch = 0 : i64, scratch_operands = 5 : i64, tpu.core_type = #tpu.core_type<sc_vector_subcore>, window_params = [{transform_indices = #map}, {transform_indices = #map}, {transform_indices = #map1}, {transform_indices = #map1}, {transform_indices = #map}, {transform_indices = #map}]} {
    %mul3A = arith.constant 2 : i32
    %mul3A_0 = arith.muli %arg1, %mul3A : i32
    %add3A = arith.addi %mul3A_0, %arg0 : i32
    %lt3A = arith.constant 10 : i32
    %lt3A_1 = arith.cmpi slt, %arg1, %lt3A : i32
    %convert_element_type3A = arith.extui %lt3A_1 : i1 to i32
    %cond3A = arith.constant 0 : i32
    %cond3A_2 = arith.cmpi ne, %convert_element_type3A, %cond3A : i32
    scf.if %cond3A_2 {
      %mul3A_15 = arith.constant 1000 : i32
      %mul3A_16 = arith.muli %arg1, %mul3A_15 : i32
      "tpu.region"() ({
        %run_scoped3A = tpu.sem_alloc : memref<!tpu.dma_semaphore, #tpu.memory_space<semaphore_mem>>
        %dma_start3A = arith.constant 0 : i32
        %dma_start3A_17 = tpu.memref_slice %arg12[%mul3A_16, %dma_start3A] : memref<10000x128xf32, #tpu.memory_space<vmem_shared>> -> memref<1000x128xf32, #tpu.memory_space<vmem_shared>>
        tpu.enqueue_dma source(%arg6 : memref<1000x128xf32, #tpu.memory_space<hbm>>) target(%dma_start3A_17 : memref<1000x128xf32, #tpu.memory_space<vmem_shared>>) target_semaphore(%run_scoped3A : memref<!tpu.dma_semaphore, #tpu.memory_space<semaphore_mem>>)
        %dma_wait3A = arith.constant 0 : i32
        %dma_wait3A_18 = tpu.memref_slice %arg12[%mul3A_16, %dma_wait3A] : memref<10000x128xf32, #tpu.memory_space<vmem_shared>> -> memref<1000x128xf32, #tpu.memory_space<vmem_shared>>
        tpu.wait_dma2 semaphore(%run_scoped3A : memref<!tpu.dma_semaphore, #tpu.memory_space<semaphore_mem>>) src(%arg6 : memref<1000x128xf32, #tpu.memory_space<hbm>>) dst(%dma_wait3A_18 : memref<1000x128xf32, #tpu.memory_space<vmem_shared>>)
        tpu.yield
      }) : () -> ()
    } else {
    }
    %barrier3A = arith.constant 0 : index
    tpu.barrier barrier_id(%barrier3A)
    %scan3A = arith.constant 0 : i32
    %scan3A_3 = arith.constant 0 : i32
    %scan3A_4 = arith.constant 40 : i32
    %scan3A_5 = arith.addi %scan3A_3, %scan3A_4 : i32
    %scan3A_6 = arith.constant 1 : i32
    %scan3A_7 = scf.for %scan3A_15 = %scan3A_3 to %scan3A_5 step %scan3A_6 iter_args(%scan3A_16 = %scan3A) -> (i32)  : i32 {
      %mul3A_17 = arith.constant 32 : i32
      %mul3A_18 = arith.muli %scan3A_15, %mul3A_17 : i32
      %add3A_19 = arith.addi %mul3A_18, %add3A : i32
      %lt3A_20 = arith.constant 1250 : i32
      %lt3A_21 = arith.cmpi slt, %add3A_19, %lt3A_20 : i32
      %convert_element_type3A_22 = arith.extui %lt3A_21 : i1 to i32
      %cond3A_23 = arith.constant 0 : i32
      %cond3A_24 = arith.cmpi ne, %convert_element_type3A_22, %cond3A_23 : i32
      scf.if %cond3A_24 {
        %mul3A_26 = arith.constant 128 : i32
        %mul3A_27 = arith.muli %add3A_19, %mul3A_26 : i32
        "tpu.region"() ({
          %run_scoped3A = tpu.sem_alloc : memref<!tpu.dma_semaphore, #tpu.memory_space<semaphore_mem>>
          %dma_start3A = tpu.memref_slice %arg4[%mul3A_27] : memref<160000xi32, #tpu.memory_space<hbm>> -> memref<128xi32, #tpu.memory_space<hbm>>
          %dma_start3A_28 = tpu.memref_slice %arg4[%mul3A_27] : memref<160000xi32, #tpu.memory_space<hbm>> -> memref<128xi32, #tpu.memory_space<hbm>>
          tpu.enqueue_dma source(%dma_start3A_28 : memref<128xi32, #tpu.memory_space<hbm>>) target(%arg8 : memref<128xi32, #tpu.memory_space<vmem>>) target_semaphore(%run_scoped3A : memref<!tpu.dma_semaphore, #tpu.memory_space<semaphore_mem>>)
          %dma_wait3A = tpu.memref_slice %arg4[%mul3A_27] : memref<160000xi32, #tpu.memory_space<hbm>> -> memref<128xi32, #tpu.memory_space<hbm>>
          %dma_wait3A_29 = tpu.memref_slice %arg4[%mul3A_27] : memref<160000xi32, #tpu.memory_space<hbm>> -> memref<128xi32, #tpu.memory_space<hbm>>
          tpu.wait_dma2 semaphore(%run_scoped3A : memref<!tpu.dma_semaphore, #tpu.memory_space<semaphore_mem>>) src(%dma_wait3A_29 : memref<128xi32, #tpu.memory_space<hbm>>) dst(%arg8 : memref<128xi32, #tpu.memory_space<vmem>>)
          tpu.yield
        }) : () -> ()
        "tpu.region"() ({
          %run_scoped3A = tpu.sem_alloc : memref<!tpu.dma_semaphore, #tpu.memory_space<semaphore_mem>>
          %dma_start3A = tpu.memref_slice %arg5[%mul3A_27] : memref<160000xi32, #tpu.memory_space<hbm>> -> memref<128xi32, #tpu.memory_space<hbm>>
          %dma_start3A_28 = tpu.memref_slice %arg5[%mul3A_27] : memref<160000xi32, #tpu.memory_space<hbm>> -> memref<128xi32, #tpu.memory_space<hbm>>
          tpu.enqueue_dma source(%dma_start3A_28 : memref<128xi32, #tpu.memory_space<hbm>>) target(%arg9 : memref<128xi32, #tpu.memory_space<vmem>>) target_semaphore(%run_scoped3A : memref<!tpu.dma_semaphore, #tpu.memory_space<semaphore_mem>>)
          %dma_wait3A = tpu.memref_slice %arg5[%mul3A_27] : memref<160000xi32, #tpu.memory_space<hbm>> -> memref<128xi32, #tpu.memory_space<hbm>>
          %dma_wait3A_29 = tpu.memref_slice %arg5[%mul3A_27] : memref<160000xi32, #tpu.memory_space<hbm>> -> memref<128xi32, #tpu.memory_space<hbm>>
          tpu.wait_dma2 semaphore(%run_scoped3A : memref<!tpu.dma_semaphore, #tpu.memory_space<semaphore_mem>>) src(%dma_wait3A_29 : memref<128xi32, #tpu.memory_space<hbm>>) dst(%arg9 : memref<128xi32, #tpu.memory_space<vmem>>)
          tpu.yield
        }) : () -> ()
        "tpu.region"() ({
          %run_scoped3A = tpu.sem_alloc : memref<!tpu.dma_semaphore, #tpu.memory_space<semaphore_mem>>
          %dma_start3A = arith.constant 0 : i32
          %dma_start3A_28 = arith.constant 0 : i32
          %dma_start3A_29 = tpu.memref_slice %arg2[%dma_start3A, %dma_start3A_28] : memref<10000x128xf32, #tpu.memory_space<hbm>> -> memref<10000x128xf32, #tpu.memory_space<hbm>>
          tpu.enqueue_indirect_dma source(%dma_start3A_29 : memref<10000x128xf32, #tpu.memory_space<hbm>>) target(%arg10 : memref<128x128xf32, #tpu.memory_space<vmem>>) offsets(%arg8 : memref<128xi32, #tpu.memory_space<vmem>>) semaphore(%run_scoped3A : memref<!tpu.dma_semaphore, #tpu.memory_space<semaphore_mem>>)
          %dma_wait3A = arith.constant 0 : i32
          %dma_wait3A_30 = arith.constant 0 : i32
          %dma_wait3A_31 = tpu.memref_slice %arg2[%dma_wait3A, %dma_wait3A_30] : memref<10000x128xf32, #tpu.memory_space<hbm>> -> memref<10000x128xf32, #tpu.memory_space<hbm>>
          tpu.wait_indirect_dma semaphore(%run_scoped3A : memref<!tpu.dma_semaphore, #tpu.memory_space<semaphore_mem>>) src(%dma_wait3A_31 : memref<10000x128xf32, #tpu.memory_space<hbm>>) dst(%arg10 : memref<128x128xf32, #tpu.memory_space<vmem>>)
          tpu.yield
        }) : () -> ()
        "tpu.region"() ({
          %run_scoped3A = tpu.sem_alloc : memref<!tpu.dma_semaphore, #tpu.memory_space<semaphore_mem>>
          %dma_start3A = arith.constant 0 : i32
          %dma_start3A_28 = tpu.memref_slice %arg3[%mul3A_27, %dma_start3A] : memref<160000x128xf32, #tpu.memory_space<hbm>> -> memref<128x128xf32, #tpu.memory_space<hbm>>
          %dma_start3A_29 = arith.constant 0 : i32
          %dma_start3A_30 = tpu.memref_slice %arg3[%mul3A_27, %dma_start3A_29] : memref<160000x128xf32, #tpu.memory_space<hbm>> -> memref<128x128xf32, #tpu.memory_space<hbm>>
          tpu.enqueue_dma source(%dma_start3A_30 : memref<128x128xf32, #tpu.memory_space<hbm>>) target(%arg11 : memref<128x128xf32, #tpu.memory_space<vmem>>) target_semaphore(%run_scoped3A : memref<!tpu.dma_semaphore, #tpu.memory_space<semaphore_mem>>)
          %dma_wait3A = arith.constant 0 : i32
          %dma_wait3A_31 = tpu.memref_slice %arg3[%mul3A_27, %dma_wait3A] : memref<160000x128xf32, #tpu.memory_space<hbm>> -> memref<128x128xf32, #tpu.memory_space<hbm>>
          %dma_wait3A_32 = arith.constant 0 : i32
          %dma_wait3A_33 = tpu.memref_slice %arg3[%mul3A_27, %dma_wait3A_32] : memref<160000x128xf32, #tpu.memory_space<hbm>> -> memref<128x128xf32, #tpu.memory_space<hbm>>
          tpu.wait_dma2 semaphore(%run_scoped3A : memref<!tpu.dma_semaphore, #tpu.memory_space<semaphore_mem>>) src(%dma_wait3A_33 : memref<128x128xf32, #tpu.memory_space<hbm>>) dst(%arg11 : memref<128x128xf32, #tpu.memory_space<vmem>>)
          tpu.yield
        }) : () -> ()
        "tpu.region"() ({
          %run_scoped3A = tpu.sem_alloc : memref<!tpu.dma_semaphore, #tpu.memory_space<semaphore_mem>>
          %dma_start3A = arith.constant 0 : i32
          %dma_start3A_28 = arith.constant 0 : i32
          %dma_start3A_29 = tpu.memref_slice %arg12[%dma_start3A, %dma_start3A_28] : memref<10000x128xf32, #tpu.memory_space<vmem_shared>> -> memref<10000x128xf32, #tpu.memory_space<vmem_shared>>
          tpu.enqueue_indirect_dma source(%arg10 : memref<128x128xf32, #tpu.memory_space<vmem>>) target(%dma_start3A_29 : memref<10000x128xf32, #tpu.memory_space<vmem_shared>>) offsets(%arg9 : memref<128xi32, #tpu.memory_space<vmem>>) semaphore(%run_scoped3A : memref<!tpu.dma_semaphore, #tpu.memory_space<semaphore_mem>>) {add = true}
          %dma_wait3A = arith.constant 0 : i32
          %dma_wait3A_30 = arith.constant 0 : i32
          %dma_wait3A_31 = tpu.memref_slice %arg12[%dma_wait3A, %dma_wait3A_30] : memref<10000x128xf32, #tpu.memory_space<vmem_shared>> -> memref<10000x128xf32, #tpu.memory_space<vmem_shared>>
          tpu.wait_indirect_dma semaphore(%run_scoped3A : memref<!tpu.dma_semaphore, #tpu.memory_space<semaphore_mem>>) src(%arg10 : memref<128x128xf32, #tpu.memory_space<vmem>>) dst(%dma_wait3A_31 : memref<10000x128xf32, #tpu.memory_space<vmem_shared>>)
          tpu.yield
        }) : () -> ()
        "tpu.region"() ({
          %run_scoped3A = tpu.sem_alloc : memref<!tpu.dma_semaphore, #tpu.memory_space<semaphore_mem>>
          %dma_start3A = arith.constant 0 : i32
          %dma_start3A_28 = arith.constant 0 : i32
          %dma_start3A_29 = tpu.memref_slice %arg12[%dma_start3A, %dma_start3A_28] : memref<10000x128xf32, #tpu.memory_space<vmem_shared>> -> memref<10000x128xf32, #tpu.memory_space<vmem_shared>>
          tpu.enqueue_indirect_dma source(%arg11 : memref<128x128xf32, #tpu.memory_space<vmem>>) target(%dma_start3A_29 : memref<10000x128xf32, #tpu.memory_space<vmem_shared>>) offsets(%arg9 : memref<128xi32, #tpu.memory_space<vmem>>) semaphore(%run_scoped3A : memref<!tpu.dma_semaphore, #tpu.memory_space<semaphore_mem>>) {add = true}
          %dma_wait3A = arith.constant 0 : i32
          %dma_wait3A_30 = arith.constant 0 : i32
          %dma_wait3A_31 = tpu.memref_slice %arg12[%dma_wait3A, %dma_wait3A_30] : memref<10000x128xf32, #tpu.memory_space<vmem_shared>> -> memref<10000x128xf32, #tpu.memory_space<vmem_shared>>
          tpu.wait_indirect_dma semaphore(%run_scoped3A : memref<!tpu.dma_semaphore, #tpu.memory_space<semaphore_mem>>) src(%arg11 : memref<128x128xf32, #tpu.memory_space<vmem>>) dst(%dma_wait3A_31 : memref<10000x128xf32, #tpu.memory_space<vmem_shared>>)
          tpu.yield
        }) : () -> ()
      } else {
      }
      %scan3A_25 = arith.constant 0 : i32
      scf.yield %scan3A_25 : i32
    }
    %scan3A_8 = arith.constant 40 : i32
    %barrier3A_9 = arith.constant 0 : index
    tpu.barrier barrier_id(%barrier3A_9)
    %lt3A_10 = arith.constant 10 : i32
    %lt3A_11 = arith.cmpi slt, %arg1, %lt3A_10 : i32
    %convert_element_type3A_12 = arith.extui %lt3A_11 : i1 to i32
    %cond3A_13 = arith.constant 0 : i32
    %cond3A_14 = arith.cmpi ne, %convert_element_type3A_12, %cond3A_13 : i32
    scf.if %cond3A_14 {
      %mul3A_15 = arith.constant 1000 : i32
      %mul3A_16 = arith.muli %arg1, %mul3A_15 : i32
      %mul3A_17 = arith.constant 10000 : i32
      %mul3A_18 = arith.muli %arg0, %mul3A_17 : i32
      %mul3A_19 = arith.constant 1000 : i32
      %mul3A_20 = arith.muli %arg1, %mul3A_19 : i32
      %add3A_21 = arith.addi %mul3A_18, %mul3A_20 : i32
      "tpu.region"() ({
        %run_scoped3A = tpu.sem_alloc : memref<!tpu.dma_semaphore, #tpu.memory_space<semaphore_mem>>
        %dma_start3A = arith.constant 0 : i32
        %dma_start3A_22 = tpu.memref_slice %arg7[%add3A_21, %dma_start3A] : memref<20000x128xf32, #tpu.memory_space<hbm>> -> memref<1000x128xf32, #tpu.memory_space<hbm>>
        %dma_start3A_23 = arith.constant 0 : i32
        %dma_start3A_24 = tpu.memref_slice %arg12[%mul3A_16, %dma_start3A_23] : memref<10000x128xf32, #tpu.memory_space<vmem_shared>> -> memref<1000x128xf32, #tpu.memory_space<vmem_shared>>
        tpu.enqueue_dma source(%dma_start3A_24 : memref<1000x128xf32, #tpu.memory_space<vmem_shared>>) target(%dma_start3A_22 : memref<1000x128xf32, #tpu.memory_space<hbm>>) target_semaphore(%run_scoped3A : memref<!tpu.dma_semaphore, #tpu.memory_space<semaphore_mem>>)
        %dma_wait3A = arith.constant 0 : i32
        %dma_wait3A_25 = tpu.memref_slice %arg7[%add3A_21, %dma_wait3A] : memref<20000x128xf32, #tpu.memory_space<hbm>> -> memref<1000x128xf32, #tpu.memory_space<hbm>>
        %dma_wait3A_26 = arith.constant 0 : i32
        %dma_wait3A_27 = tpu.memref_slice %arg12[%mul3A_16, %dma_wait3A_26] : memref<10000x128xf32, #tpu.memory_space<vmem_shared>> -> memref<1000x128xf32, #tpu.memory_space<vmem_shared>>
        tpu.wait_dma2 semaphore(%run_scoped3A : memref<!tpu.dma_semaphore, #tpu.memory_space<semaphore_mem>>) src(%dma_wait3A_27 : memref<1000x128xf32, #tpu.memory_space<vmem_shared>>) dst(%dma_wait3A_25 : memref<1000x128xf32, #tpu.memory_space<hbm>>)
        tpu.yield
      }) : () -> ()
    } else {
    }
    return
  }
}

#map = affine_map<(d0, d1) -> (0, 0)>
#map1 = affine_map<(d0, d1) -> (0)>
module attributes {stable_mosaic.version = 14 : i64} {
  func.func @_g2_body(%arg0: i32, %arg1: i32, %arg2: memref<10000x128xf32, #tpu.memory_space<hbm>>, %arg3: memref<160000xi32, #tpu.memory_space<hbm>>, %arg4: memref<160000xi32, #tpu.memory_space<hbm>>, %arg5: memref<160000x128xf32, #tpu.memory_space<hbm>>, %arg6: memref<160000x128xf32, #tpu.memory_space<hbm>>, %arg7: memref<128xi32, #tpu.memory_space<vmem>>, %arg8: memref<128xi32, #tpu.memory_space<vmem>>, %arg9: memref<128x128xf32, #tpu.memory_space<vmem>>, %arg10: memref<128x128xf32, #tpu.memory_space<vmem>>) attributes {dimension_semantics = [#tpu.dimension_semantics<core_parallel>, #tpu.dimension_semantics<subcore_parallel>], iteration_bounds = array<i64: 2, 16>, scalar_prefetch = 0 : i64, scratch_operands = 4 : i64, tpu.core_type = #tpu.core_type<sc_vector_subcore>, window_params = [{transform_indices = #map}, {transform_indices = #map1}, {transform_indices = #map1}, {transform_indices = #map}, {transform_indices = #map}]} {
    %mul3A = arith.constant 2 : i32
    %mul3A_0 = arith.muli %arg1, %mul3A : i32
    %add3A = arith.addi %mul3A_0, %arg0 : i32
    %scan3A = arith.constant 0 : i32
    %scan3A_1 = arith.constant 0 : i32
    %scan3A_2 = arith.constant 40 : i32
    %scan3A_3 = arith.addi %scan3A_1, %scan3A_2 : i32
    %scan3A_4 = arith.constant 1 : i32
    %scan3A_5 = scf.for %scan3A_7 = %scan3A_1 to %scan3A_3 step %scan3A_4 iter_args(%scan3A_8 = %scan3A) -> (i32)  : i32 {
      %mul3A_9 = arith.constant 32 : i32
      %mul3A_10 = arith.muli %scan3A_7, %mul3A_9 : i32
      %add3A_11 = arith.addi %mul3A_10, %add3A : i32
      %lt3A = arith.constant 1250 : i32
      %lt3A_12 = arith.cmpi slt, %add3A_11, %lt3A : i32
      %convert_element_type3A = arith.extui %lt3A_12 : i1 to i32
      %cond3A = arith.constant 0 : i32
      %cond3A_13 = arith.cmpi ne, %convert_element_type3A, %cond3A : i32
      scf.if %cond3A_13 {
        %mul3A_15 = arith.constant 128 : i32
        %mul3A_16 = arith.muli %add3A_11, %mul3A_15 : i32
        "tpu.region"() ({
          %run_scoped3A = tpu.sem_alloc : memref<!tpu.dma_semaphore, #tpu.memory_space<semaphore_mem>>
          %dma_start3A = tpu.memref_slice %arg3[%mul3A_16] : memref<160000xi32, #tpu.memory_space<hbm>> -> memref<128xi32, #tpu.memory_space<hbm>>
          %dma_start3A_17 = tpu.memref_slice %arg3[%mul3A_16] : memref<160000xi32, #tpu.memory_space<hbm>> -> memref<128xi32, #tpu.memory_space<hbm>>
          tpu.enqueue_dma source(%dma_start3A_17 : memref<128xi32, #tpu.memory_space<hbm>>) target(%arg7 : memref<128xi32, #tpu.memory_space<vmem>>) target_semaphore(%run_scoped3A : memref<!tpu.dma_semaphore, #tpu.memory_space<semaphore_mem>>)
          %dma_wait3A = tpu.memref_slice %arg3[%mul3A_16] : memref<160000xi32, #tpu.memory_space<hbm>> -> memref<128xi32, #tpu.memory_space<hbm>>
          %dma_wait3A_18 = tpu.memref_slice %arg3[%mul3A_16] : memref<160000xi32, #tpu.memory_space<hbm>> -> memref<128xi32, #tpu.memory_space<hbm>>
          tpu.wait_dma2 semaphore(%run_scoped3A : memref<!tpu.dma_semaphore, #tpu.memory_space<semaphore_mem>>) src(%dma_wait3A_18 : memref<128xi32, #tpu.memory_space<hbm>>) dst(%arg7 : memref<128xi32, #tpu.memory_space<vmem>>)
          tpu.yield
        }) : () -> ()
        "tpu.region"() ({
          %run_scoped3A = tpu.sem_alloc : memref<!tpu.dma_semaphore, #tpu.memory_space<semaphore_mem>>
          %dma_start3A = tpu.memref_slice %arg4[%mul3A_16] : memref<160000xi32, #tpu.memory_space<hbm>> -> memref<128xi32, #tpu.memory_space<hbm>>
          %dma_start3A_17 = tpu.memref_slice %arg4[%mul3A_16] : memref<160000xi32, #tpu.memory_space<hbm>> -> memref<128xi32, #tpu.memory_space<hbm>>
          tpu.enqueue_dma source(%dma_start3A_17 : memref<128xi32, #tpu.memory_space<hbm>>) target(%arg8 : memref<128xi32, #tpu.memory_space<vmem>>) target_semaphore(%run_scoped3A : memref<!tpu.dma_semaphore, #tpu.memory_space<semaphore_mem>>)
          %dma_wait3A = tpu.memref_slice %arg4[%mul3A_16] : memref<160000xi32, #tpu.memory_space<hbm>> -> memref<128xi32, #tpu.memory_space<hbm>>
          %dma_wait3A_18 = tpu.memref_slice %arg4[%mul3A_16] : memref<160000xi32, #tpu.memory_space<hbm>> -> memref<128xi32, #tpu.memory_space<hbm>>
          tpu.wait_dma2 semaphore(%run_scoped3A : memref<!tpu.dma_semaphore, #tpu.memory_space<semaphore_mem>>) src(%dma_wait3A_18 : memref<128xi32, #tpu.memory_space<hbm>>) dst(%arg8 : memref<128xi32, #tpu.memory_space<vmem>>)
          tpu.yield
        }) : () -> ()
        "tpu.region"() ({
          %run_scoped3A = tpu.sem_alloc : memref<!tpu.dma_semaphore, #tpu.memory_space<semaphore_mem>>
          %dma_start3A = arith.constant 0 : i32
          %dma_start3A_17 = arith.constant 0 : i32
          %dma_start3A_18 = tpu.memref_slice %arg2[%dma_start3A, %dma_start3A_17] : memref<10000x128xf32, #tpu.memory_space<hbm>> -> memref<10000x128xf32, #tpu.memory_space<hbm>>
          tpu.enqueue_indirect_dma source(%dma_start3A_18 : memref<10000x128xf32, #tpu.memory_space<hbm>>) target(%arg9 : memref<128x128xf32, #tpu.memory_space<vmem>>) offsets(%arg7 : memref<128xi32, #tpu.memory_space<vmem>>) semaphore(%run_scoped3A : memref<!tpu.dma_semaphore, #tpu.memory_space<semaphore_mem>>)
          %dma_wait3A = arith.constant 0 : i32
          %dma_wait3A_19 = arith.constant 0 : i32
          %dma_wait3A_20 = tpu.memref_slice %arg2[%dma_wait3A, %dma_wait3A_19] : memref<10000x128xf32, #tpu.memory_space<hbm>> -> memref<10000x128xf32, #tpu.memory_space<hbm>>
          tpu.wait_indirect_dma semaphore(%run_scoped3A : memref<!tpu.dma_semaphore, #tpu.memory_space<semaphore_mem>>) src(%dma_wait3A_20 : memref<10000x128xf32, #tpu.memory_space<hbm>>) dst(%arg9 : memref<128x128xf32, #tpu.memory_space<vmem>>)
          tpu.yield
        }) : () -> ()
        "tpu.region"() ({
          %run_scoped3A = tpu.sem_alloc : memref<!tpu.dma_semaphore, #tpu.memory_space<semaphore_mem>>
          %dma_start3A = arith.constant 0 : i32
          %dma_start3A_17 = arith.constant 0 : i32
          %dma_start3A_18 = tpu.memref_slice %arg2[%dma_start3A, %dma_start3A_17] : memref<10000x128xf32, #tpu.memory_space<hbm>> -> memref<10000x128xf32, #tpu.memory_space<hbm>>
          tpu.enqueue_indirect_dma source(%dma_start3A_18 : memref<10000x128xf32, #tpu.memory_space<hbm>>) target(%arg10 : memref<128x128xf32, #tpu.memory_space<vmem>>) offsets(%arg8 : memref<128xi32, #tpu.memory_space<vmem>>) semaphore(%run_scoped3A : memref<!tpu.dma_semaphore, #tpu.memory_space<semaphore_mem>>)
          %dma_wait3A = arith.constant 0 : i32
          %dma_wait3A_19 = arith.constant 0 : i32
          %dma_wait3A_20 = tpu.memref_slice %arg2[%dma_wait3A, %dma_wait3A_19] : memref<10000x128xf32, #tpu.memory_space<hbm>> -> memref<10000x128xf32, #tpu.memory_space<hbm>>
          tpu.wait_indirect_dma semaphore(%run_scoped3A : memref<!tpu.dma_semaphore, #tpu.memory_space<semaphore_mem>>) src(%dma_wait3A_20 : memref<10000x128xf32, #tpu.memory_space<hbm>>) dst(%arg10 : memref<128x128xf32, #tpu.memory_space<vmem>>)
          tpu.yield
        }) : () -> ()
        "tpu.region"() ({
          %run_scoped3A = tpu.sem_alloc : memref<!tpu.dma_semaphore, #tpu.memory_space<semaphore_mem>>
          %dma_start3A = arith.constant 0 : i32
          %dma_start3A_17 = tpu.memref_slice %arg5[%mul3A_16, %dma_start3A] : memref<160000x128xf32, #tpu.memory_space<hbm>> -> memref<128x128xf32, #tpu.memory_space<hbm>>
          %dma_start3A_18 = arith.constant 0 : i32
          %dma_start3A_19 = tpu.memref_slice %arg5[%mul3A_16, %dma_start3A_18] : memref<160000x128xf32, #tpu.memory_space<hbm>> -> memref<128x128xf32, #tpu.memory_space<hbm>>
          tpu.enqueue_dma source(%arg9 : memref<128x128xf32, #tpu.memory_space<vmem>>) target(%dma_start3A_19 : memref<128x128xf32, #tpu.memory_space<hbm>>) target_semaphore(%run_scoped3A : memref<!tpu.dma_semaphore, #tpu.memory_space<semaphore_mem>>)
          %dma_wait3A = arith.constant 0 : i32
          %dma_wait3A_20 = tpu.memref_slice %arg5[%mul3A_16, %dma_wait3A] : memref<160000x128xf32, #tpu.memory_space<hbm>> -> memref<128x128xf32, #tpu.memory_space<hbm>>
          %dma_wait3A_21 = arith.constant 0 : i32
          %dma_wait3A_22 = tpu.memref_slice %arg5[%mul3A_16, %dma_wait3A_21] : memref<160000x128xf32, #tpu.memory_space<hbm>> -> memref<128x128xf32, #tpu.memory_space<hbm>>
          tpu.wait_dma2 semaphore(%run_scoped3A : memref<!tpu.dma_semaphore, #tpu.memory_space<semaphore_mem>>) src(%arg9 : memref<128x128xf32, #tpu.memory_space<vmem>>) dst(%dma_wait3A_22 : memref<128x128xf32, #tpu.memory_space<hbm>>)
          tpu.yield
        }) : () -> ()
        "tpu.region"() ({
          %run_scoped3A = tpu.sem_alloc : memref<!tpu.dma_semaphore, #tpu.memory_space<semaphore_mem>>
          %dma_start3A = arith.constant 0 : i32
          %dma_start3A_17 = tpu.memref_slice %arg6[%mul3A_16, %dma_start3A] : memref<160000x128xf32, #tpu.memory_space<hbm>> -> memref<128x128xf32, #tpu.memory_space<hbm>>
          %dma_start3A_18 = arith.constant 0 : i32
          %dma_start3A_19 = tpu.memref_slice %arg6[%mul3A_16, %dma_start3A_18] : memref<160000x128xf32, #tpu.memory_space<hbm>> -> memref<128x128xf32, #tpu.memory_space<hbm>>
          tpu.enqueue_dma source(%arg10 : memref<128x128xf32, #tpu.memory_space<vmem>>) target(%dma_start3A_19 : memref<128x128xf32, #tpu.memory_space<hbm>>) target_semaphore(%run_scoped3A : memref<!tpu.dma_semaphore, #tpu.memory_space<semaphore_mem>>)
          %dma_wait3A = arith.constant 0 : i32
          %dma_wait3A_20 = tpu.memref_slice %arg6[%mul3A_16, %dma_wait3A] : memref<160000x128xf32, #tpu.memory_space<hbm>> -> memref<128x128xf32, #tpu.memory_space<hbm>>
          %dma_wait3A_21 = arith.constant 0 : i32
          %dma_wait3A_22 = tpu.memref_slice %arg6[%mul3A_16, %dma_wait3A_21] : memref<160000x128xf32, #tpu.memory_space<hbm>> -> memref<128x128xf32, #tpu.memory_space<hbm>>
          tpu.wait_dma2 semaphore(%run_scoped3A : memref<!tpu.dma_semaphore, #tpu.memory_space<semaphore_mem>>) src(%arg10 : memref<128x128xf32, #tpu.memory_space<vmem>>) dst(%dma_wait3A_22 : memref<128x128xf32, #tpu.memory_space<hbm>>)
          tpu.yield
        }) : () -> ()
      } else {
      }
      %scan3A_14 = arith.constant 0 : i32
      scf.yield %scan3A_14 : i32
    }
    %scan3A_6 = arith.constant 40 : i32
    return
  }
}

module attributes {stable_mosaic.version = 14 : i64} {
  func.func @_curve_body(%arg0: i32, %arg1: memref<256x30xf32, #tpu.memory_space<vmem>>, %arg2: memref<30x640xf32, #tpu.memory_space<vmem>>, %arg3: memref<3x64x128xf32, #tpu.memory_space<vmem>>, %arg4: memref<3x128x256xf32, #tpu.memory_space<vmem>>, %arg5: memref<256x64xf32, #tpu.memory_space<vmem>>, %arg6: memref<64x128xf32, #tpu.memory_space<vmem>>, %arg7: memref<1x128xf32, #tpu.memory_space<vmem>>, %arg8: memref<256x64xf32, #tpu.memory_space<vmem>>, %arg9: memref<256x128xf32, #tpu.memory_space<vmem>>, %arg10: memref<3072x64xf32, #tpu.memory_space<vmem>>, %arg11: memref<3072x128xf32, #tpu.memory_space<vmem>>, %arg12: memref<3072x256xf32, #tpu.memory_space<vmem>>) attributes {dimension_semantics = [#tpu.dimension_semantics<arbitrary>], iteration_bounds = array<i64: 625>, scalar_prefetch = 0 : i64, scratch_operands = 3 : i64, tpu.core_type = #tpu.core_type<tc>, window_params = [{transform_indices = @transform_0, window_bounds = array<i64: 256, 30>}, {pipeline_mode = #tpu.pipeline_mode<synchronous>, transform_indices = @transform_1, window_bounds = array<i64: 30, 640>}, {pipeline_mode = #tpu.pipeline_mode<synchronous>, transform_indices = @transform_2, window_bounds = array<i64: 3, 64, 128>}, {pipeline_mode = #tpu.pipeline_mode<synchronous>, transform_indices = @transform_3, window_bounds = array<i64: 3, 128, 256>}, {pipeline_mode = #tpu.pipeline_mode<synchronous>, transform_indices = @transform_4, window_bounds = array<i64: 256, 64>}, {pipeline_mode = #tpu.pipeline_mode<synchronous>, transform_indices = @transform_5, window_bounds = array<i64: 64, 128>}, {pipeline_mode = #tpu.pipeline_mode<synchronous>, transform_indices = @transform_6, window_bounds = array<i64: 1, 128>}, {transform_indices = @transform_7, window_bounds = array<i64: 256, 64>}, {transform_indices = @transform_8, window_bounds = array<i64: 256, 128>}]} {
    %get3A = arith.constant 0 : index
    %get3A_0 = arith.constant 0 : index
    %get3A_1 = vector.load %arg1[%get3A, %get3A_0] : memref<256x30xf32, #tpu.memory_space<vmem>>, vector<256x30xf32>
    %get3A_2 = arith.constant 0 : index
    %get3A_3 = arith.constant 0 : index
    %get3A_4 = vector.load %arg2[%get3A_2, %get3A_3] : memref<30x640xf32, #tpu.memory_space<vmem>>, vector<30x640xf32>
    %dot_general3A = arith.constant dense<0.000000e+00> : vector<256x640xf32>
    %dot_general3A_5 = tpu.matmul %get3A_1, %get3A_4, %dot_general3A {dimension_numbers = #tpu.dot_dimension_numbers<[1], [0], [0], [1], [0, 0, 1, 1], [], []>, transpose_lhs_hint = false} : vector<256x30xf32>, vector<30x640xf32>, vector<256x640xf32> -> vector<256x640xf32>
    %mul3A = arith.constant 0.999994993 : f32
    %mul3A_6 = vector.broadcast %mul3A : f32 to vector<256x640xf32>
    %mul3A_7 = arith.mulf %dot_general3A_5, %mul3A_6 : vector<256x640xf32>
    %ge3A = arith.constant 0.000000e+00 : f32
    %ge3A_8 = vector.broadcast %ge3A : f32 to vector<256x640xf32>
    %ge3A_9 = arith.cmpf oge, %mul3A_7, %ge3A_8 : vector<256x640xf32>
    %mul3A_10 = arith.constant 0.00999999977 : f32
    %mul3A_11 = vector.broadcast %mul3A_10 : f32 to vector<256x640xf32>
    %mul3A_12 = arith.mulf %mul3A_11, %mul3A_7 : vector<256x640xf32>
    %select_n3A = arith.select %ge3A_9, %mul3A_7, %mul3A_12 : vector<256x640xi1>, vector<256x640xf32>
    %broadcast_in_dim3A = arith.constant 0.000000e+00 : f32
    %broadcast_in_dim3A_13 = vector.broadcast %broadcast_in_dim3A : f32 to vector<256x64xf32>
    %swap3A = arith.constant 0 : index
    %swap3A_14 = arith.constant 0 : index
    %swap3A_15 = vector.load %arg10[%swap3A, %swap3A_14] : memref<3072x64xf32, #tpu.memory_space<vmem>>, vector<256x64xf32>
    tpu.vector_store %arg10[%swap3A, %swap3A_14], %broadcast_in_dim3A_13 {strides = array<i32>} : memref<3072x64xf32, #tpu.memory_space<vmem>>, vector<256x64xf32>,
    %broadcast_in_dim3A_16 = arith.constant 0.000000e+00 : f32
    %broadcast_in_dim3A_17 = vector.broadcast %broadcast_in_dim3A_16 : f32 to vector<256x64xf32>
    %swap3A_18 = arith.constant 2816 : index
    %swap3A_19 = arith.constant 0 : index
    %swap3A_20 = vector.load %arg10[%swap3A_18, %swap3A_19] : memref<3072x64xf32, #tpu.memory_space<vmem>>, vector<256x64xf32>
    tpu.vector_store %arg10[%swap3A_18, %swap3A_19], %broadcast_in_dim3A_17 {strides = array<i32>} : memref<3072x64xf32, #tpu.memory_space<vmem>>, vector<256x64xf32>,
    %slice3A = vector.extract_strided_slice %select_n3A {offsets = [0, 0], sizes = [256, 64], strides = [1, 1]} : vector<256x640xf32> to vector<256x64xf32>
    %swap3A_21 = arith.constant 256 : index
    %swap3A_22 = arith.constant 0 : index
    %swap3A_23 = vector.load %arg10[%swap3A_21, %swap3A_22] : memref<3072x64xf32, #tpu.memory_space<vmem>>, vector<256x64xf32>
    tpu.vector_store %arg10[%swap3A_21, %swap3A_22], %slice3A {strides = array<i32>} : memref<3072x64xf32, #tpu.memory_space<vmem>>, vector<256x64xf32>,
    %slice3A_24 = vector.extract_strided_slice %select_n3A {offsets = [0, 64], sizes = [256, 64], strides = [1, 1]} : vector<256x640xf32> to vector<256x64xf32>
    %swap3A_25 = arith.constant 512 : index
    %swap3A_26 = arith.constant 0 : index
    %swap3A_27 = vector.load %arg10[%swap3A_25, %swap3A_26] : memref<3072x64xf32, #tpu.memory_space<vmem>>, vector<256x64xf32>
    tpu.vector_store %arg10[%swap3A_25, %swap3A_26], %slice3A_24 {strides = array<i32>} : memref<3072x64xf32, #tpu.memory_space<vmem>>, vector<256x64xf32>,
    %slice3A_28 = vector.extract_strided_slice %select_n3A {offsets = [0, 128], sizes = [256, 64], strides = [1, 1]} : vector<256x640xf32> to vector<256x64xf32>
    %swap3A_29 = arith.constant 768 : index
    %swap3A_30 = arith.constant 0 : index
    %swap3A_31 = vector.load %arg10[%swap3A_29, %swap3A_30] : memref<3072x64xf32, #tpu.memory_space<vmem>>, vector<256x64xf32>
    tpu.vector_store %arg10[%swap3A_29, %swap3A_30], %slice3A_28 {strides = array<i32>} : memref<3072x64xf32, #tpu.memory_space<vmem>>, vector<256x64xf32>,
    %slice3A_32 = vector.extract_strided_slice %select_n3A {offsets = [0, 192], sizes = [256, 64], strides = [1, 1]} : vector<256x640xf32> to vector<256x64xf32>
    %swap3A_33 = arith.constant 1024 : index
    %swap3A_34 = arith.constant 0 : index
    %swap3A_35 = vector.load %arg10[%swap3A_33, %swap3A_34] : memref<3072x64xf32, #tpu.memory_space<vmem>>, vector<256x64xf32>
    tpu.vector_store %arg10[%swap3A_33, %swap3A_34], %slice3A_32 {strides = array<i32>} : memref<3072x64xf32, #tpu.memory_space<vmem>>, vector<256x64xf32>,
    %slice3A_36 = vector.extract_strided_slice %select_n3A {offsets = [0, 256], sizes = [256, 64], strides = [1, 1]} : vector<256x640xf32> to vector<256x64xf32>
    %swap3A_37 = arith.constant 1280 : index
    %swap3A_38 = arith.constant 0 : index
    %swap3A_39 = vector.load %arg10[%swap3A_37, %swap3A_38] : memref<3072x64xf32, #tpu.memory_space<vmem>>, vector<256x64xf32>
    tpu.vector_store %arg10[%swap3A_37, %swap3A_38], %slice3A_36 {strides = array<i32>} : memref<3072x64xf32, #tpu.memory_space<vmem>>, vector<256x64xf32>,
    %slice3A_40 = vector.extract_strided_slice %select_n3A {offsets = [0, 320], sizes = [256, 64], strides = [1, 1]} : vector<256x640xf32> to vector<256x64xf32>
    %swap3A_41 = arith.constant 1536 : index
    %swap3A_42 = arith.constant 0 : index
    %swap3A_43 = vector.load %arg10[%swap3A_41, %swap3A_42] : memref<3072x64xf32, #tpu.memory_space<vmem>>, vector<256x64xf32>
    tpu.vector_store %arg10[%swap3A_41, %swap3A_42], %slice3A_40 {strides = array<i32>} : memref<3072x64xf32, #tpu.memory_space<vmem>>, vector<256x64xf32>,
    %slice3A_44 = vector.extract_strided_slice %select_n3A {offsets = [0, 384], sizes = [256, 64], strides = [1, 1]} : vector<256x640xf32> to vector<256x64xf32>
    %swap3A_45 = arith.constant 1792 : index
    %swap3A_46 = arith.constant 0 : index
    %swap3A_47 = vector.load %arg10[%swap3A_45, %swap3A_46] : memref<3072x64xf32, #tpu.memory_space<vmem>>, vector<256x64xf32>
    tpu.vector_store %arg10[%swap3A_45, %swap3A_46], %slice3A_44 {strides = array<i32>} : memref<3072x64xf32, #tpu.memory_space<vmem>>, vector<256x64xf32>,
    %slice3A_48 = vector.extract_strided_slice %select_n3A {offsets = [0, 448], sizes = [256, 64], strides = [1, 1]} : vector<256x640xf32> to vector<256x64xf32>
    %swap3A_49 = arith.constant 2048 : index
    %swap3A_50 = arith.constant 0 : index
    %swap3A_51 = vector.load %arg10[%swap3A_49, %swap3A_50] : memref<3072x64xf32, #tpu.memory_space<vmem>>, vector<256x64xf32>
    tpu.vector_store %arg10[%swap3A_49, %swap3A_50], %slice3A_48 {strides = array<i32>} : memref<3072x64xf32, #tpu.memory_space<vmem>>, vector<256x64xf32>,
    %slice3A_52 = vector.extract_strided_slice %select_n3A {offsets = [0, 512], sizes = [256, 64], strides = [1, 1]} : vector<256x640xf32> to vector<256x64xf32>
    %swap3A_53 = arith.constant 2304 : index
    %swap3A_54 = arith.constant 0 : index
    %swap3A_55 = vector.load %arg10[%swap3A_53, %swap3A_54] : memref<3072x64xf32, #tpu.memory_space<vmem>>, vector<256x64xf32>
    tpu.vector_store %arg10[%swap3A_53, %swap3A_54], %slice3A_52 {strides = array<i32>} : memref<3072x64xf32, #tpu.memory_space<vmem>>, vector<256x64xf32>,
    %slice3A_56 = vector.extract_strided_slice %select_n3A {offsets = [0, 576], sizes = [256, 64], strides = [1, 1]} : vector<256x640xf32> to vector<256x64xf32>
    %swap3A_57 = arith.constant 2560 : index
    %swap3A_58 = arith.constant 0 : index
    %swap3A_59 = vector.load %arg10[%swap3A_57, %swap3A_58] : memref<3072x64xf32, #tpu.memory_space<vmem>>, vector<256x64xf32>
    tpu.vector_store %arg10[%swap3A_57, %swap3A_58], %slice3A_56 {strides = array<i32>} : memref<3072x64xf32, #tpu.memory_space<vmem>>, vector<256x64xf32>,
    %get3A_60 = arith.constant 0 : index
    %get3A_61 = arith.constant 0 : index
    %get3A_62 = vector.load %arg10[%get3A_60, %get3A_61] : memref<3072x64xf32, #tpu.memory_space<vmem>>, vector<2560x64xf32>
    %get3A_63 = arith.constant 0 : index
    %get3A_64 = arith.constant 0 : index
    %get3A_65 = arith.constant 0 : index
    %get3A_66 = vector.load %arg3[%get3A_63, %get3A_64, %get3A_65] : memref<3x64x128xf32, #tpu.memory_space<vmem>>, vector<1x64x128xf32>
    %get3A_67 = vector.shape_cast %get3A_66 : vector<1x64x128xf32> to vector<64x128xf32>
    %dot_general3A_68 = arith.constant dense<0.000000e+00> : vector<2560x128xf32>
    %dot_general3A_69 = tpu.matmul %get3A_62, %get3A_67, %dot_general3A_68 {dimension_numbers = #tpu.dot_dimension_numbers<[1], [0], [0], [1], [0, 0, 1, 1], [], []>, transpose_lhs_hint = false} : vector<2560x64xf32>, vector<64x128xf32>, vector<2560x128xf32> -> vector<2560x128xf32>
    %get3A_70 = arith.constant 256 : index
    %get3A_71 = arith.constant 0 : index
    %get3A_72 = vector.load %arg10[%get3A_70, %get3A_71] : memref<3072x64xf32, #tpu.memory_space<vmem>>, vector<2560x64xf32>
    %get3A_73 = arith.constant 1 : index
    %get3A_74 = arith.constant 0 : index
    %get3A_75 = arith.constant 0 : index
    %get3A_76 = vector.load %arg3[%get3A_73, %get3A_74, %get3A_75] : memref<3x64x128xf32, #tpu.memory_space<vmem>>, vector<1x64x128xf32>
    %get3A_77 = vector.shape_cast %get3A_76 : vector<1x64x128xf32> to vector<64x128xf32>
    %dot_general3A_78 = arith.constant dense<0.000000e+00> : vector<2560x128xf32>
    %dot_general3A_79 = tpu.matmul %get3A_72, %get3A_77, %dot_general3A_78 {dimension_numbers = #tpu.dot_dimension_numbers<[1], [0], [0], [1], [0, 0, 1, 1], [], []>, transpose_lhs_hint = false} : vector<2560x64xf32>, vector<64x128xf32>, vector<2560x128xf32> -> vector<2560x128xf32>
    %add3A = arith.addf %dot_general3A_69, %dot_general3A_79 : vector<2560x128xf32>
    %get3A_80 = arith.constant 512 : index
    %get3A_81 = arith.constant 0 : index
    %get3A_82 = vector.load %arg10[%get3A_80, %get3A_81] : memref<3072x64xf32, #tpu.memory_space<vmem>>, vector<2560x64xf32>
    %get3A_83 = arith.constant 2 : index
    %get3A_84 = arith.constant 0 : index
    %get3A_85 = arith.constant 0 : index
    %get3A_86 = vector.load %arg3[%get3A_83, %get3A_84, %get3A_85] : memref<3x64x128xf32, #tpu.memory_space<vmem>>, vector<1x64x128xf32>
    %get3A_87 = vector.shape_cast %get3A_86 : vector<1x64x128xf32> to vector<64x128xf32>
    %dot_general3A_88 = arith.constant dense<0.000000e+00> : vector<2560x128xf32>
    %dot_general3A_89 = tpu.matmul %get3A_82, %get3A_87, %dot_general3A_88 {dimension_numbers = #tpu.dot_dimension_numbers<[1], [0], [0], [1], [0, 0, 1, 1], [], []>, transpose_lhs_hint = false} : vector<2560x64xf32>, vector<64x128xf32>, vector<2560x128xf32> -> vector<2560x128xf32>
    %add3A_90 = arith.addf %add3A, %dot_general3A_89 : vector<2560x128xf32>
    %mul3A_91 = arith.constant 0.999994993 : f32
    %mul3A_92 = vector.broadcast %mul3A_91 : f32 to vector<2560x128xf32>
    %mul3A_93 = arith.mulf %add3A_90, %mul3A_92 : vector<2560x128xf32>
    %ge3A_94 = arith.constant 0.000000e+00 : f32
    %ge3A_95 = vector.broadcast %ge3A_94 : f32 to vector<2560x128xf32>
    %ge3A_96 = arith.cmpf oge, %mul3A_93, %ge3A_95 : vector<2560x128xf32>
    %mul3A_97 = arith.constant 0.00999999977 : f32
    %mul3A_98 = vector.broadcast %mul3A_97 : f32 to vector<2560x128xf32>
    %mul3A_99 = arith.mulf %mul3A_98, %mul3A_93 : vector<2560x128xf32>
    %select_n3A_100 = arith.select %ge3A_96, %mul3A_93, %mul3A_99 : vector<2560x128xi1>, vector<2560x128xf32>
    %broadcast_in_dim3A_101 = arith.constant 0.000000e+00 : f32
    %broadcast_in_dim3A_102 = vector.broadcast %broadcast_in_dim3A_101 : f32 to vector<256x128xf32>
    %swap3A_103 = arith.constant 0 : index
    %swap3A_104 = arith.constant 0 : index
    %swap3A_105 = vector.load %arg11[%swap3A_103, %swap3A_104] : memref<3072x128xf32, #tpu.memory_space<vmem>>, vector<256x128xf32>
    tpu.vector_store %arg11[%swap3A_103, %swap3A_104], %broadcast_in_dim3A_102 {strides = array<i32>} : memref<3072x128xf32, #tpu.memory_space<vmem>>, vector<256x128xf32>,
    %broadcast_in_dim3A_106 = arith.constant 0.000000e+00 : f32
    %broadcast_in_dim3A_107 = vector.broadcast %broadcast_in_dim3A_106 : f32 to vector<256x128xf32>
    %swap3A_108 = arith.constant 2816 : index
    %swap3A_109 = arith.constant 0 : index
    %swap3A_110 = vector.load %arg11[%swap3A_108, %swap3A_109] : memref<3072x128xf32, #tpu.memory_space<vmem>>, vector<256x128xf32>
    tpu.vector_store %arg11[%swap3A_108, %swap3A_109], %broadcast_in_dim3A_107 {strides = array<i32>} : memref<3072x128xf32, #tpu.memory_space<vmem>>, vector<256x128xf32>,
    %swap3A_111 = arith.constant 256 : index
    %swap3A_112 = arith.constant 0 : index
    %swap3A_113 = vector.load %arg11[%swap3A_111, %swap3A_112] : memref<3072x128xf32, #tpu.memory_space<vmem>>, vector<2560x128xf32>
    tpu.vector_store %arg11[%swap3A_111, %swap3A_112], %select_n3A_100 {strides = array<i32>} : memref<3072x128xf32, #tpu.memory_space<vmem>>, vector<2560x128xf32>,
    %get3A_114 = arith.constant 0 : index
    %get3A_115 = arith.constant 0 : index
    %get3A_116 = vector.load %arg11[%get3A_114, %get3A_115] : memref<3072x128xf32, #tpu.memory_space<vmem>>, vector<2560x128xf32>
    %get3A_117 = arith.constant 0 : index
    %get3A_118 = arith.constant 0 : index
    %get3A_119 = arith.constant 0 : index
    %get3A_120 = vector.load %arg4[%get3A_117, %get3A_118, %get3A_119] : memref<3x128x256xf32, #tpu.memory_space<vmem>>, vector<1x128x256xf32>
    %get3A_121 = vector.shape_cast %get3A_120 : vector<1x128x256xf32> to vector<128x256xf32>
    %dot_general3A_122 = arith.constant dense<0.000000e+00> : vector<2560x256xf32>
    %dot_general3A_123 = tpu.matmul %get3A_116, %get3A_121, %dot_general3A_122 {dimension_numbers = #tpu.dot_dimension_numbers<[1], [0], [0], [1], [0, 0, 1, 1], [], []>, transpose_lhs_hint = false} : vector<2560x128xf32>, vector<128x256xf32>, vector<2560x256xf32> -> vector<2560x256xf32>
    %get3A_124 = arith.constant 256 : index
    %get3A_125 = arith.constant 0 : index
    %get3A_126 = vector.load %arg11[%get3A_124, %get3A_125] : memref<3072x128xf32, #tpu.memory_space<vmem>>, vector<2560x128xf32>
    %get3A_127 = arith.constant 1 : index
    %get3A_128 = arith.constant 0 : index
    %get3A_129 = arith.constant 0 : index
    %get3A_130 = vector.load %arg4[%get3A_127, %get3A_128, %get3A_129] : memref<3x128x256xf32, #tpu.memory_space<vmem>>, vector<1x128x256xf32>
    %get3A_131 = vector.shape_cast %get3A_130 : vector<1x128x256xf32> to vector<128x256xf32>
    %dot_general3A_132 = arith.constant dense<0.000000e+00> : vector<2560x256xf32>
    %dot_general3A_133 = tpu.matmul %get3A_126, %get3A_131, %dot_general3A_132 {dimension_numbers = #tpu.dot_dimension_numbers<[1], [0], [0], [1], [0, 0, 1, 1], [], []>, transpose_lhs_hint = false} : vector<2560x128xf32>, vector<128x256xf32>, vector<2560x256xf32> -> vector<2560x256xf32>
    %add3A_134 = arith.addf %dot_general3A_123, %dot_general3A_133 : vector<2560x256xf32>
    %get3A_135 = arith.constant 512 : index
    %get3A_136 = arith.constant 0 : index
    %get3A_137 = vector.load %arg11[%get3A_135, %get3A_136] : memref<3072x128xf32, #tpu.memory_space<vmem>>, vector<2560x128xf32>
    %get3A_138 = arith.constant 2 : index
    %get3A_139 = arith.constant 0 : index
    %get3A_140 = arith.constant 0 : index
    %get3A_141 = vector.load %arg4[%get3A_138, %get3A_139, %get3A_140] : memref<3x128x256xf32, #tpu.memory_space<vmem>>, vector<1x128x256xf32>
    %get3A_142 = vector.shape_cast %get3A_141 : vector<1x128x256xf32> to vector<128x256xf32>
    %dot_general3A_143 = arith.constant dense<0.000000e+00> : vector<2560x256xf32>
    %dot_general3A_144 = tpu.matmul %get3A_137, %get3A_142, %dot_general3A_143 {dimension_numbers = #tpu.dot_dimension_numbers<[1], [0], [0], [1], [0, 0, 1, 1], [], []>, transpose_lhs_hint = false} : vector<2560x128xf32>, vector<128x256xf32>, vector<2560x256xf32> -> vector<2560x256xf32>
    %add3A_145 = arith.addf %add3A_134, %dot_general3A_144 : vector<2560x256xf32>
    %mul3A_146 = arith.constant 0.999994993 : f32
    %mul3A_147 = vector.broadcast %mul3A_146 : f32 to vector<2560x256xf32>
    %mul3A_148 = arith.mulf %add3A_145, %mul3A_147 : vector<2560x256xf32>
    %ge3A_149 = arith.constant 0.000000e+00 : f32
    %ge3A_150 = vector.broadcast %ge3A_149 : f32 to vector<2560x256xf32>
    %ge3A_151 = arith.cmpf oge, %mul3A_148, %ge3A_150 : vector<2560x256xf32>
    %mul3A_152 = arith.constant 0.00999999977 : f32
    %mul3A_153 = vector.broadcast %mul3A_152 : f32 to vector<2560x256xf32>
    %mul3A_154 = arith.mulf %mul3A_153, %mul3A_148 : vector<2560x256xf32>
    %select_n3A_155 = arith.select %ge3A_151, %mul3A_148, %mul3A_154 : vector<2560x256xi1>, vector<2560x256xf32>
    %broadcast_in_dim3A_156 = arith.constant 0.000000e+00 : f32
    %broadcast_in_dim3A_157 = vector.broadcast %broadcast_in_dim3A_156 : f32 to vector<256x256xf32>
    %swap3A_158 = arith.constant 0 : index
    %swap3A_159 = arith.constant 0 : index
    %swap3A_160 = vector.load %arg12[%swap3A_158, %swap3A_159] : memref<3072x256xf32, #tpu.memory_space<vmem>>, vector<256x256xf32>
    tpu.vector_store %arg12[%swap3A_158, %swap3A_159], %broadcast_in_dim3A_157 {strides = array<i32>} : memref<3072x256xf32, #tpu.memory_space<vmem>>, vector<256x256xf32>,
    %broadcast_in_dim3A_161 = arith.constant 0.000000e+00 : f32
    %broadcast_in_dim3A_162 = vector.broadcast %broadcast_in_dim3A_161 : f32 to vector<256x256xf32>
    %swap3A_163 = arith.constant 2816 : index
    %swap3A_164 = arith.constant 0 : index
    %swap3A_165 = vector.load %arg12[%swap3A_163, %swap3A_164] : memref<3072x256xf32, #tpu.memory_space<vmem>>, vector<256x256xf32>
    tpu.vector_store %arg12[%swap3A_163, %swap3A_164], %broadcast_in_dim3A_162 {strides = array<i32>} : memref<3072x256xf32, #tpu.memory_space<vmem>>, vector<256x256xf32>,
    %swap3A_166 = arith.constant 256 : index
    %swap3A_167 = arith.constant 0 : index
    %swap3A_168 = vector.load %arg12[%swap3A_166, %swap3A_167] : memref<3072x256xf32, #tpu.memory_space<vmem>>, vector<2560x256xf32>
    tpu.vector_store %arg12[%swap3A_166, %swap3A_167], %select_n3A_155 {strides = array<i32>} : memref<3072x256xf32, #tpu.memory_space<vmem>>, vector<2560x256xf32>,
    %get3A_169 = arith.constant 256 : index
    %get3A_170 = arith.constant 0 : index
    %get3A_171 = vector.load %arg12[%get3A_169, %get3A_170] : memref<3072x256xf32, #tpu.memory_space<vmem>>, vector<256x256xf32>
    %get3A_172 = arith.constant 512 : index
    %get3A_173 = arith.constant 0 : index
    %get3A_174 = vector.load %arg12[%get3A_172, %get3A_173] : memref<3072x256xf32, #tpu.memory_space<vmem>>, vector<256x256xf32>
    %add3A_175 = arith.addf %get3A_171, %get3A_174 : vector<256x256xf32>
    %get3A_176 = arith.constant 768 : index
    %get3A_177 = arith.constant 0 : index
    %get3A_178 = vector.load %arg12[%get3A_176, %get3A_177] : memref<3072x256xf32, #tpu.memory_space<vmem>>, vector<256x256xf32>
    %add3A_179 = arith.addf %add3A_175, %get3A_178 : vector<256x256xf32>
    %get3A_180 = arith.constant 1024 : index
    %get3A_181 = arith.constant 0 : index
    %get3A_182 = vector.load %arg12[%get3A_180, %get3A_181] : memref<3072x256xf32, #tpu.memory_space<vmem>>, vector<256x256xf32>
    %add3A_183 = arith.addf %add3A_179, %get3A_182 : vector<256x256xf32>
    %get3A_184 = arith.constant 1280 : index
    %get3A_185 = arith.constant 0 : index
    %get3A_186 = vector.load %arg12[%get3A_184, %get3A_185] : memref<3072x256xf32, #tpu.memory_space<vmem>>, vector<256x256xf32>
    %add3A_187 = arith.addf %add3A_183, %get3A_186 : vector<256x256xf32>
    %get3A_188 = arith.constant 1536 : index
    %get3A_189 = arith.constant 0 : index
    %get3A_190 = vector.load %arg12[%get3A_188, %get3A_189] : memref<3072x256xf32, #tpu.memory_space<vmem>>, vector<256x256xf32>
    %add3A_191 = arith.addf %add3A_187, %get3A_190 : vector<256x256xf32>
    %get3A_192 = arith.constant 1792 : index
    %get3A_193 = arith.constant 0 : index
    %get3A_194 = vector.load %arg12[%get3A_192, %get3A_193] : memref<3072x256xf32, #tpu.memory_space<vmem>>, vector<256x256xf32>
    %add3A_195 = arith.addf %add3A_191, %get3A_194 : vector<256x256xf32>
    %get3A_196 = arith.constant 2048 : index
    %get3A_197 = arith.constant 0 : index
    %get3A_198 = vector.load %arg12[%get3A_196, %get3A_197] : memref<3072x256xf32, #tpu.memory_space<vmem>>, vector<256x256xf32>
    %add3A_199 = arith.addf %add3A_195, %get3A_198 : vector<256x256xf32>
    %get3A_200 = arith.constant 2304 : index
    %get3A_201 = arith.constant 0 : index
    %get3A_202 = vector.load %arg12[%get3A_200, %get3A_201] : memref<3072x256xf32, #tpu.memory_space<vmem>>, vector<256x256xf32>
    %add3A_203 = arith.addf %add3A_199, %get3A_202 : vector<256x256xf32>
    %get3A_204 = arith.constant 2560 : index
    %get3A_205 = arith.constant 0 : index
    %get3A_206 = vector.load %arg12[%get3A_204, %get3A_205] : memref<3072x256xf32, #tpu.memory_space<vmem>>, vector<256x256xf32>
    %add3A_207 = arith.addf %add3A_203, %get3A_206 : vector<256x256xf32>
    %mul3A_208 = arith.constant 1.000000e-01 : f32
    %mul3A_209 = vector.broadcast %mul3A_208 : f32 to vector<256x256xf32>
    %mul3A_210 = arith.mulf %add3A_207, %mul3A_209 : vector<256x256xf32>
    %get3A_211 = arith.constant 0 : index
    %get3A_212 = arith.constant 0 : index
    %get3A_213 = vector.load %arg5[%get3A_211, %get3A_212] : memref<256x64xf32, #tpu.memory_space<vmem>>, vector<256x64xf32>
    %dot_general3A_214 = arith.constant dense<0.000000e+00> : vector<256x64xf32>
    %dot_general3A_215 = tpu.matmul %mul3A_210, %get3A_213, %dot_general3A_214 {dimension_numbers = #tpu.dot_dimension_numbers<[1], [0], [0], [1], [0, 0, 1, 1], [], []>, transpose_lhs_hint = false} : vector<256x256xf32>, vector<256x64xf32>, vector<256x64xf32> -> vector<256x64xf32>
    %mul3A_216 = arith.constant 0.999994993 : f32
    %mul3A_217 = vector.broadcast %mul3A_216 : f32 to vector<256x64xf32>
    %mul3A_218 = arith.mulf %dot_general3A_215, %mul3A_217 : vector<256x64xf32>
    %ge3A_219 = arith.constant 0.000000e+00 : f32
    %ge3A_220 = vector.broadcast %ge3A_219 : f32 to vector<256x64xf32>
    %ge3A_221 = arith.cmpf oge, %mul3A_218, %ge3A_220 : vector<256x64xf32>
    %mul3A_222 = arith.constant 0.00999999977 : f32
    %mul3A_223 = vector.broadcast %mul3A_222 : f32 to vector<256x64xf32>
    %mul3A_224 = arith.mulf %mul3A_223, %mul3A_218 : vector<256x64xf32>
    %select_n3A_225 = arith.select %ge3A_221, %mul3A_218, %mul3A_224 : vector<256x64xi1>, vector<256x64xf32>
    %swap3A_226 = arith.constant 0 : index
    %swap3A_227 = arith.constant 0 : index
    %swap3A_228 = vector.load %arg8[%swap3A_226, %swap3A_227] : memref<256x64xf32, #tpu.memory_space<vmem>>, vector<256x64xf32>
    tpu.vector_store %arg8[%swap3A_226, %swap3A_227], %select_n3A_225 {strides = array<i32>} : memref<256x64xf32, #tpu.memory_space<vmem>>, vector<256x64xf32>,
    %get3A_229 = arith.constant 0 : index
    %get3A_230 = arith.constant 0 : index
    %get3A_231 = vector.load %arg6[%get3A_229, %get3A_230] : memref<64x128xf32, #tpu.memory_space<vmem>>, vector<64x128xf32>
    %dot_general3A_232 = arith.constant dense<0.000000e+00> : vector<256x128xf32>
    %dot_general3A_233 = tpu.matmul %select_n3A_225, %get3A_231, %dot_general3A_232 {dimension_numbers = #tpu.dot_dimension_numbers<[1], [0], [0], [1], [0, 0, 1, 1], [], []>, transpose_lhs_hint = false} : vector<256x64xf32>, vector<64x128xf32>, vector<256x128xf32> -> vector<256x128xf32>
    %get3A_234 = arith.constant 0 : index
    %get3A_235 = arith.constant 0 : index
    %get3A_236 = vector.load %arg7[%get3A_234, %get3A_235] : memref<1x128xf32, #tpu.memory_space<vmem>>, vector<1x128xf32>
    %add3A_237 = vector.broadcast %get3A_236 : vector<1x128xf32> to vector<256x128xf32>
    %add3A_238 = arith.addf %dot_general3A_233, %add3A_237 : vector<256x128xf32>
    %swap3A_239 = arith.constant 0 : index
    %swap3A_240 = arith.constant 0 : index
    %swap3A_241 = vector.load %arg9[%swap3A_239, %swap3A_240] : memref<256x128xf32, #tpu.memory_space<vmem>>, vector<256x128xf32>
    tpu.vector_store %arg9[%swap3A_239, %swap3A_240], %add3A_238 {strides = array<i32>} : memref<256x128xf32, #tpu.memory_space<vmem>>, vector<256x128xf32>,
    return
  }
  func.func @transform_0(%arg0: i32) -> (i32, i32) {
    %c0_i32 = arith.constant 0 : i32
    %c0_i32_0 = arith.constant 0 : i32
    return %arg0, %c0_i32 : i32, i32
  }
  func.func @transform_1(%arg0: i32) -> (i32, i32) {
    %c0_i32 = arith.constant 0 : i32
    %c0_i32_0 = arith.constant 0 : i32
    %c0_i32_1 = arith.constant 0 : i32
    return %c0_i32, %c0_i32_0 : i32, i32
  }
  func.func @transform_2(%arg0: i32) -> (i32, i32, i32) {
    %c0_i32 = arith.constant 0 : i32
    %c0_i32_0 = arith.constant 0 : i32
    %c0_i32_1 = arith.constant 0 : i32
    %c0_i32_2 = arith.constant 0 : i32
    return %c0_i32, %c0_i32_0, %c0_i32_1 : i32, i32, i32
  }
  func.func @transform_3(%arg0: i32) -> (i32, i32, i32) {
    %c0_i32 = arith.constant 0 : i32
    %c0_i32_0 = arith.constant 0 : i32
    %c0_i32_1 = arith.constant 0 : i32
    %c0_i32_2 = arith.constant 0 : i32
    return %c0_i32, %c0_i32_0, %c0_i32_1 : i32, i32, i32
  }
  func.func @transform_4(%arg0: i32) -> (i32, i32) {
    %c0_i32 = arith.constant 0 : i32
    %c0_i32_0 = arith.constant 0 : i32
    %c0_i32_1 = arith.constant 0 : i32
    return %c0_i32, %c0_i32_0 : i32, i32
  }
  func.func @transform_5(%arg0: i32) -> (i32, i32) {
    %c0_i32 = arith.constant 0 : i32
    %c0_i32_0 = arith.constant 0 : i32
    %c0_i32_1 = arith.constant 0 : i32
    return %c0_i32, %c0_i32_0 : i32, i32
  }
  func.func @transform_6(%arg0: i32) -> (i32, i32) {
    %c0_i32 = arith.constant 0 : i32
    %c0_i32_0 = arith.constant 0 : i32
    %c0_i32_1 = arith.constant 0 : i32
    return %c0_i32, %c0_i32_0 : i32, i32
  }
  func.func @transform_7(%arg0: i32) -> (i32, i32) {
    %c0_i32 = arith.constant 0 : i32
    %c0_i32_0 = arith.constant 0 : i32
    return %arg0, %c0_i32 : i32, i32
  }
  func.func @transform_8(%arg0: i32) -> (i32, i32) {
    %c0_i32 = arith.constant 0 : i32
    %c0_i32_0 = arith.constant 0 : i32
    return %arg0, %c0_i32 : i32, i32
  }
}

module attributes {stable_mosaic.version = 14 : i64} {
  func.func @_surface_body(%arg0: i32, %arg1: memref<16x400xf32, #tpu.memory_space<vmem>>, %arg2: memref<400x6400xf32, #tpu.memory_space<vmem>>, %arg3: memref<3x3x64x128xf32, #tpu.memory_space<vmem>>, %arg4: memref<3x3x128x256xf32, #tpu.memory_space<vmem>>, %arg5: memref<256x128xf32, #tpu.memory_space<vmem>>, %arg6: memref<16x128xf32, #tpu.memory_space<vmem>>, %arg7: memref<2304x64xf32, #tpu.memory_space<vmem>>, %arg8: memref<2304x128xf32, #tpu.memory_space<vmem>>, %arg9: memref<2304x256xf32, #tpu.memory_space<vmem>>) attributes {dimension_semantics = [#tpu.dimension_semantics<arbitrary>], iteration_bounds = array<i64: 625>, scalar_prefetch = 0 : i64, scratch_operands = 3 : i64, tpu.core_type = #tpu.core_type<tc>, window_params = [{transform_indices = @transform_0, window_bounds = array<i64: 16, 400>}, {pipeline_mode = #tpu.pipeline_mode<synchronous>, transform_indices = @transform_1, window_bounds = array<i64: 400, 6400>}, {pipeline_mode = #tpu.pipeline_mode<synchronous>, transform_indices = @transform_2, window_bounds = array<i64: 3, 3, 64, 128>}, {pipeline_mode = #tpu.pipeline_mode<synchronous>, transform_indices = @transform_3, window_bounds = array<i64: 3, 3, 128, 256>}, {pipeline_mode = #tpu.pipeline_mode<synchronous>, transform_indices = @transform_4, window_bounds = array<i64: 256, 128>}, {transform_indices = @transform_5, window_bounds = array<i64: 16, 128>}]} {
    %get3A = arith.constant 0 : index
    %get3A_0 = arith.constant 0 : index
    %get3A_1 = vector.load %arg1[%get3A, %get3A_0] : memref<16x400xf32, #tpu.memory_space<vmem>>, vector<16x400xf32>
    %get3A_2 = arith.constant 0 : index
    %get3A_3 = arith.constant 0 : index
    %get3A_4 = vector.load %arg2[%get3A_2, %get3A_3] : memref<400x6400xf32, #tpu.memory_space<vmem>>, vector<400x6400xf32>
    %dot_general3A = arith.constant dense<0.000000e+00> : vector<16x6400xf32>
    %dot_general3A_5 = tpu.matmul %get3A_1, %get3A_4, %dot_general3A {dimension_numbers = #tpu.dot_dimension_numbers<[1], [0], [0], [1], [0, 0, 1, 1], [], []>, transpose_lhs_hint = false} : vector<16x400xf32>, vector<400x6400xf32>, vector<16x6400xf32> -> vector<16x6400xf32>
    %mul3A = arith.constant 0.999994993 : f32
    %mul3A_6 = vector.broadcast %mul3A : f32 to vector<16x6400xf32>
    %mul3A_7 = arith.mulf %dot_general3A_5, %mul3A_6 : vector<16x6400xf32>
    %ge3A = arith.constant 0.000000e+00 : f32
    %ge3A_8 = vector.broadcast %ge3A : f32 to vector<16x6400xf32>
    %ge3A_9 = arith.cmpf oge, %mul3A_7, %ge3A_8 : vector<16x6400xf32>
    %mul3A_10 = arith.constant 0.00999999977 : f32
    %mul3A_11 = vector.broadcast %mul3A_10 : f32 to vector<16x6400xf32>
    %mul3A_12 = arith.mulf %mul3A_11, %mul3A_7 : vector<16x6400xf32>
    %select_n3A = arith.select %ge3A_9, %mul3A_7, %mul3A_12 : vector<16x6400xi1>, vector<16x6400xf32>
    %broadcast_in_dim3A = arith.constant 0.000000e+00 : f32
    %broadcast_in_dim3A_13 = vector.broadcast %broadcast_in_dim3A : f32 to vector<2304x64xf32>
    %swap3A = arith.constant 0 : index
    %swap3A_14 = arith.constant 0 : index
    %swap3A_15 = vector.load %arg7[%swap3A, %swap3A_14] : memref<2304x64xf32, #tpu.memory_space<vmem>>, vector<2304x64xf32>
    tpu.vector_store %arg7[%swap3A, %swap3A_14], %broadcast_in_dim3A_13 {strides = array<i32>} : memref<2304x64xf32, #tpu.memory_space<vmem>>, vector<2304x64xf32>,
    %slice3A = vector.extract_strided_slice %select_n3A {offsets = [0, 0], sizes = [16, 64], strides = [1, 1]} : vector<16x6400xf32> to vector<16x64xf32>
    %swap3A_16 = arith.constant 208 : index
    %swap3A_17 = arith.constant 0 : index
    %swap3A_18 = vector.load %arg7[%swap3A_16, %swap3A_17] : memref<2304x64xf32, #tpu.memory_space<vmem>>, vector<16x64xf32>
    tpu.vector_store %arg7[%swap3A_16, %swap3A_17], %slice3A {strides = array<i32>} : memref<2304x64xf32, #tpu.memory_space<vmem>>, vector<16x64xf32>,
    %slice3A_19 = vector.extract_strided_slice %select_n3A {offsets = [0, 64], sizes = [16, 64], strides = [1, 1]} : vector<16x6400xf32> to vector<16x64xf32>
    %swap3A_20 = arith.constant 224 : index
    %swap3A_21 = arith.constant 0 : index
    %swap3A_22 = vector.load %arg7[%swap3A_20, %swap3A_21] : memref<2304x64xf32, #tpu.memory_space<vmem>>, vector<16x64xf32>
    tpu.vector_store %arg7[%swap3A_20, %swap3A_21], %slice3A_19 {strides = array<i32>} : memref<2304x64xf32, #tpu.memory_space<vmem>>, vector<16x64xf32>,
    %slice3A_23 = vector.extract_strided_slice %select_n3A {offsets = [0, 128], sizes = [16, 64], strides = [1, 1]} : vector<16x6400xf32> to vector<16x64xf32>
    %swap3A_24 = arith.constant 240 : index
    %swap3A_25 = arith.constant 0 : index
    %swap3A_26 = vector.load %arg7[%swap3A_24, %swap3A_25] : memref<2304x64xf32, #tpu.memory_space<vmem>>, vector<16x64xf32>
    tpu.vector_store %arg7[%swap3A_24, %swap3A_25], %slice3A_23 {strides = array<i32>} : memref<2304x64xf32, #tpu.memory_space<vmem>>, vector<16x64xf32>,
    %slice3A_27 = vector.extract_strided_slice %select_n3A {offsets = [0, 192], sizes = [16, 64], strides = [1, 1]} : vector<16x6400xf32> to vector<16x64xf32>
    %swap3A_28 = arith.constant 256 : index
    %swap3A_29 = arith.constant 0 : index
    %swap3A_30 = vector.load %arg7[%swap3A_28, %swap3A_29] : memref<2304x64xf32, #tpu.memory_space<vmem>>, vector<16x64xf32>
    tpu.vector_store %arg7[%swap3A_28, %swap3A_29], %slice3A_27 {strides = array<i32>} : memref<2304x64xf32, #tpu.memory_space<vmem>>, vector<16x64xf32>,
    %slice3A_31 = vector.extract_strided_slice %select_n3A {offsets = [0, 256], sizes = [16, 64], strides = [1, 1]} : vector<16x6400xf32> to vector<16x64xf32>
    %swap3A_32 = arith.constant 272 : index
    %swap3A_33 = arith.constant 0 : index
    %swap3A_34 = vector.load %arg7[%swap3A_32, %swap3A_33] : memref<2304x64xf32, #tpu.memory_space<vmem>>, vector<16x64xf32>
    tpu.vector_store %arg7[%swap3A_32, %swap3A_33], %slice3A_31 {strides = array<i32>} : memref<2304x64xf32, #tpu.memory_space<vmem>>, vector<16x64xf32>,
    %slice3A_35 = vector.extract_strided_slice %select_n3A {offsets = [0, 320], sizes = [16, 64], strides = [1, 1]} : vector<16x6400xf32> to vector<16x64xf32>
    %swap3A_36 = arith.constant 288 : index
    %swap3A_37 = arith.constant 0 : index
    %swap3A_38 = vector.load %arg7[%swap3A_36, %swap3A_37] : memref<2304x64xf32, #tpu.memory_space<vmem>>, vector<16x64xf32>
    tpu.vector_store %arg7[%swap3A_36, %swap3A_37], %slice3A_35 {strides = array<i32>} : memref<2304x64xf32, #tpu.memory_space<vmem>>, vector<16x64xf32>,
    %slice3A_39 = vector.extract_strided_slice %select_n3A {offsets = [0, 384], sizes = [16, 64], strides = [1, 1]} : vector<16x6400xf32> to vector<16x64xf32>
    %swap3A_40 = arith.constant 304 : index
    %swap3A_41 = arith.constant 0 : index
    %swap3A_42 = vector.load %arg7[%swap3A_40, %swap3A_41] : memref<2304x64xf32, #tpu.memory_space<vmem>>, vector<16x64xf32>
    tpu.vector_store %arg7[%swap3A_40, %swap3A_41], %slice3A_39 {strides = array<i32>} : memref<2304x64xf32, #tpu.memory_space<vmem>>, vector<16x64xf32>,
    %slice3A_43 = vector.extract_strided_slice %select_n3A {offsets = [0, 448], sizes = [16, 64], strides = [1, 1]} : vector<16x6400xf32> to vector<16x64xf32>
    %swap3A_44 = arith.constant 320 : index
    %swap3A_45 = arith.constant 0 : index
    %swap3A_46 = vector.load %arg7[%swap3A_44, %swap3A_45] : memref<2304x64xf32, #tpu.memory_space<vmem>>, vector<16x64xf32>
    tpu.vector_store %arg7[%swap3A_44, %swap3A_45], %slice3A_43 {strides = array<i32>} : memref<2304x64xf32, #tpu.memory_space<vmem>>, vector<16x64xf32>,
    %slice3A_47 = vector.extract_strided_slice %select_n3A {offsets = [0, 512], sizes = [16, 64], strides = [1, 1]} : vector<16x6400xf32> to vector<16x64xf32>
    %swap3A_48 = arith.constant 336 : index
    %swap3A_49 = arith.constant 0 : index
    %swap3A_50 = vector.load %arg7[%swap3A_48, %swap3A_49] : memref<2304x64xf32, #tpu.memory_space<vmem>>, vector<16x64xf32>
    tpu.vector_store %arg7[%swap3A_48, %swap3A_49], %slice3A_47 {strides = array<i32>} : memref<2304x64xf32, #tpu.memory_space<vmem>>, vector<16x64xf32>,
    %slice3A_51 = vector.extract_strided_slice %select_n3A {offsets = [0, 576], sizes = [16, 64], strides = [1, 1]} : vector<16x6400xf32> to vector<16x64xf32>
    %swap3A_52 = arith.constant 352 : index
    %swap3A_53 = arith.constant 0 : index
    %swap3A_54 = vector.load %arg7[%swap3A_52, %swap3A_53] : memref<2304x64xf32, #tpu.memory_space<vmem>>, vector<16x64xf32>
    tpu.vector_store %arg7[%swap3A_52, %swap3A_53], %slice3A_51 {strides = array<i32>} : memref<2304x64xf32, #tpu.memory_space<vmem>>, vector<16x64xf32>,
    %slice3A_55 = vector.extract_strided_slice %select_n3A {offsets = [0, 640], sizes = [16, 64], strides = [1, 1]} : vector<16x6400xf32> to vector<16x64xf32>
    %swap3A_56 = arith.constant 400 : index
    %swap3A_57 = arith.constant 0 : index
    %swap3A_58 = vector.load %arg7[%swap3A_56, %swap3A_57] : memref<2304x64xf32, #tpu.memory_space<vmem>>, vector<16x64xf32>
    tpu.vector_store %arg7[%swap3A_56, %swap3A_57], %slice3A_55 {strides = array<i32>} : memref<2304x64xf32, #tpu.memory_space<vmem>>, vector<16x64xf32>,
    %slice3A_59 = vector.extract_strided_slice %select_n3A {offsets = [0, 704], sizes = [16, 64], strides = [1, 1]} : vector<16x6400xf32> to vector<16x64xf32>
    %swap3A_60 = arith.constant 416 : index
    %swap3A_61 = arith.constant 0 : index
    %swap3A_62 = vector.load %arg7[%swap3A_60, %swap3A_61] : memref<2304x64xf32, #tpu.memory_space<vmem>>, vector<16x64xf32>
    tpu.vector_store %arg7[%swap3A_60, %swap3A_61], %slice3A_59 {strides = array<i32>} : memref<2304x64xf32, #tpu.memory_space<vmem>>, vector<16x64xf32>,
    %slice3A_63 = vector.extract_strided_slice %select_n3A {offsets = [0, 768], sizes = [16, 64], strides = [1, 1]} : vector<16x6400xf32> to vector<16x64xf32>
    %swap3A_64 = arith.constant 432 : index
    %swap3A_65 = arith.constant 0 : index
    %swap3A_66 = vector.load %arg7[%swap3A_64, %swap3A_65] : memref<2304x64xf32, #tpu.memory_space<vmem>>, vector<16x64xf32>
    tpu.vector_store %arg7[%swap3A_64, %swap3A_65], %slice3A_63 {strides = array<i32>} : memref<2304x64xf32, #tpu.memory_space<vmem>>, vector<16x64xf32>,
    %slice3A_67 = vector.extract_strided_slice %select_n3A {offsets = [0, 832], sizes = [16, 64], strides = [1, 1]} : vector<16x6400xf32> to vector<16x64xf32>
    %swap3A_68 = arith.constant 448 : index
    %swap3A_69 = arith.constant 0 : index
    %swap3A_70 = vector.load %arg7[%swap3A_68, %swap3A_69] : memref<2304x64xf32, #tpu.memory_space<vmem>>, vector<16x64xf32>
    tpu.vector_store %arg7[%swap3A_68, %swap3A_69], %slice3A_67 {strides = array<i32>} : memref<2304x64xf32, #tpu.memory_space<vmem>>, vector<16x64xf32>,
    %slice3A_71 = vector.extract_strided_slice %select_n3A {offsets = [0, 896], sizes = [16, 64], strides = [1, 1]} : vector<16x6400xf32> to vector<16x64xf32>
    %swap3A_72 = arith.constant 464 : index
    %swap3A_73 = arith.constant 0 : index
    %swap3A_74 = vector.load %arg7[%swap3A_72, %swap3A_73] : memref<2304x64xf32, #tpu.memory_space<vmem>>, vector<16x64xf32>
    tpu.vector_store %arg7[%swap3A_72, %swap3A_73], %slice3A_71 {strides = array<i32>} : memref<2304x64xf32, #tpu.memory_space<vmem>>, vector<16x64xf32>,
    %slice3A_75 = vector.extract_strided_slice %select_n3A {offsets = [0, 960], sizes = [16, 64], strides = [1, 1]} : vector<16x6400xf32> to vector<16x64xf32>
    %swap3A_76 = arith.constant 480 : index
    %swap3A_77 = arith.constant 0 : index
    %swap3A_78 = vector.load %arg7[%swap3A_76, %swap3A_77] : memref<2304x64xf32, #tpu.memory_space<vmem>>, vector<16x64xf32>
    tpu.vector_store %arg7[%swap3A_76, %swap3A_77], %slice3A_75 {strides = array<i32>} : memref<2304x64xf32, #tpu.memory_space<vmem>>, vector<16x64xf32>,
    %slice3A_79 = vector.extract_strided_slice %select_n3A {offsets = [0, 1024], sizes = [16, 64], strides = [1, 1]} : vector<16x6400xf32> to vector<16x64xf32>
    %swap3A_80 = arith.constant 496 : index
    %swap3A_81 = arith.constant 0 : index
    %swap3A_82 = vector.load %arg7[%swap3A_80, %swap3A_81] : memref<2304x64xf32, #tpu.memory_space<vmem>>, vector<16x64xf32>
    tpu.vector_store %arg7[%swap3A_80, %swap3A_81], %slice3A_79 {strides = array<i32>} : memref<2304x64xf32, #tpu.memory_space<vmem>>, vector<16x64xf32>,
    %slice3A_83 = vector.extract_strided_slice %select_n3A {offsets = [0, 1088], sizes = [16, 64], strides = [1, 1]} : vector<16x6400xf32> to vector<16x64xf32>
    %swap3A_84 = arith.constant 512 : index
    %swap3A_85 = arith.constant 0 : index
    %swap3A_86 = vector.load %arg7[%swap3A_84, %swap3A_85] : memref<2304x64xf32, #tpu.memory_space<vmem>>, vector<16x64xf32>
    tpu.vector_store %arg7[%swap3A_84, %swap3A_85], %slice3A_83 {strides = array<i32>} : memref<2304x64xf32, #tpu.memory_space<vmem>>, vector<16x64xf32>,
    %slice3A_87 = vector.extract_strided_slice %select_n3A {offsets = [0, 1152], sizes = [16, 64], strides = [1, 1]} : vector<16x6400xf32> to vector<16x64xf32>
    %swap3A_88 = arith.constant 528 : index
    %swap3A_89 = arith.constant 0 : index
    %swap3A_90 = vector.load %arg7[%swap3A_88, %swap3A_89] : memref<2304x64xf32, #tpu.memory_space<vmem>>, vector<16x64xf32>
    tpu.vector_store %arg7[%swap3A_88, %swap3A_89], %slice3A_87 {strides = array<i32>} : memref<2304x64xf32, #tpu.memory_space<vmem>>, vector<16x64xf32>,
    %slice3A_91 = vector.extract_strided_slice %select_n3A {offsets = [0, 1216], sizes = [16, 64], strides = [1, 1]} : vector<16x6400xf32> to vector<16x64xf32>
    %swap3A_92 = arith.constant 544 : index
    %swap3A_93 = arith.constant 0 : index
    %swap3A_94 = vector.load %arg7[%swap3A_92, %swap3A_93] : memref<2304x64xf32, #tpu.memory_space<vmem>>, vector<16x64xf32>
    tpu.vector_store %arg7[%swap3A_92, %swap3A_93], %slice3A_91 {strides = array<i32>} : memref<2304x64xf32, #tpu.memory_space<vmem>>, vector<16x64xf32>,
    %slice3A_95 = vector.extract_strided_slice %select_n3A {offsets = [0, 1280], sizes = [16, 64], strides = [1, 1]} : vector<16x6400xf32> to vector<16x64xf32>
    %swap3A_96 = arith.constant 592 : index
    %swap3A_97 = arith.constant 0 : index
    %swap3A_98 = vector.load %arg7[%swap3A_96, %swap3A_97] : memref<2304x64xf32, #tpu.memory_space<vmem>>, vector<16x64xf32>
    tpu.vector_store %arg7[%swap3A_96, %swap3A_97], %slice3A_95 {strides = array<i32>} : memref<2304x64xf32, #tpu.memory_space<vmem>>, vector<16x64xf32>,
    %slice3A_99 = vector.extract_strided_slice %select_n3A {offsets = [0, 1344], sizes = [16, 64], strides = [1, 1]} : vector<16x6400xf32> to vector<16x64xf32>
    %swap3A_100 = arith.constant 608 : index
    %swap3A_101 = arith.constant 0 : index
    %swap3A_102 = vector.load %arg7[%swap3A_100, %swap3A_101] : memref<2304x64xf32, #tpu.memory_space<vmem>>, vector<16x64xf32>
    tpu.vector_store %arg7[%swap3A_100, %swap3A_101], %slice3A_99 {strides = array<i32>} : memref<2304x64xf32, #tpu.memory_space<vmem>>, vector<16x64xf32>,
    %slice3A_103 = vector.extract_strided_slice %select_n3A {offsets = [0, 1408], sizes = [16, 64], strides = [1, 1]} : vector<16x6400xf32> to vector<16x64xf32>
    %swap3A_104 = arith.constant 624 : index
    %swap3A_105 = arith.constant 0 : index
    %swap3A_106 = vector.load %arg7[%swap3A_104, %swap3A_105] : memref<2304x64xf32, #tpu.memory_space<vmem>>, vector<16x64xf32>
    tpu.vector_store %arg7[%swap3A_104, %swap3A_105], %slice3A_103 {strides = array<i32>} : memref<2304x64xf32, #tpu.memory_space<vmem>>, vector<16x64xf32>,
    %slice3A_107 = vector.extract_strided_slice %select_n3A {offsets = [0, 1472], sizes = [16, 64], strides = [1, 1]} : vector<16x6400xf32> to vector<16x64xf32>
    %swap3A_108 = arith.constant 640 : index
    %swap3A_109 = arith.constant 0 : index
    %swap3A_110 = vector.load %arg7[%swap3A_108, %swap3A_109] : memref<2304x64xf32, #tpu.memory_space<vmem>>, vector<16x64xf32>
    tpu.vector_store %arg7[%swap3A_108, %swap3A_109], %slice3A_107 {strides = array<i32>} : memref<2304x64xf32, #tpu.memory_space<vmem>>, vector<16x64xf32>,
    %slice3A_111 = vector.extract_strided_slice %select_n3A {offsets = [0, 1536], sizes = [16, 64], strides = [1, 1]} : vector<16x6400xf32> to vector<16x64xf32>
    %swap3A_112 = arith.constant 656 : index
    %swap3A_113 = arith.constant 0 : index
    %swap3A_114 = vector.load %arg7[%swap3A_112, %swap3A_113] : memref<2304x64xf32, #tpu.memory_space<vmem>>, vector<16x64xf32>
    tpu.vector_store %arg7[%swap3A_112, %swap3A_113], %slice3A_111 {strides = array<i32>} : memref<2304x64xf32, #tpu.memory_space<vmem>>, vector<16x64xf32>,
    %slice3A_115 = vector.extract_strided_slice %select_n3A {offsets = [0, 1600], sizes = [16, 64], strides = [1, 1]} : vector<16x6400xf32> to vector<16x64xf32>
    %swap3A_116 = arith.constant 672 : index
    %swap3A_117 = arith.constant 0 : index
    %swap3A_118 = vector.load %arg7[%swap3A_116, %swap3A_117] : memref<2304x64xf32, #tpu.memory_space<vmem>>, vector<16x64xf32>
    tpu.vector_store %arg7[%swap3A_116, %swap3A_117], %slice3A_115 {strides = array<i32>} : memref<2304x64xf32, #tpu.memory_space<vmem>>, vector<16x64xf32>,
    %slice3A_119 = vector.extract_strided_slice %select_n3A {offsets = [0, 1664], sizes = [16, 64], strides = [1, 1]} : vector<16x6400xf32> to vector<16x64xf32>
    %swap3A_120 = arith.constant 688 : index
    %swap3A_121 = arith.constant 0 : index
    %swap3A_122 = vector.load %arg7[%swap3A_120, %swap3A_121] : memref<2304x64xf32, #tpu.memory_space<vmem>>, vector<16x64xf32>
    tpu.vector_store %arg7[%swap3A_120, %swap3A_121], %slice3A_119 {strides = array<i32>} : memref<2304x64xf32, #tpu.memory_space<vmem>>, vector<16x64xf32>,
    %slice3A_123 = vector.extract_strided_slice %select_n3A {offsets = [0, 1728], sizes = [16, 64], strides = [1, 1]} : vector<16x6400xf32> to vector<16x64xf32>
    %swap3A_124 = arith.constant 704 : index
    %swap3A_125 = arith.constant 0 : index
    %swap3A_126 = vector.load %arg7[%swap3A_124, %swap3A_125] : memref<2304x64xf32, #tpu.memory_space<vmem>>, vector<16x64xf32>
    tpu.vector_store %arg7[%swap3A_124, %swap3A_125], %slice3A_123 {strides = array<i32>} : memref<2304x64xf32, #tpu.memory_space<vmem>>, vector<16x64xf32>,
    %slice3A_127 = vector.extract_strided_slice %select_n3A {offsets = [0, 1792], sizes = [16, 64], strides = [1, 1]} : vector<16x6400xf32> to vector<16x64xf32>
    %swap3A_128 = arith.constant 720 : index
    %swap3A_129 = arith.constant 0 : index
    %swap3A_130 = vector.load %arg7[%swap3A_128, %swap3A_129] : memref<2304x64xf32, #tpu.memory_space<vmem>>, vector<16x64xf32>
    tpu.vector_store %arg7[%swap3A_128, %swap3A_129], %slice3A_127 {strides = array<i32>} : memref<2304x64xf32, #tpu.memory_space<vmem>>, vector<16x64xf32>,
    %slice3A_131 = vector.extract_strided_slice %select_n3A {offsets = [0, 1856], sizes = [16, 64], strides = [1, 1]} : vector<16x6400xf32> to vector<16x64xf32>
    %swap3A_132 = arith.constant 736 : index
    %swap3A_133 = arith.constant 0 : index
    %swap3A_134 = vector.load %arg7[%swap3A_132, %swap3A_133] : memref<2304x64xf32, #tpu.memory_space<vmem>>, vector<16x64xf32>
    tpu.vector_store %arg7[%swap3A_132, %swap3A_133], %slice3A_131 {strides = array<i32>} : memref<2304x64xf32, #tpu.memory_space<vmem>>, vector<16x64xf32>,
    %slice3A_135 = vector.extract_strided_slice %select_n3A {offsets = [0, 1920], sizes = [16, 64], strides = [1, 1]} : vector<16x6400xf32> to vector<16x64xf32>
    %swap3A_136 = arith.constant 784 : index
    %swap3A_137 = arith.constant 0 : index
    %swap3A_138 = vector.load %arg7[%swap3A_136, %swap3A_137] : memref<2304x64xf32, #tpu.memory_space<vmem>>, vector<16x64xf32>
    tpu.vector_store %arg7[%swap3A_136, %swap3A_137], %slice3A_135 {strides = array<i32>} : memref<2304x64xf32, #tpu.memory_space<vmem>>, vector<16x64xf32>,
    %slice3A_139 = vector.extract_strided_slice %select_n3A {offsets = [0, 1984], sizes = [16, 64], strides = [1, 1]} : vector<16x6400xf32> to vector<16x64xf32>
    %swap3A_140 = arith.constant 800 : index
    %swap3A_141 = arith.constant 0 : index
    %swap3A_142 = vector.load %arg7[%swap3A_140, %swap3A_141] : memref<2304x64xf32, #tpu.memory_space<vmem>>, vector<16x64xf32>
    tpu.vector_store %arg7[%swap3A_140, %swap3A_141], %slice3A_139 {strides = array<i32>} : memref<2304x64xf32, #tpu.memory_space<vmem>>, vector<16x64xf32>,
    %slice3A_143 = vector.extract_strided_slice %select_n3A {offsets = [0, 2048], sizes = [16, 64], strides = [1, 1]} : vector<16x6400xf32> to vector<16x64xf32>
    %swap3A_144 = arith.constant 816 : index
    %swap3A_145 = arith.constant 0 : index
    %swap3A_146 = vector.load %arg7[%swap3A_144, %swap3A_145] : memref<2304x64xf32, #tpu.memory_space<vmem>>, vector<16x64xf32>
    tpu.vector_store %arg7[%swap3A_144, %swap3A_145], %slice3A_143 {strides = array<i32>} : memref<2304x64xf32, #tpu.memory_space<vmem>>, vector<16x64xf32>,
    %slice3A_147 = vector.extract_strided_slice %select_n3A {offsets = [0, 2112], sizes = [16, 64], strides = [1, 1]} : vector<16x6400xf32> to vector<16x64xf32>
    %swap3A_148 = arith.constant 832 : index
    %swap3A_149 = arith.constant 0 : index
    %swap3A_150 = vector.load %arg7[%swap3A_148, %swap3A_149] : memref<2304x64xf32, #tpu.memory_space<vmem>>, vector<16x64xf32>
    tpu.vector_store %arg7[%swap3A_148, %swap3A_149], %slice3A_147 {strides = array<i32>} : memref<2304x64xf32, #tpu.memory_space<vmem>>, vector<16x64xf32>,
    %slice3A_151 = vector.extract_strided_slice %select_n3A {offsets = [0, 2176], sizes = [16, 64], strides = [1, 1]} : vector<16x6400xf32> to vector<16x64xf32>
    %swap3A_152 = arith.constant 848 : index
    %swap3A_153 = arith.constant 0 : index
    %swap3A_154 = vector.load %arg7[%swap3A_152, %swap3A_153] : memref<2304x64xf32, #tpu.memory_space<vmem>>, vector<16x64xf32>
    tpu.vector_store %arg7[%swap3A_152, %swap3A_153], %slice3A_151 {strides = array<i32>} : memref<2304x64xf32, #tpu.memory_space<vmem>>, vector<16x64xf32>,
    %slice3A_155 = vector.extract_strided_slice %select_n3A {offsets = [0, 2240], sizes = [16, 64], strides = [1, 1]} : vector<16x6400xf32> to vector<16x64xf32>
    %swap3A_156 = arith.constant 864 : index
    %swap3A_157 = arith.constant 0 : index
    %swap3A_158 = vector.load %arg7[%swap3A_156, %swap3A_157] : memref<2304x64xf32, #tpu.memory_space<vmem>>, vector<16x64xf32>
    tpu.vector_store %arg7[%swap3A_156, %swap3A_157], %slice3A_155 {strides = array<i32>} : memref<2304x64xf32, #tpu.memory_space<vmem>>, vector<16x64xf32>,
    %slice3A_159 = vector.extract_strided_slice %select_n3A {offsets = [0, 2304], sizes = [16, 64], strides = [1, 1]} : vector<16x6400xf32> to vector<16x64xf32>
    %swap3A_160 = arith.constant 880 : index
    %swap3A_161 = arith.constant 0 : index
    %swap3A_162 = vector.load %arg7[%swap3A_160, %swap3A_161] : memref<2304x64xf32, #tpu.memory_space<vmem>>, vector<16x64xf32>
    tpu.vector_store %arg7[%swap3A_160, %swap3A_161], %slice3A_159 {strides = array<i32>} : memref<2304x64xf32, #tpu.memory_space<vmem>>, vector<16x64xf32>,
    %slice3A_163 = vector.extract_strided_slice %select_n3A {offsets = [0, 2368], sizes = [16, 64], strides = [1, 1]} : vector<16x6400xf32> to vector<16x64xf32>
    %swap3A_164 = arith.constant 896 : index
    %swap3A_165 = arith.constant 0 : index
    %swap3A_166 = vector.load %arg7[%swap3A_164, %swap3A_165] : memref<2304x64xf32, #tpu.memory_space<vmem>>, vector<16x64xf32>
    tpu.vector_store %arg7[%swap3A_164, %swap3A_165], %slice3A_163 {strides = array<i32>} : memref<2304x64xf32, #tpu.memory_space<vmem>>, vector<16x64xf32>,
    %slice3A_167 = vector.extract_strided_slice %select_n3A {offsets = [0, 2432], sizes = [16, 64], strides = [1, 1]} : vector<16x6400xf32> to vector<16x64xf32>
    %swap3A_168 = arith.constant 912 : index
    %swap3A_169 = arith.constant 0 : index
    %swap3A_170 = vector.load %arg7[%swap3A_168, %swap3A_169] : memref<2304x64xf32, #tpu.memory_space<vmem>>, vector<16x64xf32>
    tpu.vector_store %arg7[%swap3A_168, %swap3A_169], %slice3A_167 {strides = array<i32>} : memref<2304x64xf32, #tpu.memory_space<vmem>>, vector<16x64xf32>,
    %slice3A_171 = vector.extract_strided_slice %select_n3A {offsets = [0, 2496], sizes = [16, 64], strides = [1, 1]} : vector<16x6400xf32> to vector<16x64xf32>
    %swap3A_172 = arith.constant 928 : index
    %swap3A_173 = arith.constant 0 : index
    %swap3A_174 = vector.load %arg7[%swap3A_172, %swap3A_173] : memref<2304x64xf32, #tpu.memory_space<vmem>>, vector<16x64xf32>
    tpu.vector_store %arg7[%swap3A_172, %swap3A_173], %slice3A_171 {strides = array<i32>} : memref<2304x64xf32, #tpu.memory_space<vmem>>, vector<16x64xf32>,
    %slice3A_175 = vector.extract_strided_slice %select_n3A {offsets = [0, 2560], sizes = [16, 64], strides = [1, 1]} : vector<16x6400xf32> to vector<16x64xf32>
    %swap3A_176 = arith.constant 976 : index
    %swap3A_177 = arith.constant 0 : index
    %swap3A_178 = vector.load %arg7[%swap3A_176, %swap3A_177] : memref<2304x64xf32, #tpu.memory_space<vmem>>, vector<16x64xf32>
    tpu.vector_store %arg7[%swap3A_176, %swap3A_177], %slice3A_175 {strides = array<i32>} : memref<2304x64xf32, #tpu.memory_space<vmem>>, vector<16x64xf32>,
    %slice3A_179 = vector.extract_strided_slice %select_n3A {offsets = [0, 2624], sizes = [16, 64], strides = [1, 1]} : vector<16x6400xf32> to vector<16x64xf32>
    %swap3A_180 = arith.constant 992 : index
    %swap3A_181 = arith.constant 0 : index
    %swap3A_182 = vector.load %arg7[%swap3A_180, %swap3A_181] : memref<2304x64xf32, #tpu.memory_space<vmem>>, vector<16x64xf32>
    tpu.vector_store %arg7[%swap3A_180, %swap3A_181], %slice3A_179 {strides = array<i32>} : memref<2304x64xf32, #tpu.memory_space<vmem>>, vector<16x64xf32>,
    %slice3A_183 = vector.extract_strided_slice %select_n3A {offsets = [0, 2688], sizes = [16, 64], strides = [1, 1]} : vector<16x6400xf32> to vector<16x64xf32>
    %swap3A_184 = arith.constant 1008 : index
    %swap3A_185 = arith.constant 0 : index
    %swap3A_186 = vector.load %arg7[%swap3A_184, %swap3A_185] : memref<2304x64xf32, #tpu.memory_space<vmem>>, vector<16x64xf32>
    tpu.vector_store %arg7[%swap3A_184, %swap3A_185], %slice3A_183 {strides = array<i32>} : memref<2304x64xf32, #tpu.memory_space<vmem>>, vector<16x64xf32>,
    %slice3A_187 = vector.extract_strided_slice %select_n3A {offsets = [0, 2752], sizes = [16, 64], strides = [1, 1]} : vector<16x6400xf32> to vector<16x64xf32>
    %swap3A_188 = arith.constant 1024 : index
    %swap3A_189 = arith.constant 0 : index
    %swap3A_190 = vector.load %arg7[%swap3A_188, %swap3A_189] : memref<2304x64xf32, #tpu.memory_space<vmem>>, vector<16x64xf32>
    tpu.vector_store %arg7[%swap3A_188, %swap3A_189], %slice3A_187 {strides = array<i32>} : memref<2304x64xf32, #tpu.memory_space<vmem>>, vector<16x64xf32>,
    %slice3A_191 = vector.extract_strided_slice %select_n3A {offsets = [0, 2816], sizes = [16, 64], strides = [1, 1]} : vector<16x6400xf32> to vector<16x64xf32>
    %swap3A_192 = arith.constant 1040 : index
    %swap3A_193 = arith.constant 0 : index
    %swap3A_194 = vector.load %arg7[%swap3A_192, %swap3A_193] : memref<2304x64xf32, #tpu.memory_space<vmem>>, vector<16x64xf32>
    tpu.vector_store %arg7[%swap3A_192, %swap3A_193], %slice3A_191 {strides = array<i32>} : memref<2304x64xf32, #tpu.memory_space<vmem>>, vector<16x64xf32>,
    %slice3A_195 = vector.extract_strided_slice %select_n3A {offsets = [0, 2880], sizes = [16, 64], strides = [1, 1]} : vector<16x6400xf32> to vector<16x64xf32>
    %swap3A_196 = arith.constant 1056 : index
    %swap3A_197 = arith.constant 0 : index
    %swap3A_198 = vector.load %arg7[%swap3A_196, %swap3A_197] : memref<2304x64xf32, #tpu.memory_space<vmem>>, vector<16x64xf32>
    tpu.vector_store %arg7[%swap3A_196, %swap3A_197], %slice3A_195 {strides = array<i32>} : memref<2304x64xf32, #tpu.memory_space<vmem>>, vector<16x64xf32>,
    %slice3A_199 = vector.extract_strided_slice %select_n3A {offsets = [0, 2944], sizes = [16, 64], strides = [1, 1]} : vector<16x6400xf32> to vector<16x64xf32>
    %swap3A_200 = arith.constant 1072 : index
    %swap3A_201 = arith.constant 0 : index
    %swap3A_202 = vector.load %arg7[%swap3A_200, %swap3A_201] : memref<2304x64xf32, #tpu.memory_space<vmem>>, vector<16x64xf32>
    tpu.vector_store %arg7[%swap3A_200, %swap3A_201], %slice3A_199 {strides = array<i32>} : memref<2304x64xf32, #tpu.memory_space<vmem>>, vector<16x64xf32>,
    %slice3A_203 = vector.extract_strided_slice %select_n3A {offsets = [0, 3008], sizes = [16, 64], strides = [1, 1]} : vector<16x6400xf32> to vector<16x64xf32>
    %swap3A_204 = arith.constant 1088 : index
    %swap3A_205 = arith.constant 0 : index
    %swap3A_206 = vector.load %arg7[%swap3A_204, %swap3A_205] : memref<2304x64xf32, #tpu.memory_space<vmem>>, vector<16x64xf32>
    tpu.vector_store %arg7[%swap3A_204, %swap3A_205], %slice3A_203 {strides = array<i32>} : memref<2304x64xf32, #tpu.memory_space<vmem>>, vector<16x64xf32>,
    %slice3A_207 = vector.extract_strided_slice %select_n3A {offsets = [0, 3072], sizes = [16, 64], strides = [1, 1]} : vector<16x6400xf32> to vector<16x64xf32>
    %swap3A_208 = arith.constant 1104 : index
    %swap3A_209 = arith.constant 0 : index
    %swap3A_210 = vector.load %arg7[%swap3A_208, %swap3A_209] : memref<2304x64xf32, #tpu.memory_space<vmem>>, vector<16x64xf32>
    tpu.vector_store %arg7[%swap3A_208, %swap3A_209], %slice3A_207 {strides = array<i32>} : memref<2304x64xf32, #tpu.memory_space<vmem>>, vector<16x64xf32>,
    %slice3A_211 = vector.extract_strided_slice %select_n3A {offsets = [0, 3136], sizes = [16, 64], strides = [1, 1]} : vector<16x6400xf32> to vector<16x64xf32>
    %swap3A_212 = arith.constant 1120 : index
    %swap3A_213 = arith.constant 0 : index
    %swap3A_214 = vector.load %arg7[%swap3A_212, %swap3A_213] : memref<2304x64xf32, #tpu.memory_space<vmem>>, vector<16x64xf32>
    tpu.vector_store %arg7[%swap3A_212, %swap3A_213], %slice3A_211 {strides = array<i32>} : memref<2304x64xf32, #tpu.memory_space<vmem>>, vector<16x64xf32>,
    %slice3A_215 = vector.extract_strided_slice %select_n3A {offsets = [0, 3200], sizes = [16, 64], strides = [1, 1]} : vector<16x6400xf32> to vector<16x64xf32>
    %swap3A_216 = arith.constant 1168 : index
    %swap3A_217 = arith.constant 0 : index
    %swap3A_218 = vector.load %arg7[%swap3A_216, %swap3A_217] : memref<2304x64xf32, #tpu.memory_space<vmem>>, vector<16x64xf32>
    tpu.vector_store %arg7[%swap3A_216, %swap3A_217], %slice3A_215 {strides = array<i32>} : memref<2304x64xf32, #tpu.memory_space<vmem>>, vector<16x64xf32>,
    %slice3A_219 = vector.extract_strided_slice %select_n3A {offsets = [0, 3264], sizes = [16, 64], strides = [1, 1]} : vector<16x6400xf32> to vector<16x64xf32>
    %swap3A_220 = arith.constant 1184 : index
    %swap3A_221 = arith.constant 0 : index
    %swap3A_222 = vector.load %arg7[%swap3A_220, %swap3A_221] : memref<2304x64xf32, #tpu.memory_space<vmem>>, vector<16x64xf32>
    tpu.vector_store %arg7[%swap3A_220, %swap3A_221], %slice3A_219 {strides = array<i32>} : memref<2304x64xf32, #tpu.memory_space<vmem>>, vector<16x64xf32>,
    %slice3A_223 = vector.extract_strided_slice %select_n3A {offsets = [0, 3328], sizes = [16, 64], strides = [1, 1]} : vector<16x6400xf32> to vector<16x64xf32>
    %swap3A_224 = arith.constant 1200 : index
    %swap3A_225 = arith.constant 0 : index
    %swap3A_226 = vector.load %arg7[%swap3A_224, %swap3A_225] : memref<2304x64xf32, #tpu.memory_space<vmem>>, vector<16x64xf32>
    tpu.vector_store %arg7[%swap3A_224, %swap3A_225], %slice3A_223 {strides = array<i32>} : memref<2304x64xf32, #tpu.memory_space<vmem>>, vector<16x64xf32>,
    %slice3A_227 = vector.extract_strided_slice %select_n3A {offsets = [0, 3392], sizes = [16, 64], strides = [1, 1]} : vector<16x6400xf32> to vector<16x64xf32>
    %swap3A_228 = arith.constant 1216 : index
    %swap3A_229 = arith.constant 0 : index
    %swap3A_230 = vector.load %arg7[%swap3A_228, %swap3A_229] : memref<2304x64xf32, #tpu.memory_space<vmem>>, vector<16x64xf32>
    tpu.vector_store %arg7[%swap3A_228, %swap3A_229], %slice3A_227 {strides = array<i32>} : memref<2304x64xf32, #tpu.memory_space<vmem>>, vector<16x64xf32>,
    %slice3A_231 = vector.extract_strided_slice %select_n3A {offsets = [0, 3456], sizes = [16, 64], strides = [1, 1]} : vector<16x6400xf32> to vector<16x64xf32>
    %swap3A_232 = arith.constant 1232 : index
    %swap3A_233 = arith.constant 0 : index
    %swap3A_234 = vector.load %arg7[%swap3A_232, %swap3A_233] : memref<2304x64xf32, #tpu.memory_space<vmem>>, vector<16x64xf32>
    tpu.vector_store %arg7[%swap3A_232, %swap3A_233], %slice3A_231 {strides = array<i32>} : memref<2304x64xf32, #tpu.memory_space<vmem>>, vector<16x64xf32>,
    %slice3A_235 = vector.extract_strided_slice %select_n3A {offsets = [0, 3520], sizes = [16, 64], strides = [1, 1]} : vector<16x6400xf32> to vector<16x64xf32>
    %swap3A_236 = arith.constant 1248 : index
    %swap3A_237 = arith.constant 0 : index
    %swap3A_238 = vector.load %arg7[%swap3A_236, %swap3A_237] : memref<2304x64xf32, #tpu.memory_space<vmem>>, vector<16x64xf32>
    tpu.vector_store %arg7[%swap3A_236, %swap3A_237], %slice3A_235 {strides = array<i32>} : memref<2304x64xf32, #tpu.memory_space<vmem>>, vector<16x64xf32>,
    %slice3A_239 = vector.extract_strided_slice %select_n3A {offsets = [0, 3584], sizes = [16, 64], strides = [1, 1]} : vector<16x6400xf32> to vector<16x64xf32>
    %swap3A_240 = arith.constant 1264 : index
    %swap3A_241 = arith.constant 0 : index
    %swap3A_242 = vector.load %arg7[%swap3A_240, %swap3A_241] : memref<2304x64xf32, #tpu.memory_space<vmem>>, vector<16x64xf32>
    tpu.vector_store %arg7[%swap3A_240, %swap3A_241], %slice3A_239 {strides = array<i32>} : memref<2304x64xf32, #tpu.memory_space<vmem>>, vector<16x64xf32>,
    %slice3A_243 = vector.extract_strided_slice %select_n3A {offsets = [0, 3648], sizes = [16, 64], strides = [1, 1]} : vector<16x6400xf32> to vector<16x64xf32>
    %swap3A_244 = arith.constant 1280 : index
    %swap3A_245 = arith.constant 0 : index
    %swap3A_246 = vector.load %arg7[%swap3A_244, %swap3A_245] : memref<2304x64xf32, #tpu.memory_space<vmem>>, vector<16x64xf32>
    tpu.vector_store %arg7[%swap3A_244, %swap3A_245], %slice3A_243 {strides = array<i32>} : memref<2304x64xf32, #tpu.memory_space<vmem>>, vector<16x64xf32>,
    %slice3A_247 = vector.extract_strided_slice %select_n3A {offsets = [0, 3712], sizes = [16, 64], strides = [1, 1]} : vector<16x6400xf32> to vector<16x64xf32>
    %swap3A_248 = arith.constant 1296 : index
    %swap3A_249 = arith.constant 0 : index
    %swap3A_250 = vector.load %arg7[%swap3A_248, %swap3A_249] : memref<2304x64xf32, #tpu.memory_space<vmem>>, vector<16x64xf32>
    tpu.vector_store %arg7[%swap3A_248, %swap3A_249], %slice3A_247 {strides = array<i32>} : memref<2304x64xf32, #tpu.memory_space<vmem>>, vector<16x64xf32>,
    %slice3A_251 = vector.extract_strided_slice %select_n3A {offsets = [0, 3776], sizes = [16, 64], strides = [1, 1]} : vector<16x6400xf32> to vector<16x64xf32>
    %swap3A_252 = arith.constant 1312 : index
    %swap3A_253 = arith.constant 0 : index
    %swap3A_254 = vector.load %arg7[%swap3A_252, %swap3A_253] : memref<2304x64xf32, #tpu.memory_space<vmem>>, vector<16x64xf32>
    tpu.vector_store %arg7[%swap3A_252, %swap3A_253], %slice3A_251 {strides = array<i32>} : memref<2304x64xf32, #tpu.memory_space<vmem>>, vector<16x64xf32>,
    %slice3A_255 = vector.extract_strided_slice %select_n3A {offsets = [0, 3840], sizes = [16, 64], strides = [1, 1]} : vector<16x6400xf32> to vector<16x64xf32>
    %swap3A_256 = arith.constant 1360 : index
    %swap3A_257 = arith.constant 0 : index
    %swap3A_258 = vector.load %arg7[%swap3A_256, %swap3A_257] : memref<2304x64xf32, #tpu.memory_space<vmem>>, vector<16x64xf32>
    tpu.vector_store %arg7[%swap3A_256, %swap3A_257], %slice3A_255 {strides = array<i32>} : memref<2304x64xf32, #tpu.memory_space<vmem>>, vector<16x64xf32>,
    %slice3A_259 = vector.extract_strided_slice %select_n3A {offsets = [0, 3904], sizes = [16, 64], strides = [1, 1]} : vector<16x6400xf32> to vector<16x64xf32>
    %swap3A_260 = arith.constant 1376 : index
    %swap3A_261 = arith.constant 0 : index
    %swap3A_262 = vector.load %arg7[%swap3A_260, %swap3A_261] : memref<2304x64xf32, #tpu.memory_space<vmem>>, vector<16x64xf32>
    tpu.vector_store %arg7[%swap3A_260, %swap3A_261], %slice3A_259 {strides = array<i32>} : memref<2304x64xf32, #tpu.memory_space<vmem>>, vector<16x64xf32>,
    %slice3A_263 = vector.extract_strided_slice %select_n3A {offsets = [0, 3968], sizes = [16, 64], strides = [1, 1]} : vector<16x6400xf32> to vector<16x64xf32>
    %swap3A_264 = arith.constant 1392 : index
    %swap3A_265 = arith.constant 0 : index
    %swap3A_266 = vector.load %arg7[%swap3A_264, %swap3A_265] : memref<2304x64xf32, #tpu.memory_space<vmem>>, vector<16x64xf32>
    tpu.vector_store %arg7[%swap3A_264, %swap3A_265], %slice3A_263 {strides = array<i32>} : memref<2304x64xf32, #tpu.memory_space<vmem>>, vector<16x64xf32>,
    %slice3A_267 = vector.extract_strided_slice %select_n3A {offsets = [0, 4032], sizes = [16, 64], strides = [1, 1]} : vector<16x6400xf32> to vector<16x64xf32>
    %swap3A_268 = arith.constant 1408 : index
    %swap3A_269 = arith.constant 0 : index
    %swap3A_270 = vector.load %arg7[%swap3A_268, %swap3A_269] : memref<2304x64xf32, #tpu.memory_space<vmem>>, vector<16x64xf32>
    tpu.vector_store %arg7[%swap3A_268, %swap3A_269], %slice3A_267 {strides = array<i32>} : memref<2304x64xf32, #tpu.memory_space<vmem>>, vector<16x64xf32>,
    %slice3A_271 = vector.extract_strided_slice %select_n3A {offsets = [0, 4096], sizes = [16, 64], strides = [1, 1]} : vector<16x6400xf32> to vector<16x64xf32>
    %swap3A_272 = arith.constant 1424 : index
    %swap3A_273 = arith.constant 0 : index
    %swap3A_274 = vector.load %arg7[%swap3A_272, %swap3A_273] : memref<2304x64xf32, #tpu.memory_space<vmem>>, vector<16x64xf32>
    tpu.vector_store %arg7[%swap3A_272, %swap3A_273], %slice3A_271 {strides = array<i32>} : memref<2304x64xf32, #tpu.memory_space<vmem>>, vector<16x64xf32>,
    %slice3A_275 = vector.extract_strided_slice %select_n3A {offsets = [0, 4160], sizes = [16, 64], strides = [1, 1]} : vector<16x6400xf32> to vector<16x64xf32>
    %swap3A_276 = arith.constant 1440 : index
    %swap3A_277 = arith.constant 0 : index
    %swap3A_278 = vector.load %arg7[%swap3A_276, %swap3A_277] : memref<2304x64xf32, #tpu.memory_space<vmem>>, vector<16x64xf32>
    tpu.vector_store %arg7[%swap3A_276, %swap3A_277], %slice3A_275 {strides = array<i32>} : memref<2304x64xf32, #tpu.memory_space<vmem>>, vector<16x64xf32>,
    %slice3A_279 = vector.extract_strided_slice %select_n3A {offsets = [0, 4224], sizes = [16, 64], strides = [1, 1]} : vector<16x6400xf32> to vector<16x64xf32>
    %swap3A_280 = arith.constant 1456 : index
    %swap3A_281 = arith.constant 0 : index
    %swap3A_282 = vector.load %arg7[%swap3A_280, %swap3A_281] : memref<2304x64xf32, #tpu.memory_space<vmem>>, vector<16x64xf32>
    tpu.vector_store %arg7[%swap3A_280, %swap3A_281], %slice3A_279 {strides = array<i32>} : memref<2304x64xf32, #tpu.memory_space<vmem>>, vector<16x64xf32>,
    %slice3A_283 = vector.extract_strided_slice %select_n3A {offsets = [0, 4288], sizes = [16, 64], strides = [1, 1]} : vector<16x6400xf32> to vector<16x64xf32>
    %swap3A_284 = arith.constant 1472 : index
    %swap3A_285 = arith.constant 0 : index
    %swap3A_286 = vector.load %arg7[%swap3A_284, %swap3A_285] : memref<2304x64xf32, #tpu.memory_space<vmem>>, vector<16x64xf32>
    tpu.vector_store %arg7[%swap3A_284, %swap3A_285], %slice3A_283 {strides = array<i32>} : memref<2304x64xf32, #tpu.memory_space<vmem>>, vector<16x64xf32>,
    %slice3A_287 = vector.extract_strided_slice %select_n3A {offsets = [0, 4352], sizes = [16, 64], strides = [1, 1]} : vector<16x6400xf32> to vector<16x64xf32>
    %swap3A_288 = arith.constant 1488 : index
    %swap3A_289 = arith.constant 0 : index
    %swap3A_290 = vector.load %arg7[%swap3A_288, %swap3A_289] : memref<2304x64xf32, #tpu.memory_space<vmem>>, vector<16x64xf32>
    tpu.vector_store %arg7[%swap3A_288, %swap3A_289], %slice3A_287 {strides = array<i32>} : memref<2304x64xf32, #tpu.memory_space<vmem>>, vector<16x64xf32>,
    %slice3A_291 = vector.extract_strided_slice %select_n3A {offsets = [0, 4416], sizes = [16, 64], strides = [1, 1]} : vector<16x6400xf32> to vector<16x64xf32>
    %swap3A_292 = arith.constant 1504 : index
    %swap3A_293 = arith.constant 0 : index
    %swap3A_294 = vector.load %arg7[%swap3A_292, %swap3A_293] : memref<2304x64xf32, #tpu.memory_space<vmem>>, vector<16x64xf32>
    tpu.vector_store %arg7[%swap3A_292, %swap3A_293], %slice3A_291 {strides = array<i32>} : memref<2304x64xf32, #tpu.memory_space<vmem>>, vector<16x64xf32>,
    %slice3A_295 = vector.extract_strided_slice %select_n3A {offsets = [0, 4480], sizes = [16, 64], strides = [1, 1]} : vector<16x6400xf32> to vector<16x64xf32>
    %swap3A_296 = arith.constant 1552 : index
    %swap3A_297 = arith.constant 0 : index
    %swap3A_298 = vector.load %arg7[%swap3A_296, %swap3A_297] : memref<2304x64xf32, #tpu.memory_space<vmem>>, vector<16x64xf32>
    tpu.vector_store %arg7[%swap3A_296, %swap3A_297], %slice3A_295 {strides = array<i32>} : memref<2304x64xf32, #tpu.memory_space<vmem>>, vector<16x64xf32>,
    %slice3A_299 = vector.extract_strided_slice %select_n3A {offsets = [0, 4544], sizes = [16, 64], strides = [1, 1]} : vector<16x6400xf32> to vector<16x64xf32>
    %swap3A_300 = arith.constant 1568 : index
    %swap3A_301 = arith.constant 0 : index
    %swap3A_302 = vector.load %arg7[%swap3A_300, %swap3A_301] : memref<2304x64xf32, #tpu.memory_space<vmem>>, vector<16x64xf32>
    tpu.vector_store %arg7[%swap3A_300, %swap3A_301], %slice3A_299 {strides = array<i32>} : memref<2304x64xf32, #tpu.memory_space<vmem>>, vector<16x64xf32>,
    %slice3A_303 = vector.extract_strided_slice %select_n3A {offsets = [0, 4608], sizes = [16, 64], strides = [1, 1]} : vector<16x6400xf32> to vector<16x64xf32>
    %swap3A_304 = arith.constant 1584 : index
    %swap3A_305 = arith.constant 0 : index
    %swap3A_306 = vector.load %arg7[%swap3A_304, %swap3A_305] : memref<2304x64xf32, #tpu.memory_space<vmem>>, vector<16x64xf32>
    tpu.vector_store %arg7[%swap3A_304, %swap3A_305], %slice3A_303 {strides = array<i32>} : memref<2304x64xf32, #tpu.memory_space<vmem>>, vector<16x64xf32>,
    %slice3A_307 = vector.extract_strided_slice %select_n3A {offsets = [0, 4672], sizes = [16, 64], strides = [1, 1]} : vector<16x6400xf32> to vector<16x64xf32>
    %swap3A_308 = arith.constant 1600 : index
    %swap3A_309 = arith.constant 0 : index
    %swap3A_310 = vector.load %arg7[%swap3A_308, %swap3A_309] : memref<2304x64xf32, #tpu.memory_space<vmem>>, vector<16x64xf32>
    tpu.vector_store %arg7[%swap3A_308, %swap3A_309], %slice3A_307 {strides = array<i32>} : memref<2304x64xf32, #tpu.memory_space<vmem>>, vector<16x64xf32>,
    %slice3A_311 = vector.extract_strided_slice %select_n3A {offsets = [0, 4736], sizes = [16, 64], strides = [1, 1]} : vector<16x6400xf32> to vector<16x64xf32>
    %swap3A_312 = arith.constant 1616 : index
    %swap3A_313 = arith.constant 0 : index
    %swap3A_314 = vector.load %arg7[%swap3A_312, %swap3A_313] : memref<2304x64xf32, #tpu.memory_space<vmem>>, vector<16x64xf32>
    tpu.vector_store %arg7[%swap3A_312, %swap3A_313], %slice3A_311 {strides = array<i32>} : memref<2304x64xf32, #tpu.memory_space<vmem>>, vector<16x64xf32>,
    %slice3A_315 = vector.extract_strided_slice %select_n3A {offsets = [0, 4800], sizes = [16, 64], strides = [1, 1]} : vector<16x6400xf32> to vector<16x64xf32>
    %swap3A_316 = arith.constant 1632 : index
    %swap3A_317 = arith.constant 0 : index
    %swap3A_318 = vector.load %arg7[%swap3A_316, %swap3A_317] : memref<2304x64xf32, #tpu.memory_space<vmem>>, vector<16x64xf32>
    tpu.vector_store %arg7[%swap3A_316, %swap3A_317], %slice3A_315 {strides = array<i32>} : memref<2304x64xf32, #tpu.memory_space<vmem>>, vector<16x64xf32>,
    %slice3A_319 = vector.extract_strided_slice %select_n3A {offsets = [0, 4864], sizes = [16, 64], strides = [1, 1]} : vector<16x6400xf32> to vector<16x64xf32>
    %swap3A_320 = arith.constant 1648 : index
    %swap3A_321 = arith.constant 0 : index
    %swap3A_322 = vector.load %arg7[%swap3A_320, %swap3A_321] : memref<2304x64xf32, #tpu.memory_space<vmem>>, vector<16x64xf32>
    tpu.vector_store %arg7[%swap3A_320, %swap3A_321], %slice3A_319 {strides = array<i32>} : memref<2304x64xf32, #tpu.memory_space<vmem>>, vector<16x64xf32>,
    %slice3A_323 = vector.extract_strided_slice %select_n3A {offsets = [0, 4928], sizes = [16, 64], strides = [1, 1]} : vector<16x6400xf32> to vector<16x64xf32>
    %swap3A_324 = arith.constant 1664 : index
    %swap3A_325 = arith.constant 0 : index
    %swap3A_326 = vector.load %arg7[%swap3A_324, %swap3A_325] : memref<2304x64xf32, #tpu.memory_space<vmem>>, vector<16x64xf32>
    tpu.vector_store %arg7[%swap3A_324, %swap3A_325], %slice3A_323 {strides = array<i32>} : memref<2304x64xf32, #tpu.memory_space<vmem>>, vector<16x64xf32>,
    %slice3A_327 = vector.extract_strided_slice %select_n3A {offsets = [0, 4992], sizes = [16, 64], strides = [1, 1]} : vector<16x6400xf32> to vector<16x64xf32>
    %swap3A_328 = arith.constant 1680 : index
    %swap3A_329 = arith.constant 0 : index
    %swap3A_330 = vector.load %arg7[%swap3A_328, %swap3A_329] : memref<2304x64xf32, #tpu.memory_space<vmem>>, vector<16x64xf32>
    tpu.vector_store %arg7[%swap3A_328, %swap3A_329], %slice3A_327 {strides = array<i32>} : memref<2304x64xf32, #tpu.memory_space<vmem>>, vector<16x64xf32>,
    %slice3A_331 = vector.extract_strided_slice %select_n3A {offsets = [0, 5056], sizes = [16, 64], strides = [1, 1]} : vector<16x6400xf32> to vector<16x64xf32>
    %swap3A_332 = arith.constant 1696 : index
    %swap3A_333 = arith.constant 0 : index
    %swap3A_334 = vector.load %arg7[%swap3A_332, %swap3A_333] : memref<2304x64xf32, #tpu.memory_space<vmem>>, vector<16x64xf32>
    tpu.vector_store %arg7[%swap3A_332, %swap3A_333], %slice3A_331 {strides = array<i32>} : memref<2304x64xf32, #tpu.memory_space<vmem>>, vector<16x64xf32>,
    %slice3A_335 = vector.extract_strided_slice %select_n3A {offsets = [0, 5120], sizes = [16, 64], strides = [1, 1]} : vector<16x6400xf32> to vector<16x64xf32>
    %swap3A_336 = arith.constant 1744 : index
    %swap3A_337 = arith.constant 0 : index
    %swap3A_338 = vector.load %arg7[%swap3A_336, %swap3A_337] : memref<2304x64xf32, #tpu.memory_space<vmem>>, vector<16x64xf32>
    tpu.vector_store %arg7[%swap3A_336, %swap3A_337], %slice3A_335 {strides = array<i32>} : memref<2304x64xf32, #tpu.memory_space<vmem>>, vector<16x64xf32>,
    %slice3A_339 = vector.extract_strided_slice %select_n3A {offsets = [0, 5184], sizes = [16, 64], strides = [1, 1]} : vector<16x6400xf32> to vector<16x64xf32>
    %swap3A_340 = arith.constant 1760 : index
    %swap3A_341 = arith.constant 0 : index
    %swap3A_342 = vector.load %arg7[%swap3A_340, %swap3A_341] : memref<2304x64xf32, #tpu.memory_space<vmem>>, vector<16x64xf32>
    tpu.vector_store %arg7[%swap3A_340, %swap3A_341], %slice3A_339 {strides = array<i32>} : memref<2304x64xf32, #tpu.memory_space<vmem>>, vector<16x64xf32>,
    %slice3A_343 = vector.extract_strided_slice %select_n3A {offsets = [0, 5248], sizes = [16, 64], strides = [1, 1]} : vector<16x6400xf32> to vector<16x64xf32>
    %swap3A_344 = arith.constant 1776 : index
    %swap3A_345 = arith.constant 0 : index
    %swap3A_346 = vector.load %arg7[%swap3A_344, %swap3A_345] : memref<2304x64xf32, #tpu.memory_space<vmem>>, vector<16x64xf32>
    tpu.vector_store %arg7[%swap3A_344, %swap3A_345], %slice3A_343 {strides = array<i32>} : memref<2304x64xf32, #tpu.memory_space<vmem>>, vector<16x64xf32>,
    %slice3A_347 = vector.extract_strided_slice %select_n3A {offsets = [0, 5312], sizes = [16, 64], strides = [1, 1]} : vector<16x6400xf32> to vector<16x64xf32>
    %swap3A_348 = arith.constant 1792 : index
    %swap3A_349 = arith.constant 0 : index
    %swap3A_350 = vector.load %arg7[%swap3A_348, %swap3A_349] : memref<2304x64xf32, #tpu.memory_space<vmem>>, vector<16x64xf32>
    tpu.vector_store %arg7[%swap3A_348, %swap3A_349], %slice3A_347 {strides = array<i32>} : memref<2304x64xf32, #tpu.memory_space<vmem>>, vector<16x64xf32>,
    %slice3A_351 = vector.extract_strided_slice %select_n3A {offsets = [0, 5376], sizes = [16, 64], strides = [1, 1]} : vector<16x6400xf32> to vector<16x64xf32>
    %swap3A_352 = arith.constant 1808 : index
    %swap3A_353 = arith.constant 0 : index
    %swap3A_354 = vector.load %arg7[%swap3A_352, %swap3A_353] : memref<2304x64xf32, #tpu.memory_space<vmem>>, vector<16x64xf32>
    tpu.vector_store %arg7[%swap3A_352, %swap3A_353], %slice3A_351 {strides = array<i32>} : memref<2304x64xf32, #tpu.memory_space<vmem>>, vector<16x64xf32>,
    %slice3A_355 = vector.extract_strided_slice %select_n3A {offsets = [0, 5440], sizes = [16, 64], strides = [1, 1]} : vector<16x6400xf32> to vector<16x64xf32>
    %swap3A_356 = arith.constant 1824 : index
    %swap3A_357 = arith.constant 0 : index
    %swap3A_358 = vector.load %arg7[%swap3A_356, %swap3A_357] : memref<2304x64xf32, #tpu.memory_space<vmem>>, vector<16x64xf32>
    tpu.vector_store %arg7[%swap3A_356, %swap3A_357], %slice3A_355 {strides = array<i32>} : memref<2304x64xf32, #tpu.memory_space<vmem>>, vector<16x64xf32>,
    %slice3A_359 = vector.extract_strided_slice %select_n3A {offsets = [0, 5504], sizes = [16, 64], strides = [1, 1]} : vector<16x6400xf32> to vector<16x64xf32>
    %swap3A_360 = arith.constant 1840 : index
    %swap3A_361 = arith.constant 0 : index
    %swap3A_362 = vector.load %arg7[%swap3A_360, %swap3A_361] : memref<2304x64xf32, #tpu.memory_space<vmem>>, vector<16x64xf32>
    tpu.vector_store %arg7[%swap3A_360, %swap3A_361], %slice3A_359 {strides = array<i32>} : memref<2304x64xf32, #tpu.memory_space<vmem>>, vector<16x64xf32>,
    %slice3A_363 = vector.extract_strided_slice %select_n3A {offsets = [0, 5568], sizes = [16, 64], strides = [1, 1]} : vector<16x6400xf32> to vector<16x64xf32>
    %swap3A_364 = arith.constant 1856 : index
    %swap3A_365 = arith.constant 0 : index
    %swap3A_366 = vector.load %arg7[%swap3A_364, %swap3A_365] : memref<2304x64xf32, #tpu.memory_space<vmem>>, vector<16x64xf32>
    tpu.vector_store %arg7[%swap3A_364, %swap3A_365], %slice3A_363 {strides = array<i32>} : memref<2304x64xf32, #tpu.memory_space<vmem>>, vector<16x64xf32>,
    %slice3A_367 = vector.extract_strided_slice %select_n3A {offsets = [0, 5632], sizes = [16, 64], strides = [1, 1]} : vector<16x6400xf32> to vector<16x64xf32>
    %swap3A_368 = arith.constant 1872 : index
    %swap3A_369 = arith.constant 0 : index
    %swap3A_370 = vector.load %arg7[%swap3A_368, %swap3A_369] : memref<2304x64xf32, #tpu.memory_space<vmem>>, vector<16x64xf32>
    tpu.vector_store %arg7[%swap3A_368, %swap3A_369], %slice3A_367 {strides = array<i32>} : memref<2304x64xf32, #tpu.memory_space<vmem>>, vector<16x64xf32>,
    %slice3A_371 = vector.extract_strided_slice %select_n3A {offsets = [0, 5696], sizes = [16, 64], strides = [1, 1]} : vector<16x6400xf32> to vector<16x64xf32>
    %swap3A_372 = arith.constant 1888 : index
    %swap3A_373 = arith.constant 0 : index
    %swap3A_374 = vector.load %arg7[%swap3A_372, %swap3A_373] : memref<2304x64xf32, #tpu.memory_space<vmem>>, vector<16x64xf32>
    tpu.vector_store %arg7[%swap3A_372, %swap3A_373], %slice3A_371 {strides = array<i32>} : memref<2304x64xf32, #tpu.memory_space<vmem>>, vector<16x64xf32>,
    %slice3A_375 = vector.extract_strided_slice %select_n3A {offsets = [0, 5760], sizes = [16, 64], strides = [1, 1]} : vector<16x6400xf32> to vector<16x64xf32>
    %swap3A_376 = arith.constant 1936 : index
    %swap3A_377 = arith.constant 0 : index
    %swap3A_378 = vector.load %arg7[%swap3A_376, %swap3A_377] : memref<2304x64xf32, #tpu.memory_space<vmem>>, vector<16x64xf32>
    tpu.vector_store %arg7[%swap3A_376, %swap3A_377], %slice3A_375 {strides = array<i32>} : memref<2304x64xf32, #tpu.memory_space<vmem>>, vector<16x64xf32>,
    %slice3A_379 = vector.extract_strided_slice %select_n3A {offsets = [0, 5824], sizes = [16, 64], strides = [1, 1]} : vector<16x6400xf32> to vector<16x64xf32>
    %swap3A_380 = arith.constant 1952 : index
    %swap3A_381 = arith.constant 0 : index
    %swap3A_382 = vector.load %arg7[%swap3A_380, %swap3A_381] : memref<2304x64xf32, #tpu.memory_space<vmem>>, vector<16x64xf32>
    tpu.vector_store %arg7[%swap3A_380, %swap3A_381], %slice3A_379 {strides = array<i32>} : memref<2304x64xf32, #tpu.memory_space<vmem>>, vector<16x64xf32>,
    %slice3A_383 = vector.extract_strided_slice %select_n3A {offsets = [0, 5888], sizes = [16, 64], strides = [1, 1]} : vector<16x6400xf32> to vector<16x64xf32>
    %swap3A_384 = arith.constant 1968 : index
    %swap3A_385 = arith.constant 0 : index
    %swap3A_386 = vector.load %arg7[%swap3A_384, %swap3A_385] : memref<2304x64xf32, #tpu.memory_space<vmem>>, vector<16x64xf32>
    tpu.vector_store %arg7[%swap3A_384, %swap3A_385], %slice3A_383 {strides = array<i32>} : memref<2304x64xf32, #tpu.memory_space<vmem>>, vector<16x64xf32>,
    %slice3A_387 = vector.extract_strided_slice %select_n3A {offsets = [0, 5952], sizes = [16, 64], strides = [1, 1]} : vector<16x6400xf32> to vector<16x64xf32>
    %swap3A_388 = arith.constant 1984 : index
    %swap3A_389 = arith.constant 0 : index
    %swap3A_390 = vector.load %arg7[%swap3A_388, %swap3A_389] : memref<2304x64xf32, #tpu.memory_space<vmem>>, vector<16x64xf32>
    tpu.vector_store %arg7[%swap3A_388, %swap3A_389], %slice3A_387 {strides = array<i32>} : memref<2304x64xf32, #tpu.memory_space<vmem>>, vector<16x64xf32>,
    %slice3A_391 = vector.extract_strided_slice %select_n3A {offsets = [0, 6016], sizes = [16, 64], strides = [1, 1]} : vector<16x6400xf32> to vector<16x64xf32>
    %swap3A_392 = arith.constant 2000 : index
    %swap3A_393 = arith.constant 0 : index
    %swap3A_394 = vector.load %arg7[%swap3A_392, %swap3A_393] : memref<2304x64xf32, #tpu.memory_space<vmem>>, vector<16x64xf32>
    tpu.vector_store %arg7[%swap3A_392, %swap3A_393], %slice3A_391 {strides = array<i32>} : memref<2304x64xf32, #tpu.memory_space<vmem>>, vector<16x64xf32>,
    %slice3A_395 = vector.extract_strided_slice %select_n3A {offsets = [0, 6080], sizes = [16, 64], strides = [1, 1]} : vector<16x6400xf32> to vector<16x64xf32>
    %swap3A_396 = arith.constant 2016 : index
    %swap3A_397 = arith.constant 0 : index
    %swap3A_398 = vector.load %arg7[%swap3A_396, %swap3A_397] : memref<2304x64xf32, #tpu.memory_space<vmem>>, vector<16x64xf32>
    tpu.vector_store %arg7[%swap3A_396, %swap3A_397], %slice3A_395 {strides = array<i32>} : memref<2304x64xf32, #tpu.memory_space<vmem>>, vector<16x64xf32>,
    %slice3A_399 = vector.extract_strided_slice %select_n3A {offsets = [0, 6144], sizes = [16, 64], strides = [1, 1]} : vector<16x6400xf32> to vector<16x64xf32>
    %swap3A_400 = arith.constant 2032 : index
    %swap3A_401 = arith.constant 0 : index
    %swap3A_402 = vector.load %arg7[%swap3A_400, %swap3A_401] : memref<2304x64xf32, #tpu.memory_space<vmem>>, vector<16x64xf32>
    tpu.vector_store %arg7[%swap3A_400, %swap3A_401], %slice3A_399 {strides = array<i32>} : memref<2304x64xf32, #tpu.memory_space<vmem>>, vector<16x64xf32>,
    %slice3A_403 = vector.extract_strided_slice %select_n3A {offsets = [0, 6208], sizes = [16, 64], strides = [1, 1]} : vector<16x6400xf32> to vector<16x64xf32>
    %swap3A_404 = arith.constant 2048 : index
    %swap3A_405 = arith.constant 0 : index
    %swap3A_406 = vector.load %arg7[%swap3A_404, %swap3A_405] : memref<2304x64xf32, #tpu.memory_space<vmem>>, vector<16x64xf32>
    tpu.vector_store %arg7[%swap3A_404, %swap3A_405], %slice3A_403 {strides = array<i32>} : memref<2304x64xf32, #tpu.memory_space<vmem>>, vector<16x64xf32>,
    %slice3A_407 = vector.extract_strided_slice %select_n3A {offsets = [0, 6272], sizes = [16, 64], strides = [1, 1]} : vector<16x6400xf32> to vector<16x64xf32>
    %swap3A_408 = arith.constant 2064 : index
    %swap3A_409 = arith.constant 0 : index
    %swap3A_410 = vector.load %arg7[%swap3A_408, %swap3A_409] : memref<2304x64xf32, #tpu.memory_space<vmem>>, vector<16x64xf32>
    tpu.vector_store %arg7[%swap3A_408, %swap3A_409], %slice3A_407 {strides = array<i32>} : memref<2304x64xf32, #tpu.memory_space<vmem>>, vector<16x64xf32>,
    %slice3A_411 = vector.extract_strided_slice %select_n3A {offsets = [0, 6336], sizes = [16, 64], strides = [1, 1]} : vector<16x6400xf32> to vector<16x64xf32>
    %swap3A_412 = arith.constant 2080 : index
    %swap3A_413 = arith.constant 0 : index
    %swap3A_414 = vector.load %arg7[%swap3A_412, %swap3A_413] : memref<2304x64xf32, #tpu.memory_space<vmem>>, vector<16x64xf32>
    tpu.vector_store %arg7[%swap3A_412, %swap3A_413], %slice3A_411 {strides = array<i32>} : memref<2304x64xf32, #tpu.memory_space<vmem>>, vector<16x64xf32>,
    %get3A_415 = arith.constant 0 : index
    %get3A_416 = arith.constant 0 : index
    %get3A_417 = vector.load %arg7[%get3A_415, %get3A_416] : memref<2304x64xf32, #tpu.memory_space<vmem>>, vector<1888x64xf32>
    %get3A_418 = arith.constant 0 : index
    %get3A_419 = arith.constant 0 : index
    %get3A_420 = arith.constant 0 : index
    %get3A_421 = arith.constant 0 : index
    %get3A_422 = vector.load %arg3[%get3A_418, %get3A_419, %get3A_420, %get3A_421] : memref<3x3x64x128xf32, #tpu.memory_space<vmem>>, vector<1x1x64x128xf32>
    %get3A_423 = vector.shape_cast %get3A_422 : vector<1x1x64x128xf32> to vector<64x128xf32>
    %dot_general3A_424 = arith.constant dense<0.000000e+00> : vector<1888x128xf32>
    %dot_general3A_425 = tpu.matmul %get3A_417, %get3A_423, %dot_general3A_424 {dimension_numbers = #tpu.dot_dimension_numbers<[1], [0], [0], [1], [0, 0, 1, 1], [], []>, transpose_lhs_hint = false} : vector<1888x64xf32>, vector<64x128xf32>, vector<1888x128xf32> -> vector<1888x128xf32>
    %get3A_426 = arith.constant 16 : index
    %get3A_427 = arith.constant 0 : index
    %get3A_428 = vector.load %arg7[%get3A_426, %get3A_427] : memref<2304x64xf32, #tpu.memory_space<vmem>>, vector<1888x64xf32>
    %get3A_429 = arith.constant 0 : index
    %get3A_430 = arith.constant 1 : index
    %get3A_431 = arith.constant 0 : index
    %get3A_432 = arith.constant 0 : index
    %get3A_433 = vector.load %arg3[%get3A_429, %get3A_430, %get3A_431, %get3A_432] : memref<3x3x64x128xf32, #tpu.memory_space<vmem>>, vector<1x1x64x128xf32>
    %get3A_434 = vector.shape_cast %get3A_433 : vector<1x1x64x128xf32> to vector<64x128xf32>
    %dot_general3A_435 = arith.constant dense<0.000000e+00> : vector<1888x128xf32>
    %dot_general3A_436 = tpu.matmul %get3A_428, %get3A_434, %dot_general3A_435 {dimension_numbers = #tpu.dot_dimension_numbers<[1], [0], [0], [1], [0, 0, 1, 1], [], []>, transpose_lhs_hint = false} : vector<1888x64xf32>, vector<64x128xf32>, vector<1888x128xf32> -> vector<1888x128xf32>
    %add3A = arith.addf %dot_general3A_425, %dot_general3A_436 : vector<1888x128xf32>
    %get3A_437 = arith.constant 32 : index
    %get3A_438 = arith.constant 0 : index
    %get3A_439 = vector.load %arg7[%get3A_437, %get3A_438] : memref<2304x64xf32, #tpu.memory_space<vmem>>, vector<1888x64xf32>
    %get3A_440 = arith.constant 0 : index
    %get3A_441 = arith.constant 2 : index
    %get3A_442 = arith.constant 0 : index
    %get3A_443 = arith.constant 0 : index
    %get3A_444 = vector.load %arg3[%get3A_440, %get3A_441, %get3A_442, %get3A_443] : memref<3x3x64x128xf32, #tpu.memory_space<vmem>>, vector<1x1x64x128xf32>
    %get3A_445 = vector.shape_cast %get3A_444 : vector<1x1x64x128xf32> to vector<64x128xf32>
    %dot_general3A_446 = arith.constant dense<0.000000e+00> : vector<1888x128xf32>
    %dot_general3A_447 = tpu.matmul %get3A_439, %get3A_445, %dot_general3A_446 {dimension_numbers = #tpu.dot_dimension_numbers<[1], [0], [0], [1], [0, 0, 1, 1], [], []>, transpose_lhs_hint = false} : vector<1888x64xf32>, vector<64x128xf32>, vector<1888x128xf32> -> vector<1888x128xf32>
    %add3A_448 = arith.addf %add3A, %dot_general3A_447 : vector<1888x128xf32>
    %get3A_449 = arith.constant 192 : index
    %get3A_450 = arith.constant 0 : index
    %get3A_451 = vector.load %arg7[%get3A_449, %get3A_450] : memref<2304x64xf32, #tpu.memory_space<vmem>>, vector<1888x64xf32>
    %get3A_452 = arith.constant 1 : index
    %get3A_453 = arith.constant 0 : index
    %get3A_454 = arith.constant 0 : index
    %get3A_455 = arith.constant 0 : index
    %get3A_456 = vector.load %arg3[%get3A_452, %get3A_453, %get3A_454, %get3A_455] : memref<3x3x64x128xf32, #tpu.memory_space<vmem>>, vector<1x1x64x128xf32>
    %get3A_457 = vector.shape_cast %get3A_456 : vector<1x1x64x128xf32> to vector<64x128xf32>
    %dot_general3A_458 = arith.constant dense<0.000000e+00> : vector<1888x128xf32>
    %dot_general3A_459 = tpu.matmul %get3A_451, %get3A_457, %dot_general3A_458 {dimension_numbers = #tpu.dot_dimension_numbers<[1], [0], [0], [1], [0, 0, 1, 1], [], []>, transpose_lhs_hint = false} : vector<1888x64xf32>, vector<64x128xf32>, vector<1888x128xf32> -> vector<1888x128xf32>
    %add3A_460 = arith.addf %add3A_448, %dot_general3A_459 : vector<1888x128xf32>
    %get3A_461 = arith.constant 208 : index
    %get3A_462 = arith.constant 0 : index
    %get3A_463 = vector.load %arg7[%get3A_461, %get3A_462] : memref<2304x64xf32, #tpu.memory_space<vmem>>, vector<1888x64xf32>
    %get3A_464 = arith.constant 1 : index
    %get3A_465 = arith.constant 1 : index
    %get3A_466 = arith.constant 0 : index
    %get3A_467 = arith.constant 0 : index
    %get3A_468 = vector.load %arg3[%get3A_464, %get3A_465, %get3A_466, %get3A_467] : memref<3x3x64x128xf32, #tpu.memory_space<vmem>>, vector<1x1x64x128xf32>
    %get3A_469 = vector.shape_cast %get3A_468 : vector<1x1x64x128xf32> to vector<64x128xf32>
    %dot_general3A_470 = arith.constant dense<0.000000e+00> : vector<1888x128xf32>
    %dot_general3A_471 = tpu.matmul %get3A_463, %get3A_469, %dot_general3A_470 {dimension_numbers = #tpu.dot_dimension_numbers<[1], [0], [0], [1], [0, 0, 1, 1], [], []>, transpose_lhs_hint = false} : vector<1888x64xf32>, vector<64x128xf32>, vector<1888x128xf32> -> vector<1888x128xf32>
    %add3A_472 = arith.addf %add3A_460, %dot_general3A_471 : vector<1888x128xf32>
    %get3A_473 = arith.constant 224 : index
    %get3A_474 = arith.constant 0 : index
    %get3A_475 = vector.load %arg7[%get3A_473, %get3A_474] : memref<2304x64xf32, #tpu.memory_space<vmem>>, vector<1888x64xf32>
    %get3A_476 = arith.constant 1 : index
    %get3A_477 = arith.constant 2 : index
    %get3A_478 = arith.constant 0 : index
    %get3A_479 = arith.constant 0 : index
    %get3A_480 = vector.load %arg3[%get3A_476, %get3A_477, %get3A_478, %get3A_479] : memref<3x3x64x128xf32, #tpu.memory_space<vmem>>, vector<1x1x64x128xf32>
    %get3A_481 = vector.shape_cast %get3A_480 : vector<1x1x64x128xf32> to vector<64x128xf32>
    %dot_general3A_482 = arith.constant dense<0.000000e+00> : vector<1888x128xf32>
    %dot_general3A_483 = tpu.matmul %get3A_475, %get3A_481, %dot_general3A_482 {dimension_numbers = #tpu.dot_dimension_numbers<[1], [0], [0], [1], [0, 0, 1, 1], [], []>, transpose_lhs_hint = false} : vector<1888x64xf32>, vector<64x128xf32>, vector<1888x128xf32> -> vector<1888x128xf32>
    %add3A_484 = arith.addf %add3A_472, %dot_general3A_483 : vector<1888x128xf32>
    %get3A_485 = arith.constant 384 : index
    %get3A_486 = arith.constant 0 : index
    %get3A_487 = vector.load %arg7[%get3A_485, %get3A_486] : memref<2304x64xf32, #tpu.memory_space<vmem>>, vector<1888x64xf32>
    %get3A_488 = arith.constant 2 : index
    %get3A_489 = arith.constant 0 : index
    %get3A_490 = arith.constant 0 : index
    %get3A_491 = arith.constant 0 : index
    %get3A_492 = vector.load %arg3[%get3A_488, %get3A_489, %get3A_490, %get3A_491] : memref<3x3x64x128xf32, #tpu.memory_space<vmem>>, vector<1x1x64x128xf32>
    %get3A_493 = vector.shape_cast %get3A_492 : vector<1x1x64x128xf32> to vector<64x128xf32>
    %dot_general3A_494 = arith.constant dense<0.000000e+00> : vector<1888x128xf32>
    %dot_general3A_495 = tpu.matmul %get3A_487, %get3A_493, %dot_general3A_494 {dimension_numbers = #tpu.dot_dimension_numbers<[1], [0], [0], [1], [0, 0, 1, 1], [], []>, transpose_lhs_hint = false} : vector<1888x64xf32>, vector<64x128xf32>, vector<1888x128xf32> -> vector<1888x128xf32>
    %add3A_496 = arith.addf %add3A_484, %dot_general3A_495 : vector<1888x128xf32>
    %get3A_497 = arith.constant 400 : index
    %get3A_498 = arith.constant 0 : index
    %get3A_499 = vector.load %arg7[%get3A_497, %get3A_498] : memref<2304x64xf32, #tpu.memory_space<vmem>>, vector<1888x64xf32>
    %get3A_500 = arith.constant 2 : index
    %get3A_501 = arith.constant 1 : index
    %get3A_502 = arith.constant 0 : index
    %get3A_503 = arith.constant 0 : index
    %get3A_504 = vector.load %arg3[%get3A_500, %get3A_501, %get3A_502, %get3A_503] : memref<3x3x64x128xf32, #tpu.memory_space<vmem>>, vector<1x1x64x128xf32>
    %get3A_505 = vector.shape_cast %get3A_504 : vector<1x1x64x128xf32> to vector<64x128xf32>
    %dot_general3A_506 = arith.constant dense<0.000000e+00> : vector<1888x128xf32>
    %dot_general3A_507 = tpu.matmul %get3A_499, %get3A_505, %dot_general3A_506 {dimension_numbers = #tpu.dot_dimension_numbers<[1], [0], [0], [1], [0, 0, 1, 1], [], []>, transpose_lhs_hint = false} : vector<1888x64xf32>, vector<64x128xf32>, vector<1888x128xf32> -> vector<1888x128xf32>
    %add3A_508 = arith.addf %add3A_496, %dot_general3A_507 : vector<1888x128xf32>
    %get3A_509 = arith.constant 416 : index
    %get3A_510 = arith.constant 0 : index
    %get3A_511 = vector.load %arg7[%get3A_509, %get3A_510] : memref<2304x64xf32, #tpu.memory_space<vmem>>, vector<1888x64xf32>
    %get3A_512 = arith.constant 2 : index
    %get3A_513 = arith.constant 2 : index
    %get3A_514 = arith.constant 0 : index
    %get3A_515 = arith.constant 0 : index
    %get3A_516 = vector.load %arg3[%get3A_512, %get3A_513, %get3A_514, %get3A_515] : memref<3x3x64x128xf32, #tpu.memory_space<vmem>>, vector<1x1x64x128xf32>
    %get3A_517 = vector.shape_cast %get3A_516 : vector<1x1x64x128xf32> to vector<64x128xf32>
    %dot_general3A_518 = arith.constant dense<0.000000e+00> : vector<1888x128xf32>
    %dot_general3A_519 = tpu.matmul %get3A_511, %get3A_517, %dot_general3A_518 {dimension_numbers = #tpu.dot_dimension_numbers<[1], [0], [0], [1], [0, 0, 1, 1], [], []>, transpose_lhs_hint = false} : vector<1888x64xf32>, vector<64x128xf32>, vector<1888x128xf32> -> vector<1888x128xf32>
    %add3A_520 = arith.addf %add3A_508, %dot_general3A_519 : vector<1888x128xf32>
    %mul3A_521 = arith.constant 0.999994993 : f32
    %mul3A_522 = vector.broadcast %mul3A_521 : f32 to vector<1888x128xf32>
    %mul3A_523 = arith.mulf %add3A_520, %mul3A_522 : vector<1888x128xf32>
    %ge3A_524 = arith.constant 0.000000e+00 : f32
    %ge3A_525 = vector.broadcast %ge3A_524 : f32 to vector<1888x128xf32>
    %ge3A_526 = arith.cmpf oge, %mul3A_523, %ge3A_525 : vector<1888x128xf32>
    %mul3A_527 = arith.constant 0.00999999977 : f32
    %mul3A_528 = vector.broadcast %mul3A_527 : f32 to vector<1888x128xf32>
    %mul3A_529 = arith.mulf %mul3A_528, %mul3A_523 : vector<1888x128xf32>
    %select_n3A_530 = arith.select %ge3A_526, %mul3A_523, %mul3A_529 : vector<1888x128xi1>, vector<1888x128xf32>
    %iota3A = tpu.iota {dimensions = array<i32: 0>} : vector<1888x128xi32>
    %jit3A = arith.constant 16 : i32
    %div3A = vector.broadcast %jit3A : i32 to vector<1888x128xi32>
    %div3A_531 = arith.divsi %iota3A, %div3A : vector<1888x128xi32>
    %sign3A = arith.constant 0 : i32
    %sign3A_532 = vector.broadcast %sign3A : i32 to vector<1888x128xi32>
    %sign3A_533 = arith.cmpi sgt, %iota3A, %sign3A_532 : vector<1888x128xi32>
    %sign3A_534 = arith.extui %sign3A_533 : vector<1888x128xi1> to vector<1888x128xi32>
    %sign3A_535 = arith.constant 0 : i32
    %sign3A_536 = vector.broadcast %sign3A_535 : i32 to vector<1888x128xi32>
    %sign3A_537 = arith.cmpi slt, %iota3A, %sign3A_536 : vector<1888x128xi32>
    %sign3A_538 = arith.extui %sign3A_537 : vector<1888x128xi1> to vector<1888x128xi32>
    %sign3A_539 = arith.subi %sign3A_534, %sign3A_538 : vector<1888x128xi32>
    %sign3A_540 = arith.constant 0 : i32
    %sign3A_541 = arith.cmpi sgt, %jit3A, %sign3A_540 : i32
    %sign3A_542 = arith.extui %sign3A_541 : i1 to i32
    %sign3A_543 = arith.constant 0 : i32
    %sign3A_544 = arith.cmpi slt, %jit3A, %sign3A_543 : i32
    %sign3A_545 = arith.extui %sign3A_544 : i1 to i32
    %sign3A_546 = arith.subi %sign3A_542, %sign3A_545 : i32
    %ne3A = vector.broadcast %sign3A_546 : i32 to vector<1888x128xi32>
    %ne3A_547 = arith.cmpi ne, %sign3A_539, %ne3A : vector<1888x128xi32>
    %rem3A = vector.broadcast %jit3A : i32 to vector<1888x128xi32>
    %rem3A_548 = arith.remsi %iota3A, %rem3A : vector<1888x128xi32>
    %ne3A_549 = arith.constant 0 : i32
    %ne3A_550 = vector.broadcast %ne3A_549 : i32 to vector<1888x128xi32>
    %ne3A_551 = arith.cmpi ne, %rem3A_548, %ne3A_550 : vector<1888x128xi32>
    %and3A = arith.andi %ne3A_547, %ne3A_551 : vector<1888x128xi1>
    %sub3A = arith.constant 1 : i32
    %sub3A_552 = vector.broadcast %sub3A : i32 to vector<1888x128xi32>
    %sub3A_553 = arith.subi %div3A_531, %sub3A_552 : vector<1888x128xi32>
    %select_n3A_554 = arith.select %and3A, %sub3A_553, %div3A_531 : vector<1888x128xi1>, vector<1888x128xi32>
    %add3A_555 = arith.constant 13 : i32
    %add3A_556 = vector.broadcast %add3A_555 : i32 to vector<1888x128xi32>
    %add3A_557 = arith.addi %select_n3A_554, %add3A_556 : vector<1888x128xi32>
    %jit3A_558 = arith.constant 12 : i32
    %div3A_559 = vector.broadcast %jit3A_558 : i32 to vector<1888x128xi32>
    %div3A_560 = arith.divsi %add3A_557, %div3A_559 : vector<1888x128xi32>
    %sign3A_561 = arith.constant 0 : i32
    %sign3A_562 = vector.broadcast %sign3A_561 : i32 to vector<1888x128xi32>
    %sign3A_563 = arith.cmpi sgt, %add3A_557, %sign3A_562 : vector<1888x128xi32>
    %sign3A_564 = arith.extui %sign3A_563 : vector<1888x128xi1> to vector<1888x128xi32>
    %sign3A_565 = arith.constant 0 : i32
    %sign3A_566 = vector.broadcast %sign3A_565 : i32 to vector<1888x128xi32>
    %sign3A_567 = arith.cmpi slt, %add3A_557, %sign3A_566 : vector<1888x128xi32>
    %sign3A_568 = arith.extui %sign3A_567 : vector<1888x128xi1> to vector<1888x128xi32>
    %sign3A_569 = arith.subi %sign3A_564, %sign3A_568 : vector<1888x128xi32>
    %sign3A_570 = arith.constant 0 : i32
    %sign3A_571 = arith.cmpi sgt, %jit3A_558, %sign3A_570 : i32
    %sign3A_572 = arith.extui %sign3A_571 : i1 to i32
    %sign3A_573 = arith.constant 0 : i32
    %sign3A_574 = arith.cmpi slt, %jit3A_558, %sign3A_573 : i32
    %sign3A_575 = arith.extui %sign3A_574 : i1 to i32
    %sign3A_576 = arith.subi %sign3A_572, %sign3A_575 : i32
    %ne3A_577 = vector.broadcast %sign3A_576 : i32 to vector<1888x128xi32>
    %ne3A_578 = arith.cmpi ne, %sign3A_569, %ne3A_577 : vector<1888x128xi32>
    %rem3A_579 = vector.broadcast %jit3A_558 : i32 to vector<1888x128xi32>
    %rem3A_580 = arith.remsi %add3A_557, %rem3A_579 : vector<1888x128xi32>
    %ne3A_581 = arith.constant 0 : i32
    %ne3A_582 = vector.broadcast %ne3A_581 : i32 to vector<1888x128xi32>
    %ne3A_583 = arith.cmpi ne, %rem3A_580, %ne3A_582 : vector<1888x128xi32>
    %and3A_584 = arith.andi %ne3A_578, %ne3A_583 : vector<1888x128xi1>
    %sub3A_585 = arith.constant 1 : i32
    %sub3A_586 = vector.broadcast %sub3A_585 : i32 to vector<1888x128xi32>
    %sub3A_587 = arith.subi %div3A_560, %sub3A_586 : vector<1888x128xi32>
    %select_n3A_588 = arith.select %and3A_584, %sub3A_587, %div3A_560 : vector<1888x128xi1>, vector<1888x128xi32>
    %mul3A_589 = arith.constant 12 : i32
    %mul3A_590 = vector.broadcast %mul3A_589 : i32 to vector<1888x128xi32>
    %mul3A_591 = arith.muli %select_n3A_588, %mul3A_590 : vector<1888x128xi32>
    %sub3A_592 = arith.subi %add3A_557, %mul3A_591 : vector<1888x128xi32>
    %ge3A_593 = arith.constant 1 : i32
    %ge3A_594 = vector.broadcast %ge3A_593 : i32 to vector<1888x128xi32>
    %ge3A_595 = arith.cmpi sge, %select_n3A_588, %ge3A_594 : vector<1888x128xi32>
    %le3A = arith.constant 10 : i32
    %le3A_596 = vector.broadcast %le3A : i32 to vector<1888x128xi32>
    %le3A_597 = arith.cmpi sle, %select_n3A_588, %le3A_596 : vector<1888x128xi32>
    %and3A_598 = arith.andi %ge3A_595, %le3A_597 : vector<1888x128xi1>
    %ge3A_599 = arith.constant 1 : i32
    %ge3A_600 = vector.broadcast %ge3A_599 : i32 to vector<1888x128xi32>
    %ge3A_601 = arith.cmpi sge, %sub3A_592, %ge3A_600 : vector<1888x128xi32>
    %and3A_602 = arith.andi %and3A_598, %ge3A_601 : vector<1888x128xi1>
    %le3A_603 = arith.constant 10 : i32
    %le3A_604 = vector.broadcast %le3A_603 : i32 to vector<1888x128xi32>
    %le3A_605 = arith.cmpi sle, %sub3A_592, %le3A_604 : vector<1888x128xi32>
    %and3A_606 = arith.andi %and3A_602, %le3A_605 : vector<1888x128xi1>
    %jit3A_607 = arith.constant 0.000000e+00 : f32
    %broadcast_in_dim3A_608 = vector.broadcast %jit3A_607 : f32 to vector<1888x128xf32>
    %select_n3A_609 = arith.select %and3A_606, %select_n3A_530, %broadcast_in_dim3A_608 : vector<1888x128xi1>, vector<1888x128xf32>
    %broadcast_in_dim3A_610 = arith.constant 0.000000e+00 : f32
    %broadcast_in_dim3A_611 = vector.broadcast %broadcast_in_dim3A_610 : f32 to vector<208x128xf32>
    %swap3A_612 = arith.constant 0 : index
    %swap3A_613 = arith.constant 0 : index
    %swap3A_614 = vector.load %arg8[%swap3A_612, %swap3A_613] : memref<2304x128xf32, #tpu.memory_space<vmem>>, vector<208x128xf32>
    tpu.vector_store %arg8[%swap3A_612, %swap3A_613], %broadcast_in_dim3A_611 {strides = array<i32>} : memref<2304x128xf32, #tpu.memory_space<vmem>>, vector<208x128xf32>,
    %broadcast_in_dim3A_615 = arith.constant 0.000000e+00 : f32
    %broadcast_in_dim3A_616 = vector.broadcast %broadcast_in_dim3A_615 : f32 to vector<208x128xf32>
    %swap3A_617 = arith.constant 2096 : index
    %swap3A_618 = arith.constant 0 : index
    %swap3A_619 = vector.load %arg8[%swap3A_617, %swap3A_618] : memref<2304x128xf32, #tpu.memory_space<vmem>>, vector<208x128xf32>
    tpu.vector_store %arg8[%swap3A_617, %swap3A_618], %broadcast_in_dim3A_616 {strides = array<i32>} : memref<2304x128xf32, #tpu.memory_space<vmem>>, vector<208x128xf32>,
    %swap3A_620 = arith.constant 208 : index
    %swap3A_621 = arith.constant 0 : index
    %swap3A_622 = vector.load %arg8[%swap3A_620, %swap3A_621] : memref<2304x128xf32, #tpu.memory_space<vmem>>, vector<1888x128xf32>
    tpu.vector_store %arg8[%swap3A_620, %swap3A_621], %select_n3A_609 {strides = array<i32>} : memref<2304x128xf32, #tpu.memory_space<vmem>>, vector<1888x128xf32>,
    %get3A_623 = arith.constant 0 : index
    %get3A_624 = arith.constant 0 : index
    %get3A_625 = vector.load %arg8[%get3A_623, %get3A_624] : memref<2304x128xf32, #tpu.memory_space<vmem>>, vector<1888x128xf32>
    %get3A_626 = arith.constant 0 : index
    %get3A_627 = arith.constant 0 : index
    %get3A_628 = arith.constant 0 : index
    %get3A_629 = arith.constant 0 : index
    %get3A_630 = vector.load %arg4[%get3A_626, %get3A_627, %get3A_628, %get3A_629] : memref<3x3x128x256xf32, #tpu.memory_space<vmem>>, vector<1x1x128x256xf32>
    %get3A_631 = vector.shape_cast %get3A_630 : vector<1x1x128x256xf32> to vector<128x256xf32>
    %dot_general3A_632 = arith.constant dense<0.000000e+00> : vector<1888x256xf32>
    %dot_general3A_633 = tpu.matmul %get3A_625, %get3A_631, %dot_general3A_632 {dimension_numbers = #tpu.dot_dimension_numbers<[1], [0], [0], [1], [0, 0, 1, 1], [], []>, transpose_lhs_hint = false} : vector<1888x128xf32>, vector<128x256xf32>, vector<1888x256xf32> -> vector<1888x256xf32>
    %get3A_634 = arith.constant 16 : index
    %get3A_635 = arith.constant 0 : index
    %get3A_636 = vector.load %arg8[%get3A_634, %get3A_635] : memref<2304x128xf32, #tpu.memory_space<vmem>>, vector<1888x128xf32>
    %get3A_637 = arith.constant 0 : index
    %get3A_638 = arith.constant 1 : index
    %get3A_639 = arith.constant 0 : index
    %get3A_640 = arith.constant 0 : index
    %get3A_641 = vector.load %arg4[%get3A_637, %get3A_638, %get3A_639, %get3A_640] : memref<3x3x128x256xf32, #tpu.memory_space<vmem>>, vector<1x1x128x256xf32>
    %get3A_642 = vector.shape_cast %get3A_641 : vector<1x1x128x256xf32> to vector<128x256xf32>
    %dot_general3A_643 = arith.constant dense<0.000000e+00> : vector<1888x256xf32>
    %dot_general3A_644 = tpu.matmul %get3A_636, %get3A_642, %dot_general3A_643 {dimension_numbers = #tpu.dot_dimension_numbers<[1], [0], [0], [1], [0, 0, 1, 1], [], []>, transpose_lhs_hint = false} : vector<1888x128xf32>, vector<128x256xf32>, vector<1888x256xf32> -> vector<1888x256xf32>
    %add3A_645 = arith.addf %dot_general3A_633, %dot_general3A_644 : vector<1888x256xf32>
    %get3A_646 = arith.constant 32 : index
    %get3A_647 = arith.constant 0 : index
    %get3A_648 = vector.load %arg8[%get3A_646, %get3A_647] : memref<2304x128xf32, #tpu.memory_space<vmem>>, vector<1888x128xf32>
    %get3A_649 = arith.constant 0 : index
    %get3A_650 = arith.constant 2 : index
    %get3A_651 = arith.constant 0 : index
    %get3A_652 = arith.constant 0 : index
    %get3A_653 = vector.load %arg4[%get3A_649, %get3A_650, %get3A_651, %get3A_652] : memref<3x3x128x256xf32, #tpu.memory_space<vmem>>, vector<1x1x128x256xf32>
    %get3A_654 = vector.shape_cast %get3A_653 : vector<1x1x128x256xf32> to vector<128x256xf32>
    %dot_general3A_655 = arith.constant dense<0.000000e+00> : vector<1888x256xf32>
    %dot_general3A_656 = tpu.matmul %get3A_648, %get3A_654, %dot_general3A_655 {dimension_numbers = #tpu.dot_dimension_numbers<[1], [0], [0], [1], [0, 0, 1, 1], [], []>, transpose_lhs_hint = false} : vector<1888x128xf32>, vector<128x256xf32>, vector<1888x256xf32> -> vector<1888x256xf32>
    %add3A_657 = arith.addf %add3A_645, %dot_general3A_656 : vector<1888x256xf32>
    %get3A_658 = arith.constant 192 : index
    %get3A_659 = arith.constant 0 : index
    %get3A_660 = vector.load %arg8[%get3A_658, %get3A_659] : memref<2304x128xf32, #tpu.memory_space<vmem>>, vector<1888x128xf32>
    %get3A_661 = arith.constant 1 : index
    %get3A_662 = arith.constant 0 : index
    %get3A_663 = arith.constant 0 : index
    %get3A_664 = arith.constant 0 : index
    %get3A_665 = vector.load %arg4[%get3A_661, %get3A_662, %get3A_663, %get3A_664] : memref<3x3x128x256xf32, #tpu.memory_space<vmem>>, vector<1x1x128x256xf32>
    %get3A_666 = vector.shape_cast %get3A_665 : vector<1x1x128x256xf32> to vector<128x256xf32>
    %dot_general3A_667 = arith.constant dense<0.000000e+00> : vector<1888x256xf32>
    %dot_general3A_668 = tpu.matmul %get3A_660, %get3A_666, %dot_general3A_667 {dimension_numbers = #tpu.dot_dimension_numbers<[1], [0], [0], [1], [0, 0, 1, 1], [], []>, transpose_lhs_hint = false} : vector<1888x128xf32>, vector<128x256xf32>, vector<1888x256xf32> -> vector<1888x256xf32>
    %add3A_669 = arith.addf %add3A_657, %dot_general3A_668 : vector<1888x256xf32>
    %get3A_670 = arith.constant 208 : index
    %get3A_671 = arith.constant 0 : index
    %get3A_672 = vector.load %arg8[%get3A_670, %get3A_671] : memref<2304x128xf32, #tpu.memory_space<vmem>>, vector<1888x128xf32>
    %get3A_673 = arith.constant 1 : index
    %get3A_674 = arith.constant 1 : index
    %get3A_675 = arith.constant 0 : index
    %get3A_676 = arith.constant 0 : index
    %get3A_677 = vector.load %arg4[%get3A_673, %get3A_674, %get3A_675, %get3A_676] : memref<3x3x128x256xf32, #tpu.memory_space<vmem>>, vector<1x1x128x256xf32>
    %get3A_678 = vector.shape_cast %get3A_677 : vector<1x1x128x256xf32> to vector<128x256xf32>
    %dot_general3A_679 = arith.constant dense<0.000000e+00> : vector<1888x256xf32>
    %dot_general3A_680 = tpu.matmul %get3A_672, %get3A_678, %dot_general3A_679 {dimension_numbers = #tpu.dot_dimension_numbers<[1], [0], [0], [1], [0, 0, 1, 1], [], []>, transpose_lhs_hint = false} : vector<1888x128xf32>, vector<128x256xf32>, vector<1888x256xf32> -> vector<1888x256xf32>
    %add3A_681 = arith.addf %add3A_669, %dot_general3A_680 : vector<1888x256xf32>
    %get3A_682 = arith.constant 224 : index
    %get3A_683 = arith.constant 0 : index
    %get3A_684 = vector.load %arg8[%get3A_682, %get3A_683] : memref<2304x128xf32, #tpu.memory_space<vmem>>, vector<1888x128xf32>
    %get3A_685 = arith.constant 1 : index
    %get3A_686 = arith.constant 2 : index
    %get3A_687 = arith.constant 0 : index
    %get3A_688 = arith.constant 0 : index
    %get3A_689 = vector.load %arg4[%get3A_685, %get3A_686, %get3A_687, %get3A_688] : memref<3x3x128x256xf32, #tpu.memory_space<vmem>>, vector<1x1x128x256xf32>
    %get3A_690 = vector.shape_cast %get3A_689 : vector<1x1x128x256xf32> to vector<128x256xf32>
    %dot_general3A_691 = arith.constant dense<0.000000e+00> : vector<1888x256xf32>
    %dot_general3A_692 = tpu.matmul %get3A_684, %get3A_690, %dot_general3A_691 {dimension_numbers = #tpu.dot_dimension_numbers<[1], [0], [0], [1], [0, 0, 1, 1], [], []>, transpose_lhs_hint = false} : vector<1888x128xf32>, vector<128x256xf32>, vector<1888x256xf32> -> vector<1888x256xf32>
    %add3A_693 = arith.addf %add3A_681, %dot_general3A_692 : vector<1888x256xf32>
    %get3A_694 = arith.constant 384 : index
    %get3A_695 = arith.constant 0 : index
    %get3A_696 = vector.load %arg8[%get3A_694, %get3A_695] : memref<2304x128xf32, #tpu.memory_space<vmem>>, vector<1888x128xf32>
    %get3A_697 = arith.constant 2 : index
    %get3A_698 = arith.constant 0 : index
    %get3A_699 = arith.constant 0 : index
    %get3A_700 = arith.constant 0 : index
    %get3A_701 = vector.load %arg4[%get3A_697, %get3A_698, %get3A_699, %get3A_700] : memref<3x3x128x256xf32, #tpu.memory_space<vmem>>, vector<1x1x128x256xf32>
    %get3A_702 = vector.shape_cast %get3A_701 : vector<1x1x128x256xf32> to vector<128x256xf32>
    %dot_general3A_703 = arith.constant dense<0.000000e+00> : vector<1888x256xf32>
    %dot_general3A_704 = tpu.matmul %get3A_696, %get3A_702, %dot_general3A_703 {dimension_numbers = #tpu.dot_dimension_numbers<[1], [0], [0], [1], [0, 0, 1, 1], [], []>, transpose_lhs_hint = false} : vector<1888x128xf32>, vector<128x256xf32>, vector<1888x256xf32> -> vector<1888x256xf32>
    %add3A_705 = arith.addf %add3A_693, %dot_general3A_704 : vector<1888x256xf32>
    %get3A_706 = arith.constant 400 : index
    %get3A_707 = arith.constant 0 : index
    %get3A_708 = vector.load %arg8[%get3A_706, %get3A_707] : memref<2304x128xf32, #tpu.memory_space<vmem>>, vector<1888x128xf32>
    %get3A_709 = arith.constant 2 : index
    %get3A_710 = arith.constant 1 : index
    %get3A_711 = arith.constant 0 : index
    %get3A_712 = arith.constant 0 : index
    %get3A_713 = vector.load %arg4[%get3A_709, %get3A_710, %get3A_711, %get3A_712] : memref<3x3x128x256xf32, #tpu.memory_space<vmem>>, vector<1x1x128x256xf32>
    %get3A_714 = vector.shape_cast %get3A_713 : vector<1x1x128x256xf32> to vector<128x256xf32>
    %dot_general3A_715 = arith.constant dense<0.000000e+00> : vector<1888x256xf32>
    %dot_general3A_716 = tpu.matmul %get3A_708, %get3A_714, %dot_general3A_715 {dimension_numbers = #tpu.dot_dimension_numbers<[1], [0], [0], [1], [0, 0, 1, 1], [], []>, transpose_lhs_hint = false} : vector<1888x128xf32>, vector<128x256xf32>, vector<1888x256xf32> -> vector<1888x256xf32>
    %add3A_717 = arith.addf %add3A_705, %dot_general3A_716 : vector<1888x256xf32>
    %get3A_718 = arith.constant 416 : index
    %get3A_719 = arith.constant 0 : index
    %get3A_720 = vector.load %arg8[%get3A_718, %get3A_719] : memref<2304x128xf32, #tpu.memory_space<vmem>>, vector<1888x128xf32>
    %get3A_721 = arith.constant 2 : index
    %get3A_722 = arith.constant 2 : index
    %get3A_723 = arith.constant 0 : index
    %get3A_724 = arith.constant 0 : index
    %get3A_725 = vector.load %arg4[%get3A_721, %get3A_722, %get3A_723, %get3A_724] : memref<3x3x128x256xf32, #tpu.memory_space<vmem>>, vector<1x1x128x256xf32>
    %get3A_726 = vector.shape_cast %get3A_725 : vector<1x1x128x256xf32> to vector<128x256xf32>
    %dot_general3A_727 = arith.constant dense<0.000000e+00> : vector<1888x256xf32>
    %dot_general3A_728 = tpu.matmul %get3A_720, %get3A_726, %dot_general3A_727 {dimension_numbers = #tpu.dot_dimension_numbers<[1], [0], [0], [1], [0, 0, 1, 1], [], []>, transpose_lhs_hint = false} : vector<1888x128xf32>, vector<128x256xf32>, vector<1888x256xf32> -> vector<1888x256xf32>
    %add3A_729 = arith.addf %add3A_717, %dot_general3A_728 : vector<1888x256xf32>
    %mul3A_730 = arith.constant 0.999994993 : f32
    %mul3A_731 = vector.broadcast %mul3A_730 : f32 to vector<1888x256xf32>
    %mul3A_732 = arith.mulf %add3A_729, %mul3A_731 : vector<1888x256xf32>
    %ge3A_733 = arith.constant 0.000000e+00 : f32
    %ge3A_734 = vector.broadcast %ge3A_733 : f32 to vector<1888x256xf32>
    %ge3A_735 = arith.cmpf oge, %mul3A_732, %ge3A_734 : vector<1888x256xf32>
    %mul3A_736 = arith.constant 0.00999999977 : f32
    %mul3A_737 = vector.broadcast %mul3A_736 : f32 to vector<1888x256xf32>
    %mul3A_738 = arith.mulf %mul3A_737, %mul3A_732 : vector<1888x256xf32>
    %select_n3A_739 = arith.select %ge3A_735, %mul3A_732, %mul3A_738 : vector<1888x256xi1>, vector<1888x256xf32>
    %iota3A_740 = tpu.iota {dimensions = array<i32: 0>} : vector<1888x256xi32>
    %jit3A_741 = arith.constant 16 : i32
    %div3A_742 = vector.broadcast %jit3A_741 : i32 to vector<1888x256xi32>
    %div3A_743 = arith.divsi %iota3A_740, %div3A_742 : vector<1888x256xi32>
    %sign3A_744 = arith.constant 0 : i32
    %sign3A_745 = vector.broadcast %sign3A_744 : i32 to vector<1888x256xi32>
    %sign3A_746 = arith.cmpi sgt, %iota3A_740, %sign3A_745 : vector<1888x256xi32>
    %sign3A_747 = arith.extui %sign3A_746 : vector<1888x256xi1> to vector<1888x256xi32>
    %sign3A_748 = arith.constant 0 : i32
    %sign3A_749 = vector.broadcast %sign3A_748 : i32 to vector<1888x256xi32>
    %sign3A_750 = arith.cmpi slt, %iota3A_740, %sign3A_749 : vector<1888x256xi32>
    %sign3A_751 = arith.extui %sign3A_750 : vector<1888x256xi1> to vector<1888x256xi32>
    %sign3A_752 = arith.subi %sign3A_747, %sign3A_751 : vector<1888x256xi32>
    %sign3A_753 = arith.constant 0 : i32
    %sign3A_754 = arith.cmpi sgt, %jit3A_741, %sign3A_753 : i32
    %sign3A_755 = arith.extui %sign3A_754 : i1 to i32
    %sign3A_756 = arith.constant 0 : i32
    %sign3A_757 = arith.cmpi slt, %jit3A_741, %sign3A_756 : i32
    %sign3A_758 = arith.extui %sign3A_757 : i1 to i32
    %sign3A_759 = arith.subi %sign3A_755, %sign3A_758 : i32
    %ne3A_760 = vector.broadcast %sign3A_759 : i32 to vector<1888x256xi32>
    %ne3A_761 = arith.cmpi ne, %sign3A_752, %ne3A_760 : vector<1888x256xi32>
    %rem3A_762 = vector.broadcast %jit3A_741 : i32 to vector<1888x256xi32>
    %rem3A_763 = arith.remsi %iota3A_740, %rem3A_762 : vector<1888x256xi32>
    %ne3A_764 = arith.constant 0 : i32
    %ne3A_765 = vector.broadcast %ne3A_764 : i32 to vector<1888x256xi32>
    %ne3A_766 = arith.cmpi ne, %rem3A_763, %ne3A_765 : vector<1888x256xi32>
    %and3A_767 = arith.andi %ne3A_761, %ne3A_766 : vector<1888x256xi1>
    %sub3A_768 = arith.constant 1 : i32
    %sub3A_769 = vector.broadcast %sub3A_768 : i32 to vector<1888x256xi32>
    %sub3A_770 = arith.subi %div3A_743, %sub3A_769 : vector<1888x256xi32>
    %select_n3A_771 = arith.select %and3A_767, %sub3A_770, %div3A_743 : vector<1888x256xi1>, vector<1888x256xi32>
    %add3A_772 = arith.constant 13 : i32
    %add3A_773 = vector.broadcast %add3A_772 : i32 to vector<1888x256xi32>
    %add3A_774 = arith.addi %select_n3A_771, %add3A_773 : vector<1888x256xi32>
    %jit3A_775 = arith.constant 12 : i32
    %div3A_776 = vector.broadcast %jit3A_775 : i32 to vector<1888x256xi32>
    %div3A_777 = arith.divsi %add3A_774, %div3A_776 : vector<1888x256xi32>
    %sign3A_778 = arith.constant 0 : i32
    %sign3A_779 = vector.broadcast %sign3A_778 : i32 to vector<1888x256xi32>
    %sign3A_780 = arith.cmpi sgt, %add3A_774, %sign3A_779 : vector<1888x256xi32>
    %sign3A_781 = arith.extui %sign3A_780 : vector<1888x256xi1> to vector<1888x256xi32>
    %sign3A_782 = arith.constant 0 : i32
    %sign3A_783 = vector.broadcast %sign3A_782 : i32 to vector<1888x256xi32>
    %sign3A_784 = arith.cmpi slt, %add3A_774, %sign3A_783 : vector<1888x256xi32>
    %sign3A_785 = arith.extui %sign3A_784 : vector<1888x256xi1> to vector<1888x256xi32>
    %sign3A_786 = arith.subi %sign3A_781, %sign3A_785 : vector<1888x256xi32>
    %sign3A_787 = arith.constant 0 : i32
    %sign3A_788 = arith.cmpi sgt, %jit3A_775, %sign3A_787 : i32
    %sign3A_789 = arith.extui %sign3A_788 : i1 to i32
    %sign3A_790 = arith.constant 0 : i32
    %sign3A_791 = arith.cmpi slt, %jit3A_775, %sign3A_790 : i32
    %sign3A_792 = arith.extui %sign3A_791 : i1 to i32
    %sign3A_793 = arith.subi %sign3A_789, %sign3A_792 : i32
    %ne3A_794 = vector.broadcast %sign3A_793 : i32 to vector<1888x256xi32>
    %ne3A_795 = arith.cmpi ne, %sign3A_786, %ne3A_794 : vector<1888x256xi32>
    %rem3A_796 = vector.broadcast %jit3A_775 : i32 to vector<1888x256xi32>
    %rem3A_797 = arith.remsi %add3A_774, %rem3A_796 : vector<1888x256xi32>
    %ne3A_798 = arith.constant 0 : i32
    %ne3A_799 = vector.broadcast %ne3A_798 : i32 to vector<1888x256xi32>
    %ne3A_800 = arith.cmpi ne, %rem3A_797, %ne3A_799 : vector<1888x256xi32>
    %and3A_801 = arith.andi %ne3A_795, %ne3A_800 : vector<1888x256xi1>
    %sub3A_802 = arith.constant 1 : i32
    %sub3A_803 = vector.broadcast %sub3A_802 : i32 to vector<1888x256xi32>
    %sub3A_804 = arith.subi %div3A_777, %sub3A_803 : vector<1888x256xi32>
    %select_n3A_805 = arith.select %and3A_801, %sub3A_804, %div3A_777 : vector<1888x256xi1>, vector<1888x256xi32>
    %mul3A_806 = arith.constant 12 : i32
    %mul3A_807 = vector.broadcast %mul3A_806 : i32 to vector<1888x256xi32>
    %mul3A_808 = arith.muli %select_n3A_805, %mul3A_807 : vector<1888x256xi32>
    %sub3A_809 = arith.subi %add3A_774, %mul3A_808 : vector<1888x256xi32>
    %ge3A_810 = arith.constant 1 : i32
    %ge3A_811 = vector.broadcast %ge3A_810 : i32 to vector<1888x256xi32>
    %ge3A_812 = arith.cmpi sge, %select_n3A_805, %ge3A_811 : vector<1888x256xi32>
    %le3A_813 = arith.constant 10 : i32
    %le3A_814 = vector.broadcast %le3A_813 : i32 to vector<1888x256xi32>
    %le3A_815 = arith.cmpi sle, %select_n3A_805, %le3A_814 : vector<1888x256xi32>
    %and3A_816 = arith.andi %ge3A_812, %le3A_815 : vector<1888x256xi1>
    %ge3A_817 = arith.constant 1 : i32
    %ge3A_818 = vector.broadcast %ge3A_817 : i32 to vector<1888x256xi32>
    %ge3A_819 = arith.cmpi sge, %sub3A_809, %ge3A_818 : vector<1888x256xi32>
    %and3A_820 = arith.andi %and3A_816, %ge3A_819 : vector<1888x256xi1>
    %le3A_821 = arith.constant 10 : i32
    %le3A_822 = vector.broadcast %le3A_821 : i32 to vector<1888x256xi32>
    %le3A_823 = arith.cmpi sle, %sub3A_809, %le3A_822 : vector<1888x256xi32>
    %and3A_824 = arith.andi %and3A_820, %le3A_823 : vector<1888x256xi1>
    %jit3A_825 = arith.constant 0.000000e+00 : f32
    %broadcast_in_dim3A_826 = vector.broadcast %jit3A_825 : f32 to vector<1888x256xf32>
    %select_n3A_827 = arith.select %and3A_824, %select_n3A_739, %broadcast_in_dim3A_826 : vector<1888x256xi1>, vector<1888x256xf32>
    %broadcast_in_dim3A_828 = arith.constant 0.000000e+00 : f32
    %broadcast_in_dim3A_829 = vector.broadcast %broadcast_in_dim3A_828 : f32 to vector<208x256xf32>
    %swap3A_830 = arith.constant 0 : index
    %swap3A_831 = arith.constant 0 : index
    %swap3A_832 = vector.load %arg9[%swap3A_830, %swap3A_831] : memref<2304x256xf32, #tpu.memory_space<vmem>>, vector<208x256xf32>
    tpu.vector_store %arg9[%swap3A_830, %swap3A_831], %broadcast_in_dim3A_829 {strides = array<i32>} : memref<2304x256xf32, #tpu.memory_space<vmem>>, vector<208x256xf32>,
    %broadcast_in_dim3A_833 = arith.constant 0.000000e+00 : f32
    %broadcast_in_dim3A_834 = vector.broadcast %broadcast_in_dim3A_833 : f32 to vector<208x256xf32>
    %swap3A_835 = arith.constant 2096 : index
    %swap3A_836 = arith.constant 0 : index
    %swap3A_837 = vector.load %arg9[%swap3A_835, %swap3A_836] : memref<2304x256xf32, #tpu.memory_space<vmem>>, vector<208x256xf32>
    tpu.vector_store %arg9[%swap3A_835, %swap3A_836], %broadcast_in_dim3A_834 {strides = array<i32>} : memref<2304x256xf32, #tpu.memory_space<vmem>>, vector<208x256xf32>,
    %swap3A_838 = arith.constant 208 : index
    %swap3A_839 = arith.constant 0 : index
    %swap3A_840 = vector.load %arg9[%swap3A_838, %swap3A_839] : memref<2304x256xf32, #tpu.memory_space<vmem>>, vector<1888x256xf32>
    tpu.vector_store %arg9[%swap3A_838, %swap3A_839], %select_n3A_827 {strides = array<i32>} : memref<2304x256xf32, #tpu.memory_space<vmem>>, vector<1888x256xf32>,
    %get3A_841 = arith.constant 0 : index
    %get3A_842 = arith.constant 0 : index
    %get3A_843 = vector.load %arg9[%get3A_841, %get3A_842] : memref<2304x256xf32, #tpu.memory_space<vmem>>, vector<2304x256xf32>
    %slice3A_844 = vector.extract_strided_slice %get3A_843 {offsets = [0, 0], sizes = [192, 256], strides = [1, 1]} : vector<2304x256xf32> to vector<192x256xf32>
    %slice3A_845 = vector.extract_strided_slice %get3A_843 {offsets = [192, 0], sizes = [192, 256], strides = [1, 1]} : vector<2304x256xf32> to vector<192x256xf32>
    %add3A_846 = arith.addf %slice3A_844, %slice3A_845 : vector<192x256xf32>
    %slice3A_847 = vector.extract_strided_slice %get3A_843 {offsets = [384, 0], sizes = [192, 256], strides = [1, 1]} : vector<2304x256xf32> to vector<192x256xf32>
    %add3A_848 = arith.addf %add3A_846, %slice3A_847 : vector<192x256xf32>
    %slice3A_849 = vector.extract_strided_slice %get3A_843 {offsets = [576, 0], sizes = [192, 256], strides = [1, 1]} : vector<2304x256xf32> to vector<192x256xf32>
    %add3A_850 = arith.addf %add3A_848, %slice3A_849 : vector<192x256xf32>
    %slice3A_851 = vector.extract_strided_slice %get3A_843 {offsets = [768, 0], sizes = [192, 256], strides = [1, 1]} : vector<2304x256xf32> to vector<192x256xf32>
    %add3A_852 = arith.addf %add3A_850, %slice3A_851 : vector<192x256xf32>
    %slice3A_853 = vector.extract_strided_slice %get3A_843 {offsets = [960, 0], sizes = [192, 256], strides = [1, 1]} : vector<2304x256xf32> to vector<192x256xf32>
    %add3A_854 = arith.addf %add3A_852, %slice3A_853 : vector<192x256xf32>
    %slice3A_855 = vector.extract_strided_slice %get3A_843 {offsets = [1152, 0], sizes = [192, 256], strides = [1, 1]} : vector<2304x256xf32> to vector<192x256xf32>
    %add3A_856 = arith.addf %add3A_854, %slice3A_855 : vector<192x256xf32>
    %slice3A_857 = vector.extract_strided_slice %get3A_843 {offsets = [1344, 0], sizes = [192, 256], strides = [1, 1]} : vector<2304x256xf32> to vector<192x256xf32>
    %add3A_858 = arith.addf %add3A_856, %slice3A_857 : vector<192x256xf32>
    %slice3A_859 = vector.extract_strided_slice %get3A_843 {offsets = [1536, 0], sizes = [192, 256], strides = [1, 1]} : vector<2304x256xf32> to vector<192x256xf32>
    %add3A_860 = arith.addf %add3A_858, %slice3A_859 : vector<192x256xf32>
    %slice3A_861 = vector.extract_strided_slice %get3A_843 {offsets = [1728, 0], sizes = [192, 256], strides = [1, 1]} : vector<2304x256xf32> to vector<192x256xf32>
    %add3A_862 = arith.addf %add3A_860, %slice3A_861 : vector<192x256xf32>
    %slice3A_863 = vector.extract_strided_slice %get3A_843 {offsets = [1920, 0], sizes = [192, 256], strides = [1, 1]} : vector<2304x256xf32> to vector<192x256xf32>
    %add3A_864 = arith.addf %add3A_862, %slice3A_863 : vector<192x256xf32>
    %slice3A_865 = vector.extract_strided_slice %get3A_843 {offsets = [2112, 0], sizes = [192, 256], strides = [1, 1]} : vector<2304x256xf32> to vector<192x256xf32>
    %add3A_866 = arith.addf %add3A_864, %slice3A_865 : vector<192x256xf32>
    %slice3A_867 = vector.extract_strided_slice %add3A_866 {offsets = [0, 0], sizes = [16, 256], strides = [1, 1]} : vector<192x256xf32> to vector<16x256xf32>
    %slice3A_868 = vector.extract_strided_slice %add3A_866 {offsets = [16, 0], sizes = [16, 256], strides = [1, 1]} : vector<192x256xf32> to vector<16x256xf32>
    %add3A_869 = arith.addf %slice3A_867, %slice3A_868 : vector<16x256xf32>
    %slice3A_870 = vector.extract_strided_slice %add3A_866 {offsets = [32, 0], sizes = [16, 256], strides = [1, 1]} : vector<192x256xf32> to vector<16x256xf32>
    %add3A_871 = arith.addf %add3A_869, %slice3A_870 : vector<16x256xf32>
    %slice3A_872 = vector.extract_strided_slice %add3A_866 {offsets = [48, 0], sizes = [16, 256], strides = [1, 1]} : vector<192x256xf32> to vector<16x256xf32>
    %add3A_873 = arith.addf %add3A_871, %slice3A_872 : vector<16x256xf32>
    %slice3A_874 = vector.extract_strided_slice %add3A_866 {offsets = [64, 0], sizes = [16, 256], strides = [1, 1]} : vector<192x256xf32> to vector<16x256xf32>
    %add3A_875 = arith.addf %add3A_873, %slice3A_874 : vector<16x256xf32>
    %slice3A_876 = vector.extract_strided_slice %add3A_866 {offsets = [80, 0], sizes = [16, 256], strides = [1, 1]} : vector<192x256xf32> to vector<16x256xf32>
    %add3A_877 = arith.addf %add3A_875, %slice3A_876 : vector<16x256xf32>
    %slice3A_878 = vector.extract_strided_slice %add3A_866 {offsets = [96, 0], sizes = [16, 256], strides = [1, 1]} : vector<192x256xf32> to vector<16x256xf32>
    %add3A_879 = arith.addf %add3A_877, %slice3A_878 : vector<16x256xf32>
    %slice3A_880 = vector.extract_strided_slice %add3A_866 {offsets = [112, 0], sizes = [16, 256], strides = [1, 1]} : vector<192x256xf32> to vector<16x256xf32>
    %add3A_881 = arith.addf %add3A_879, %slice3A_880 : vector<16x256xf32>
    %slice3A_882 = vector.extract_strided_slice %add3A_866 {offsets = [128, 0], sizes = [16, 256], strides = [1, 1]} : vector<192x256xf32> to vector<16x256xf32>
    %add3A_883 = arith.addf %add3A_881, %slice3A_882 : vector<16x256xf32>
    %slice3A_884 = vector.extract_strided_slice %add3A_866 {offsets = [144, 0], sizes = [16, 256], strides = [1, 1]} : vector<192x256xf32> to vector<16x256xf32>
    %add3A_885 = arith.addf %add3A_883, %slice3A_884 : vector<16x256xf32>
    %slice3A_886 = vector.extract_strided_slice %add3A_866 {offsets = [160, 0], sizes = [16, 256], strides = [1, 1]} : vector<192x256xf32> to vector<16x256xf32>
    %add3A_887 = arith.addf %add3A_885, %slice3A_886 : vector<16x256xf32>
    %slice3A_888 = vector.extract_strided_slice %add3A_866 {offsets = [176, 0], sizes = [16, 256], strides = [1, 1]} : vector<192x256xf32> to vector<16x256xf32>
    %add3A_889 = arith.addf %add3A_887, %slice3A_888 : vector<16x256xf32>
    %mul3A_890 = arith.constant 0.00999999977 : f32
    %mul3A_891 = vector.broadcast %mul3A_890 : f32 to vector<16x256xf32>
    %mul3A_892 = arith.mulf %add3A_889, %mul3A_891 : vector<16x256xf32>
    %get3A_893 = arith.constant 0 : index
    %get3A_894 = arith.constant 0 : index
    %get3A_895 = vector.load %arg5[%get3A_893, %get3A_894] : memref<256x128xf32, #tpu.memory_space<vmem>>, vector<256x128xf32>
    %dot_general3A_896 = arith.constant dense<0.000000e+00> : vector<16x128xf32>
    %dot_general3A_897 = tpu.matmul %mul3A_892, %get3A_895, %dot_general3A_896 {dimension_numbers = #tpu.dot_dimension_numbers<[1], [0], [0], [1], [0, 0, 1, 1], [], []>, transpose_lhs_hint = false} : vector<16x256xf32>, vector<256x128xf32>, vector<16x128xf32> -> vector<16x128xf32>
    %mul3A_898 = arith.constant 0.999994993 : f32
    %mul3A_899 = vector.broadcast %mul3A_898 : f32 to vector<16x128xf32>
    %mul3A_900 = arith.mulf %dot_general3A_897, %mul3A_899 : vector<16x128xf32>
    %ge3A_901 = arith.constant 0.000000e+00 : f32
    %ge3A_902 = vector.broadcast %ge3A_901 : f32 to vector<16x128xf32>
    %ge3A_903 = arith.cmpf oge, %mul3A_900, %ge3A_902 : vector<16x128xf32>
    %mul3A_904 = arith.constant 0.00999999977 : f32
    %mul3A_905 = vector.broadcast %mul3A_904 : f32 to vector<16x128xf32>
    %mul3A_906 = arith.mulf %mul3A_905, %mul3A_900 : vector<16x128xf32>
    %select_n3A_907 = arith.select %ge3A_903, %mul3A_900, %mul3A_906 : vector<16x128xi1>, vector<16x128xf32>
    %swap3A_908 = arith.constant 0 : index
    %swap3A_909 = arith.constant 0 : index
    %swap3A_910 = vector.load %arg6[%swap3A_908, %swap3A_909] : memref<16x128xf32, #tpu.memory_space<vmem>>, vector<16x128xf32>
    tpu.vector_store %arg6[%swap3A_908, %swap3A_909], %select_n3A_907 {strides = array<i32>} : memref<16x128xf32, #tpu.memory_space<vmem>>, vector<16x128xf32>,
    return
  }
  func.func @transform_0(%arg0: i32) -> (i32, i32) {
    %c0_i32 = arith.constant 0 : i32
    %c0_i32_0 = arith.constant 0 : i32
    return %arg0, %c0_i32 : i32, i32
  }
  func.func @transform_1(%arg0: i32) -> (i32, i32) {
    %c0_i32 = arith.constant 0 : i32
    %c0_i32_0 = arith.constant 0 : i32
    %c0_i32_1 = arith.constant 0 : i32
    return %c0_i32, %c0_i32_0 : i32, i32
  }
  func.func @transform_2(%arg0: i32) -> (i32, i32, i32, i32) {
    %c0_i32 = arith.constant 0 : i32
    %c0_i32_0 = arith.constant 0 : i32
    %c0_i32_1 = arith.constant 0 : i32
    %c0_i32_2 = arith.constant 0 : i32
    %c0_i32_3 = arith.constant 0 : i32
    return %c0_i32, %c0_i32_0, %c0_i32_1, %c0_i32_2 : i32, i32, i32, i32
  }
  func.func @transform_3(%arg0: i32) -> (i32, i32, i32, i32) {
    %c0_i32 = arith.constant 0 : i32
    %c0_i32_0 = arith.constant 0 : i32
    %c0_i32_1 = arith.constant 0 : i32
    %c0_i32_2 = arith.constant 0 : i32
    %c0_i32_3 = arith.constant 0 : i32
    return %c0_i32, %c0_i32_0, %c0_i32_1, %c0_i32_2 : i32, i32, i32, i32
  }
  func.func @transform_4(%arg0: i32) -> (i32, i32) {
    %c0_i32 = arith.constant 0 : i32
    %c0_i32_0 = arith.constant 0 : i32
    %c0_i32_1 = arith.constant 0 : i32
    return %c0_i32, %c0_i32_0 : i32, i32
  }
  func.func @transform_5(%arg0: i32) -> (i32, i32) {
    %c0_i32 = arith.constant 0 : i32
    %c0_i32_0 = arith.constant 0 : i32
    return %arg0, %c0_i32 : i32, i32
  }
}

module attributes {stable_mosaic.version = 14 : i64} {
  func.func @_node_body(%arg0: i32, %arg1: memref<2000x128xf32, #tpu.memory_space<vmem>>, %arg2: memref<2000x128xf32, #tpu.memory_space<vmem>>, %arg3: memref<2000x128xf32, #tpu.memory_space<vmem>>, %arg4: memref<1x1xf32, #tpu.memory_space<vmem>>, %arg5: memref<64x64xf32, #tpu.memory_space<vmem>>, %arg6: memref<1x64xf32, #tpu.memory_space<vmem>>, %arg7: memref<64x128xf32, #tpu.memory_space<vmem>>, %arg8: memref<1x128xf32, #tpu.memory_space<vmem>>, %arg9: memref<64x128xf32, #tpu.memory_space<vmem>>, %arg10: memref<2000x128xf32, #tpu.memory_space<vmem>>, %arg11: memref<2000x128xf32, #tpu.memory_space<vmem>>) attributes {dimension_semantics = [#tpu.dimension_semantics<arbitrary>], iteration_bounds = array<i64: 5>, scalar_prefetch = 0 : i64, scratch_operands = 0 : i64, tpu.core_type = #tpu.core_type<tc>, window_params = [{transform_indices = @transform_0, window_bounds = array<i64: 2000, 128>}, {transform_indices = @transform_1, window_bounds = array<i64: 2000, 128>}, {transform_indices = @transform_2, window_bounds = array<i64: 2000, 128>}, {pipeline_mode = #tpu.pipeline_mode<synchronous>, transform_indices = @transform_3, window_bounds = array<i64: 1, 1>}, {pipeline_mode = #tpu.pipeline_mode<synchronous>, transform_indices = @transform_4, window_bounds = array<i64: 64, 64>}, {pipeline_mode = #tpu.pipeline_mode<synchronous>, transform_indices = @transform_5, window_bounds = array<i64: 1, 64>}, {pipeline_mode = #tpu.pipeline_mode<synchronous>, transform_indices = @transform_6, window_bounds = array<i64: 64, 128>}, {pipeline_mode = #tpu.pipeline_mode<synchronous>, transform_indices = @transform_7, window_bounds = array<i64: 1, 128>}, {pipeline_mode = #tpu.pipeline_mode<synchronous>, transform_indices = @transform_8, window_bounds = array<i64: 64, 128>}, {transform_indices = @transform_9, window_bounds = array<i64: 2000, 128>}, {transform_indices = @transform_10, window_bounds = array<i64: 2000, 128>}]} {
    %get3A = arith.constant 0 : index
    %get3A_0 = arith.constant 0 : index
    %get3A_1 = vector.load %arg4[%get3A, %get3A_0] : memref<1x1xf32, #tpu.memory_space<vmem>>, vector<1x1xf32>
    %get3A_2 = vector.extract %get3A_1[0, 0] : f32 from vector<1x1xf32>
    %get3A_3 = arith.constant 0 : index
    %get3A_4 = arith.constant 0 : index
    %get3A_5 = vector.load %arg1[%get3A_3, %get3A_4] : memref<2000x128xf32, #tpu.memory_space<vmem>>, vector<2000x128xf32>
    %slice3A = vector.extract_strided_slice %get3A_5 {offsets = [0, 0], sizes = [2000, 64], strides = [1, 1]} : vector<2000x128xf32> to vector<2000x64xf32>
    %mul3A = vector.broadcast %get3A_2 : f32 to vector<2000x64xf32>
    %mul3A_6 = arith.mulf %mul3A, %slice3A : vector<2000x64xf32>
    %get3A_7 = arith.constant 0 : index
    %get3A_8 = arith.constant 0 : index
    %get3A_9 = vector.load %arg2[%get3A_7, %get3A_8] : memref<2000x128xf32, #tpu.memory_space<vmem>>, vector<2000x128xf32>
    %slice3A_10 = vector.extract_strided_slice %get3A_9 {offsets = [0, 0], sizes = [2000, 64], strides = [1, 1]} : vector<2000x128xf32> to vector<2000x64xf32>
    %add3A = arith.addf %mul3A_6, %slice3A_10 : vector<2000x64xf32>
    %get3A_11 = arith.constant 0 : index
    %get3A_12 = arith.constant 0 : index
    %get3A_13 = vector.load %arg3[%get3A_11, %get3A_12] : memref<2000x128xf32, #tpu.memory_space<vmem>>, vector<2000x128xf32>
    %slice3A_14 = vector.extract_strided_slice %get3A_13 {offsets = [0, 0], sizes = [2000, 64], strides = [1, 1]} : vector<2000x128xf32> to vector<2000x64xf32>
    %add3A_15 = arith.addf %add3A, %slice3A_14 : vector<2000x64xf32>
    %get3A_16 = arith.constant 0 : index
    %get3A_17 = arith.constant 0 : index
    %get3A_18 = vector.load %arg5[%get3A_16, %get3A_17] : memref<64x64xf32, #tpu.memory_space<vmem>>, vector<64x64xf32>
    %dot_general3A = arith.constant dense<0.000000e+00> : vector<2000x64xf32>
    %dot_general3A_19 = tpu.matmul %add3A_15, %get3A_18, %dot_general3A {dimension_numbers = #tpu.dot_dimension_numbers<[1], [0], [0], [1], [0, 0, 1, 1], [], []>, transpose_lhs_hint = false} : vector<2000x64xf32>, vector<64x64xf32>, vector<2000x64xf32> -> vector<2000x64xf32>
    %get3A_20 = arith.constant 0 : index
    %get3A_21 = arith.constant 0 : index
    %get3A_22 = vector.load %arg6[%get3A_20, %get3A_21] : memref<1x64xf32, #tpu.memory_space<vmem>>, vector<1x64xf32>
    %add3A_23 = vector.broadcast %get3A_22 : vector<1x64xf32> to vector<2000x64xf32>
    %add3A_24 = arith.addf %dot_general3A_19, %add3A_23 : vector<2000x64xf32>
    %mul3A_25 = arith.constant 0.999994993 : f32
    %mul3A_26 = vector.broadcast %mul3A_25 : f32 to vector<2000x64xf32>
    %mul3A_27 = arith.mulf %add3A_24, %mul3A_26 : vector<2000x64xf32>
    %max3A = arith.constant 0.000000e+00 : f32
    %max3A_28 = vector.broadcast %max3A : f32 to vector<2000x64xf32>
    %max3A_29 = arith.maximumf %mul3A_27, %max3A_28 : vector<2000x64xf32>
    %get3A_30 = arith.constant 0 : index
    %get3A_31 = arith.constant 0 : index
    %get3A_32 = vector.load %arg7[%get3A_30, %get3A_31] : memref<64x128xf32, #tpu.memory_space<vmem>>, vector<64x128xf32>
    %dot_general3A_33 = arith.constant dense<0.000000e+00> : vector<2000x128xf32>
    %dot_general3A_34 = tpu.matmul %max3A_29, %get3A_32, %dot_general3A_33 {dimension_numbers = #tpu.dot_dimension_numbers<[1], [0], [0], [1], [0, 0, 1, 1], [], []>, transpose_lhs_hint = false} : vector<2000x64xf32>, vector<64x128xf32>, vector<2000x128xf32> -> vector<2000x128xf32>
    %get3A_35 = arith.constant 0 : index
    %get3A_36 = arith.constant 0 : index
    %get3A_37 = vector.load %arg8[%get3A_35, %get3A_36] : memref<1x128xf32, #tpu.memory_space<vmem>>, vector<1x128xf32>
    %add3A_38 = vector.broadcast %get3A_37 : vector<1x128xf32> to vector<2000x128xf32>
    %add3A_39 = arith.addf %dot_general3A_34, %add3A_38 : vector<2000x128xf32>
    %mul3A_40 = arith.constant 0.999994993 : f32
    %mul3A_41 = vector.broadcast %mul3A_40 : f32 to vector<2000x128xf32>
    %mul3A_42 = arith.mulf %add3A_39, %mul3A_41 : vector<2000x128xf32>
    %ge3A = arith.constant 0.000000e+00 : f32
    %ge3A_43 = vector.broadcast %ge3A : f32 to vector<2000x128xf32>
    %ge3A_44 = arith.cmpf oge, %mul3A_42, %ge3A_43 : vector<2000x128xf32>
    %mul3A_45 = arith.constant 0.00999999977 : f32
    %mul3A_46 = vector.broadcast %mul3A_45 : f32 to vector<2000x128xf32>
    %mul3A_47 = arith.mulf %mul3A_46, %mul3A_42 : vector<2000x128xf32>
    %select_n3A = arith.select %ge3A_44, %mul3A_42, %mul3A_47 : vector<2000x128xi1>, vector<2000x128xf32>
    %swap3A = arith.constant 0 : index
    %swap3A_48 = arith.constant 0 : index
    %swap3A_49 = vector.load %arg10[%swap3A, %swap3A_48] : memref<2000x128xf32, #tpu.memory_space<vmem>>, vector<2000x128xf32>
    tpu.vector_store %arg10[%swap3A, %swap3A_48], %select_n3A {strides = array<i32>} : memref<2000x128xf32, #tpu.memory_space<vmem>>, vector<2000x128xf32>,
    %slice3A_50 = vector.extract_strided_slice %select_n3A {offsets = [0, 0], sizes = [2000, 64], strides = [1, 1]} : vector<2000x128xf32> to vector<2000x64xf32>
    %get3A_51 = arith.constant 0 : index
    %get3A_52 = arith.constant 0 : index
    %get3A_53 = vector.load %arg9[%get3A_51, %get3A_52] : memref<64x128xf32, #tpu.memory_space<vmem>>, vector<64x128xf32>
    %dot_general3A_54 = arith.constant dense<0.000000e+00> : vector<2000x128xf32>
    %dot_general3A_55 = tpu.matmul %slice3A_50, %get3A_53, %dot_general3A_54 {dimension_numbers = #tpu.dot_dimension_numbers<[1], [0], [0], [1], [0, 0, 1, 1], [], []>, transpose_lhs_hint = false} : vector<2000x64xf32>, vector<64x128xf32>, vector<2000x128xf32> -> vector<2000x128xf32>
    %swap3A_56 = arith.constant 0 : index
    %swap3A_57 = arith.constant 0 : index
    %swap3A_58 = vector.load %arg11[%swap3A_56, %swap3A_57] : memref<2000x128xf32, #tpu.memory_space<vmem>>, vector<2000x128xf32>
    tpu.vector_store %arg11[%swap3A_56, %swap3A_57], %dot_general3A_55 {strides = array<i32>} : memref<2000x128xf32, #tpu.memory_space<vmem>>, vector<2000x128xf32>,
    return
  }
  func.func @transform_0(%arg0: i32) -> (i32, i32) {
    %c0_i32 = arith.constant 0 : i32
    %c0_i32_0 = arith.constant 0 : i32
    return %arg0, %c0_i32 : i32, i32
  }
  func.func @transform_1(%arg0: i32) -> (i32, i32) {
    %c0_i32 = arith.constant 0 : i32
    %c0_i32_0 = arith.constant 0 : i32
    return %arg0, %c0_i32 : i32, i32
  }
  func.func @transform_2(%arg0: i32) -> (i32, i32) {
    %c0_i32 = arith.constant 0 : i32
    %c0_i32_0 = arith.constant 0 : i32
    return %arg0, %c0_i32 : i32, i32
  }
  func.func @transform_3(%arg0: i32) -> (i32, i32) {
    %c0_i32 = arith.constant 0 : i32
    %c0_i32_0 = arith.constant 0 : i32
    %c0_i32_1 = arith.constant 0 : i32
    return %c0_i32, %c0_i32_0 : i32, i32
  }
  func.func @transform_4(%arg0: i32) -> (i32, i32) {
    %c0_i32 = arith.constant 0 : i32
    %c0_i32_0 = arith.constant 0 : i32
    %c0_i32_1 = arith.constant 0 : i32
    return %c0_i32, %c0_i32_0 : i32, i32
  }
  func.func @transform_5(%arg0: i32) -> (i32, i32) {
    %c0_i32 = arith.constant 0 : i32
    %c0_i32_0 = arith.constant 0 : i32
    %c0_i32_1 = arith.constant 0 : i32
    return %c0_i32, %c0_i32_0 : i32, i32
  }
  func.func @transform_6(%arg0: i32) -> (i32, i32) {
    %c0_i32 = arith.constant 0 : i32
    %c0_i32_0 = arith.constant 0 : i32
    %c0_i32_1 = arith.constant 0 : i32
    return %c0_i32, %c0_i32_0 : i32, i32
  }
  func.func @transform_7(%arg0: i32) -> (i32, i32) {
    %c0_i32 = arith.constant 0 : i32
    %c0_i32_0 = arith.constant 0 : i32
    %c0_i32_1 = arith.constant 0 : i32
    return %c0_i32, %c0_i32_0 : i32, i32
  }
  func.func @transform_8(%arg0: i32) -> (i32, i32) {
    %c0_i32 = arith.constant 0 : i32
    %c0_i32_0 = arith.constant 0 : i32
    %c0_i32_1 = arith.constant 0 : i32
    return %c0_i32, %c0_i32_0 : i32, i32
  }
  func.func @transform_9(%arg0: i32) -> (i32, i32) {
    %c0_i32 = arith.constant 0 : i32
    %c0_i32_0 = arith.constant 0 : i32
    return %arg0, %c0_i32 : i32, i32
  }
  func.func @transform_10(%arg0: i32) -> (i32, i32) {
    %c0_i32 = arith.constant 0 : i32
    %c0_i32_0 = arith.constant 0 : i32
    return %arg0, %c0_i32 : i32, i32
  }
}

module attributes {stable_mosaic.version = 14 : i64} {
  func.func @_edge_body(%arg0: i32, %arg1: memref<2000x64xf32, #tpu.memory_space<vmem>>, %arg2: memref<2000x128xf32, #tpu.memory_space<vmem>>, %arg3: memref<2000x128xf32, #tpu.memory_space<vmem>>, %arg4: memref<1x1xf32, #tpu.memory_space<vmem>>, %arg5: memref<1x64xf32, #tpu.memory_space<vmem>>, %arg6: memref<64x64xf32, #tpu.memory_space<vmem>>, %arg7: memref<1x64xf32, #tpu.memory_space<vmem>>, %arg8: memref<64x64xf32, #tpu.memory_space<vmem>>, %arg9: memref<1x64xf32, #tpu.memory_space<vmem>>, %arg10: memref<64x128xf32, #tpu.memory_space<vmem>>, %arg11: memref<1x128xf32, #tpu.memory_space<vmem>>, %arg12: memref<2000x128xf32, #tpu.memory_space<vmem>>) attributes {dimension_semantics = [#tpu.dimension_semantics<arbitrary>], iteration_bounds = array<i64: 80>, scalar_prefetch = 0 : i64, scratch_operands = 0 : i64, tpu.core_type = #tpu.core_type<tc>, window_params = [{transform_indices = @transform_0, window_bounds = array<i64: 2000, 64>}, {transform_indices = @transform_1, window_bounds = array<i64: 2000, 128>}, {transform_indices = @transform_2, window_bounds = array<i64: 2000, 128>}, {pipeline_mode = #tpu.pipeline_mode<synchronous>, transform_indices = @transform_3, window_bounds = array<i64: 1, 1>}, {pipeline_mode = #tpu.pipeline_mode<synchronous>, transform_indices = @transform_4, window_bounds = array<i64: 1, 64>}, {pipeline_mode = #tpu.pipeline_mode<synchronous>, transform_indices = @transform_5, window_bounds = array<i64: 64, 64>}, {pipeline_mode = #tpu.pipeline_mode<synchronous>, transform_indices = @transform_6, window_bounds = array<i64: 1, 64>}, {pipeline_mode = #tpu.pipeline_mode<synchronous>, transform_indices = @transform_7, window_bounds = array<i64: 64, 64>}, {pipeline_mode = #tpu.pipeline_mode<synchronous>, transform_indices = @transform_8, window_bounds = array<i64: 1, 64>}, {pipeline_mode = #tpu.pipeline_mode<synchronous>, transform_indices = @transform_9, window_bounds = array<i64: 64, 128>}, {pipeline_mode = #tpu.pipeline_mode<synchronous>, transform_indices = @transform_10, window_bounds = array<i64: 1, 128>}, {transform_indices = @transform_11, window_bounds = array<i64: 2000, 128>}]} {
    %get3A = arith.constant 0 : index
    %get3A_0 = arith.constant 0 : index
    %get3A_1 = vector.load %arg4[%get3A, %get3A_0] : memref<1x1xf32, #tpu.memory_space<vmem>>, vector<1x1xf32>
    %get3A_2 = vector.extract %get3A_1[0, 0] : f32 from vector<1x1xf32>
    %get3A_3 = arith.constant 0 : index
    %get3A_4 = arith.constant 0 : index
    %get3A_5 = vector.load %arg1[%get3A_3, %get3A_4] : memref<2000x64xf32, #tpu.memory_space<vmem>>, vector<2000x64xf32>
    %mul3A = vector.broadcast %get3A_2 : f32 to vector<2000x64xf32>
    %mul3A_6 = arith.mulf %mul3A, %get3A_5 : vector<2000x64xf32>
    %get3A_7 = arith.constant 0 : index
    %get3A_8 = arith.constant 0 : index
    %get3A_9 = vector.load %arg2[%get3A_7, %get3A_8] : memref<2000x128xf32, #tpu.memory_space<vmem>>, vector<2000x128xf32>
    %slice3A = vector.extract_strided_slice %get3A_9 {offsets = [0, 0], sizes = [2000, 64], strides = [1, 1]} : vector<2000x128xf32> to vector<2000x64xf32>
    %add3A = arith.addf %mul3A_6, %slice3A : vector<2000x64xf32>
    %get3A_10 = arith.constant 0 : index
    %get3A_11 = arith.constant 0 : index
    %get3A_12 = vector.load %arg3[%get3A_10, %get3A_11] : memref<2000x128xf32, #tpu.memory_space<vmem>>, vector<2000x128xf32>
    %slice3A_13 = vector.extract_strided_slice %get3A_12 {offsets = [0, 0], sizes = [2000, 64], strides = [1, 1]} : vector<2000x128xf32> to vector<2000x64xf32>
    %add3A_14 = arith.addf %add3A, %slice3A_13 : vector<2000x64xf32>
    %get3A_15 = arith.constant 0 : index
    %get3A_16 = arith.constant 0 : index
    %get3A_17 = vector.load %arg5[%get3A_15, %get3A_16] : memref<1x64xf32, #tpu.memory_space<vmem>>, vector<1x64xf32>
    %add3A_18 = vector.broadcast %get3A_17 : vector<1x64xf32> to vector<2000x64xf32>
    %add3A_19 = arith.addf %add3A_14, %add3A_18 : vector<2000x64xf32>
    %get3A_20 = arith.constant 0 : index
    %get3A_21 = arith.constant 0 : index
    %get3A_22 = vector.load %arg6[%get3A_20, %get3A_21] : memref<64x64xf32, #tpu.memory_space<vmem>>, vector<64x64xf32>
    %dot_general3A = arith.constant dense<0.000000e+00> : vector<2000x64xf32>
    %dot_general3A_23 = tpu.matmul %add3A_19, %get3A_22, %dot_general3A {dimension_numbers = #tpu.dot_dimension_numbers<[1], [0], [0], [1], [0, 0, 1, 1], [], []>, transpose_lhs_hint = false} : vector<2000x64xf32>, vector<64x64xf32>, vector<2000x64xf32> -> vector<2000x64xf32>
    %get3A_24 = arith.constant 0 : index
    %get3A_25 = arith.constant 0 : index
    %get3A_26 = vector.load %arg7[%get3A_24, %get3A_25] : memref<1x64xf32, #tpu.memory_space<vmem>>, vector<1x64xf32>
    %add3A_27 = vector.broadcast %get3A_26 : vector<1x64xf32> to vector<2000x64xf32>
    %add3A_28 = arith.addf %dot_general3A_23, %add3A_27 : vector<2000x64xf32>
    %mul3A_29 = arith.constant 0.999994993 : f32
    %mul3A_30 = vector.broadcast %mul3A_29 : f32 to vector<2000x64xf32>
    %mul3A_31 = arith.mulf %add3A_28, %mul3A_30 : vector<2000x64xf32>
    %max3A = arith.constant 0.000000e+00 : f32
    %max3A_32 = vector.broadcast %max3A : f32 to vector<2000x64xf32>
    %max3A_33 = arith.maximumf %mul3A_31, %max3A_32 : vector<2000x64xf32>
    %get3A_34 = arith.constant 0 : index
    %get3A_35 = arith.constant 0 : index
    %get3A_36 = vector.load %arg8[%get3A_34, %get3A_35] : memref<64x64xf32, #tpu.memory_space<vmem>>, vector<64x64xf32>
    %dot_general3A_37 = arith.constant dense<0.000000e+00> : vector<2000x64xf32>
    %dot_general3A_38 = tpu.matmul %max3A_33, %get3A_36, %dot_general3A_37 {dimension_numbers = #tpu.dot_dimension_numbers<[1], [0], [0], [1], [0, 0, 1, 1], [], []>, transpose_lhs_hint = false} : vector<2000x64xf32>, vector<64x64xf32>, vector<2000x64xf32> -> vector<2000x64xf32>
    %get3A_39 = arith.constant 0 : index
    %get3A_40 = arith.constant 0 : index
    %get3A_41 = vector.load %arg9[%get3A_39, %get3A_40] : memref<1x64xf32, #tpu.memory_space<vmem>>, vector<1x64xf32>
    %add3A_42 = vector.broadcast %get3A_41 : vector<1x64xf32> to vector<2000x64xf32>
    %add3A_43 = arith.addf %dot_general3A_38, %add3A_42 : vector<2000x64xf32>
    %mul3A_44 = arith.constant 0.999994993 : f32
    %mul3A_45 = vector.broadcast %mul3A_44 : f32 to vector<2000x64xf32>
    %mul3A_46 = arith.mulf %add3A_43, %mul3A_45 : vector<2000x64xf32>
    %ge3A = arith.constant 0.000000e+00 : f32
    %ge3A_47 = vector.broadcast %ge3A : f32 to vector<2000x64xf32>
    %ge3A_48 = arith.cmpf oge, %mul3A_46, %ge3A_47 : vector<2000x64xf32>
    %mul3A_49 = arith.constant 0.00999999977 : f32
    %mul3A_50 = vector.broadcast %mul3A_49 : f32 to vector<2000x64xf32>
    %mul3A_51 = arith.mulf %mul3A_50, %mul3A_46 : vector<2000x64xf32>
    %select_n3A = arith.select %ge3A_48, %mul3A_46, %mul3A_51 : vector<2000x64xi1>, vector<2000x64xf32>
    %get3A_52 = arith.constant 0 : index
    %get3A_53 = arith.constant 0 : index
    %get3A_54 = vector.load %arg10[%get3A_52, %get3A_53] : memref<64x128xf32, #tpu.memory_space<vmem>>, vector<64x128xf32>
    %dot_general3A_55 = arith.constant dense<0.000000e+00> : vector<2000x128xf32>
    %dot_general3A_56 = tpu.matmul %select_n3A, %get3A_54, %dot_general3A_55 {dimension_numbers = #tpu.dot_dimension_numbers<[1], [0], [0], [1], [0, 0, 1, 1], [], []>, transpose_lhs_hint = false} : vector<2000x64xf32>, vector<64x128xf32>, vector<2000x128xf32> -> vector<2000x128xf32>
    %get3A_57 = arith.constant 0 : index
    %get3A_58 = arith.constant 0 : index
    %get3A_59 = vector.load %arg11[%get3A_57, %get3A_58] : memref<1x128xf32, #tpu.memory_space<vmem>>, vector<1x128xf32>
    %add3A_60 = vector.broadcast %get3A_59 : vector<1x128xf32> to vector<2000x128xf32>
    %add3A_61 = arith.addf %dot_general3A_56, %add3A_60 : vector<2000x128xf32>
    %swap3A = arith.constant 0 : index
    %swap3A_62 = arith.constant 0 : index
    %swap3A_63 = vector.load %arg12[%swap3A, %swap3A_62] : memref<2000x128xf32, #tpu.memory_space<vmem>>, vector<2000x128xf32>
    tpu.vector_store %arg12[%swap3A, %swap3A_62], %add3A_61 {strides = array<i32>} : memref<2000x128xf32, #tpu.memory_space<vmem>>, vector<2000x128xf32>,
    return
  }
  func.func @transform_0(%arg0: i32) -> (i32, i32) {
    %c0_i32 = arith.constant 0 : i32
    %c0_i32_0 = arith.constant 0 : i32
    return %arg0, %c0_i32 : i32, i32
  }
  func.func @transform_1(%arg0: i32) -> (i32, i32) {
    %c0_i32 = arith.constant 0 : i32
    %c0_i32_0 = arith.constant 0 : i32
    return %arg0, %c0_i32 : i32, i32
  }
  func.func @transform_2(%arg0: i32) -> (i32, i32) {
    %c0_i32 = arith.constant 0 : i32
    %c0_i32_0 = arith.constant 0 : i32
    return %arg0, %c0_i32 : i32, i32
  }
  func.func @transform_3(%arg0: i32) -> (i32, i32) {
    %c0_i32 = arith.constant 0 : i32
    %c0_i32_0 = arith.constant 0 : i32
    %c0_i32_1 = arith.constant 0 : i32
    return %c0_i32, %c0_i32_0 : i32, i32
  }
  func.func @transform_4(%arg0: i32) -> (i32, i32) {
    %c0_i32 = arith.constant 0 : i32
    %c0_i32_0 = arith.constant 0 : i32
    %c0_i32_1 = arith.constant 0 : i32
    return %c0_i32, %c0_i32_0 : i32, i32
  }
  func.func @transform_5(%arg0: i32) -> (i32, i32) {
    %c0_i32 = arith.constant 0 : i32
    %c0_i32_0 = arith.constant 0 : i32
    %c0_i32_1 = arith.constant 0 : i32
    return %c0_i32, %c0_i32_0 : i32, i32
  }
  func.func @transform_6(%arg0: i32) -> (i32, i32) {
    %c0_i32 = arith.constant 0 : i32
    %c0_i32_0 = arith.constant 0 : i32
    %c0_i32_1 = arith.constant 0 : i32
    return %c0_i32, %c0_i32_0 : i32, i32
  }
  func.func @transform_7(%arg0: i32) -> (i32, i32) {
    %c0_i32 = arith.constant 0 : i32
    %c0_i32_0 = arith.constant 0 : i32
    %c0_i32_1 = arith.constant 0 : i32
    return %c0_i32, %c0_i32_0 : i32, i32
  }
  func.func @transform_8(%arg0: i32) -> (i32, i32) {
    %c0_i32 = arith.constant 0 : i32
    %c0_i32_0 = arith.constant 0 : i32
    %c0_i32_1 = arith.constant 0 : i32
    return %c0_i32, %c0_i32_0 : i32, i32
  }
  func.func @transform_9(%arg0: i32) -> (i32, i32) {
    %c0_i32 = arith.constant 0 : i32
    %c0_i32_0 = arith.constant 0 : i32
    %c0_i32_1 = arith.constant 0 : i32
    return %c0_i32, %c0_i32_0 : i32, i32
  }
  func.func @transform_10(%arg0: i32) -> (i32, i32) {
    %c0_i32 = arith.constant 0 : i32
    %c0_i32_0 = arith.constant 0 : i32
    %c0_i32_1 = arith.constant 0 : i32
    return %c0_i32, %c0_i32_0 : i32, i32
  }
  func.func @transform_11(%arg0: i32) -> (i32, i32) {
    %c0_i32 = arith.constant 0 : i32
    %c0_i32_0 = arith.constant 0 : i32
    return %arg0, %c0_i32 : i32, i32
  }
}

module attributes {stable_mosaic.version = 14 : i64} {
  func.func @_node2_body(%arg0: i32, %arg1: memref<2000x128xf32, #tpu.memory_space<vmem>>, %arg2: memref<2000x128xf32, #tpu.memory_space<vmem>>, %arg3: memref<2000x128xf32, #tpu.memory_space<vmem>>, %arg4: memref<1x1xf32, #tpu.memory_space<vmem>>, %arg5: memref<64x64xf32, #tpu.memory_space<vmem>>, %arg6: memref<1x64xf32, #tpu.memory_space<vmem>>, %arg7: memref<64x64xf32, #tpu.memory_space<vmem>>, %arg8: memref<1x64xf32, #tpu.memory_space<vmem>>, %arg9: memref<2000x64xf32, #tpu.memory_space<vmem>>) attributes {dimension_semantics = [#tpu.dimension_semantics<arbitrary>], iteration_bounds = array<i64: 5>, scalar_prefetch = 0 : i64, scratch_operands = 0 : i64, tpu.core_type = #tpu.core_type<tc>, window_params = [{transform_indices = @transform_0, window_bounds = array<i64: 2000, 128>}, {transform_indices = @transform_1, window_bounds = array<i64: 2000, 128>}, {transform_indices = @transform_2, window_bounds = array<i64: 2000, 128>}, {pipeline_mode = #tpu.pipeline_mode<synchronous>, transform_indices = @transform_3, window_bounds = array<i64: 1, 1>}, {pipeline_mode = #tpu.pipeline_mode<synchronous>, transform_indices = @transform_4, window_bounds = array<i64: 64, 64>}, {pipeline_mode = #tpu.pipeline_mode<synchronous>, transform_indices = @transform_5, window_bounds = array<i64: 1, 64>}, {pipeline_mode = #tpu.pipeline_mode<synchronous>, transform_indices = @transform_6, window_bounds = array<i64: 64, 64>}, {pipeline_mode = #tpu.pipeline_mode<synchronous>, transform_indices = @transform_7, window_bounds = array<i64: 1, 64>}, {transform_indices = @transform_8, window_bounds = array<i64: 2000, 64>}]} {
    %get3A = arith.constant 0 : index
    %get3A_0 = arith.constant 0 : index
    %get3A_1 = vector.load %arg4[%get3A, %get3A_0] : memref<1x1xf32, #tpu.memory_space<vmem>>, vector<1x1xf32>
    %get3A_2 = vector.extract %get3A_1[0, 0] : f32 from vector<1x1xf32>
    %get3A_3 = arith.constant 0 : index
    %get3A_4 = arith.constant 0 : index
    %get3A_5 = vector.load %arg1[%get3A_3, %get3A_4] : memref<2000x128xf32, #tpu.memory_space<vmem>>, vector<2000x128xf32>
    %slice3A = vector.extract_strided_slice %get3A_5 {offsets = [0, 0], sizes = [2000, 64], strides = [1, 1]} : vector<2000x128xf32> to vector<2000x64xf32>
    %mul3A = vector.broadcast %get3A_2 : f32 to vector<2000x64xf32>
    %mul3A_6 = arith.mulf %mul3A, %slice3A : vector<2000x64xf32>
    %get3A_7 = arith.constant 0 : index
    %get3A_8 = arith.constant 0 : index
    %get3A_9 = vector.load %arg2[%get3A_7, %get3A_8] : memref<2000x128xf32, #tpu.memory_space<vmem>>, vector<2000x128xf32>
    %slice3A_10 = vector.extract_strided_slice %get3A_9 {offsets = [0, 0], sizes = [2000, 64], strides = [1, 1]} : vector<2000x128xf32> to vector<2000x64xf32>
    %add3A = arith.addf %mul3A_6, %slice3A_10 : vector<2000x64xf32>
    %get3A_11 = arith.constant 0 : index
    %get3A_12 = arith.constant 0 : index
    %get3A_13 = vector.load %arg3[%get3A_11, %get3A_12] : memref<2000x128xf32, #tpu.memory_space<vmem>>, vector<2000x128xf32>
    %slice3A_14 = vector.extract_strided_slice %get3A_13 {offsets = [0, 0], sizes = [2000, 64], strides = [1, 1]} : vector<2000x128xf32> to vector<2000x64xf32>
    %add3A_15 = arith.addf %add3A, %slice3A_14 : vector<2000x64xf32>
    %get3A_16 = arith.constant 0 : index
    %get3A_17 = arith.constant 0 : index
    %get3A_18 = vector.load %arg5[%get3A_16, %get3A_17] : memref<64x64xf32, #tpu.memory_space<vmem>>, vector<64x64xf32>
    %dot_general3A = arith.constant dense<0.000000e+00> : vector<2000x64xf32>
    %dot_general3A_19 = tpu.matmul %add3A_15, %get3A_18, %dot_general3A {dimension_numbers = #tpu.dot_dimension_numbers<[1], [0], [0], [1], [0, 0, 1, 1], [], []>, transpose_lhs_hint = false} : vector<2000x64xf32>, vector<64x64xf32>, vector<2000x64xf32> -> vector<2000x64xf32>
    %get3A_20 = arith.constant 0 : index
    %get3A_21 = arith.constant 0 : index
    %get3A_22 = vector.load %arg6[%get3A_20, %get3A_21] : memref<1x64xf32, #tpu.memory_space<vmem>>, vector<1x64xf32>
    %add3A_23 = vector.broadcast %get3A_22 : vector<1x64xf32> to vector<2000x64xf32>
    %add3A_24 = arith.addf %dot_general3A_19, %add3A_23 : vector<2000x64xf32>
    %mul3A_25 = arith.constant 0.999994993 : f32
    %mul3A_26 = vector.broadcast %mul3A_25 : f32 to vector<2000x64xf32>
    %mul3A_27 = arith.mulf %add3A_24, %mul3A_26 : vector<2000x64xf32>
    %max3A = arith.constant 0.000000e+00 : f32
    %max3A_28 = vector.broadcast %max3A : f32 to vector<2000x64xf32>
    %max3A_29 = arith.maximumf %mul3A_27, %max3A_28 : vector<2000x64xf32>
    %get3A_30 = arith.constant 0 : index
    %get3A_31 = arith.constant 0 : index
    %get3A_32 = vector.load %arg7[%get3A_30, %get3A_31] : memref<64x64xf32, #tpu.memory_space<vmem>>, vector<64x64xf32>
    %dot_general3A_33 = arith.constant dense<0.000000e+00> : vector<2000x64xf32>
    %dot_general3A_34 = tpu.matmul %max3A_29, %get3A_32, %dot_general3A_33 {dimension_numbers = #tpu.dot_dimension_numbers<[1], [0], [0], [1], [0, 0, 1, 1], [], []>, transpose_lhs_hint = false} : vector<2000x64xf32>, vector<64x64xf32>, vector<2000x64xf32> -> vector<2000x64xf32>
    %get3A_35 = arith.constant 0 : index
    %get3A_36 = arith.constant 0 : index
    %get3A_37 = vector.load %arg8[%get3A_35, %get3A_36] : memref<1x64xf32, #tpu.memory_space<vmem>>, vector<1x64xf32>
    %add3A_38 = vector.broadcast %get3A_37 : vector<1x64xf32> to vector<2000x64xf32>
    %add3A_39 = arith.addf %dot_general3A_34, %add3A_38 : vector<2000x64xf32>
    %mul3A_40 = arith.constant 0.999994993 : f32
    %mul3A_41 = vector.broadcast %mul3A_40 : f32 to vector<2000x64xf32>
    %mul3A_42 = arith.mulf %add3A_39, %mul3A_41 : vector<2000x64xf32>
    %ge3A = arith.constant 0.000000e+00 : f32
    %ge3A_43 = vector.broadcast %ge3A : f32 to vector<2000x64xf32>
    %ge3A_44 = arith.cmpf oge, %mul3A_42, %ge3A_43 : vector<2000x64xf32>
    %mul3A_45 = arith.constant 0.00999999977 : f32
    %mul3A_46 = vector.broadcast %mul3A_45 : f32 to vector<2000x64xf32>
    %mul3A_47 = arith.mulf %mul3A_46, %mul3A_42 : vector<2000x64xf32>
    %select_n3A = arith.select %ge3A_44, %mul3A_42, %mul3A_47 : vector<2000x64xi1>, vector<2000x64xf32>
    %swap3A = arith.constant 0 : index
    %swap3A_48 = arith.constant 0 : index
    %swap3A_49 = vector.load %arg9[%swap3A, %swap3A_48] : memref<2000x64xf32, #tpu.memory_space<vmem>>, vector<2000x64xf32>
    tpu.vector_store %arg9[%swap3A, %swap3A_48], %select_n3A {strides = array<i32>} : memref<2000x64xf32, #tpu.memory_space<vmem>>, vector<2000x64xf32>,
    return
  }
  func.func @transform_0(%arg0: i32) -> (i32, i32) {
    %c0_i32 = arith.constant 0 : i32
    %c0_i32_0 = arith.constant 0 : i32
    return %arg0, %c0_i32 : i32, i32
  }
  func.func @transform_1(%arg0: i32) -> (i32, i32) {
    %c0_i32 = arith.constant 0 : i32
    %c0_i32_0 = arith.constant 0 : i32
    return %arg0, %c0_i32 : i32, i32
  }
  func.func @transform_2(%arg0: i32) -> (i32, i32) {
    %c0_i32 = arith.constant 0 : i32
    %c0_i32_0 = arith.constant 0 : i32
    return %arg0, %c0_i32 : i32, i32
  }
  func.func @transform_3(%arg0: i32) -> (i32, i32) {
    %c0_i32 = arith.constant 0 : i32
    %c0_i32_0 = arith.constant 0 : i32
    %c0_i32_1 = arith.constant 0 : i32
    return %c0_i32, %c0_i32_0 : i32, i32
  }
  func.func @transform_4(%arg0: i32) -> (i32, i32) {
    %c0_i32 = arith.constant 0 : i32
    %c0_i32_0 = arith.constant 0 : i32
    %c0_i32_1 = arith.constant 0 : i32
    return %c0_i32, %c0_i32_0 : i32, i32
  }
  func.func @transform_5(%arg0: i32) -> (i32, i32) {
    %c0_i32 = arith.constant 0 : i32
    %c0_i32_0 = arith.constant 0 : i32
    %c0_i32_1 = arith.constant 0 : i32
    return %c0_i32, %c0_i32_0 : i32, i32
  }
  func.func @transform_6(%arg0: i32) -> (i32, i32) {
    %c0_i32 = arith.constant 0 : i32
    %c0_i32_0 = arith.constant 0 : i32
    %c0_i32_1 = arith.constant 0 : i32
    return %c0_i32, %c0_i32_0 : i32, i32
  }
  func.func @transform_7(%arg0: i32) -> (i32, i32) {
    %c0_i32 = arith.constant 0 : i32
    %c0_i32_0 = arith.constant 0 : i32
    %c0_i32_1 = arith.constant 0 : i32
    return %c0_i32, %c0_i32_0 : i32, i32
  }
  func.func @transform_8(%arg0: i32) -> (i32, i32) {
    %c0_i32 = arith.constant 0 : i32
    %c0_i32_0 = arith.constant 0 : i32
    return %arg0, %c0_i32 : i32, i32
  }
}

module attributes {stable_mosaic.version = 14 : i64} {
  func.func @_readout_body(%arg0: memref<10000x64xf32, #tpu.memory_space<vmem>>, %arg1: memref<10000x64xf32, #tpu.memory_space<vmem>>, %arg2: memref<10000x64xf32, #tpu.memory_space<vmem>>, %arg3: memref<10000x1xi32, #tpu.memory_space<vmem>>, %arg4: memref<64x128xf32, #tpu.memory_space<vmem>>, %arg5: memref<64x128xf32, #tpu.memory_space<vmem>>, %arg6: memref<64x128xf32, #tpu.memory_space<vmem>>, %arg7: memref<1x128xf32, #tpu.memory_space<vmem>>, %arg8: memref<128x128xf32, #tpu.memory_space<vmem>>, %arg9: memref<128x128xf32, #tpu.memory_space<vmem>>, %arg10: memref<128x128xf32, #tpu.memory_space<vmem>>, %arg11: memref<100x128xf32, #tpu.memory_space<vmem>>, %arg12: memref<104x64xf32, #tpu.memory_space<vmem>>, %arg13: memref<104x64xf32, #tpu.memory_space<vmem>>, %arg14: memref<104x64xf32, #tpu.memory_space<vmem>>) attributes {dimension_semantics = [], scalar_prefetch = 0 : i64, scratch_operands = 3 : i64, tpu.core_type = #tpu.core_type<tc>} {
    %get3A = arith.constant 0 : index
    %get3A_0 = arith.constant 0 : index
    %get3A_1 = vector.load %arg0[%get3A, %get3A_0] : memref<10000x64xf32, #tpu.memory_space<vmem>>, vector<10000x64xf32>
    %get3A_2 = arith.constant 0 : index
    %get3A_3 = arith.constant 0 : index
    %get3A_4 = vector.load %arg1[%get3A_2, %get3A_3] : memref<10000x64xf32, #tpu.memory_space<vmem>>, vector<10000x64xf32>
    %get3A_5 = arith.constant 0 : index
    %get3A_6 = arith.constant 0 : index
    %get3A_7 = vector.load %arg2[%get3A_5, %get3A_6] : memref<10000x64xf32, #tpu.memory_space<vmem>>, vector<10000x64xf32>
    %get3A_8 = arith.constant 0 : index
    %get3A_9 = arith.constant 0 : index
    %get3A_10 = vector.load %arg3[%get3A_8, %get3A_9] : memref<10000x1xi32, #tpu.memory_space<vmem>>, vector<10000x1xi32>
    %scan3A = arith.constant 0xFF800000 : f32
    %scan3A_11 = arith.constant 0 : i32
    %scan3A_12 = arith.constant 100 : i32
    %scan3A_13 = arith.addi %scan3A_11, %scan3A_12 : i32
    %scan3A_14 = arith.constant 1 : i32
    scf.for %scan3A_78 = %scan3A_11 to %scan3A_13 step %scan3A_14  : i32 {
      %eq3A = vector.broadcast %scan3A_78 : i32 to vector<10000x1xi32>
      %eq3A_79 = arith.cmpi eq, %get3A_10, %eq3A : vector<10000x1xi32>
      %broadcast_in_dim3A_80 = vector.shape_cast %eq3A_79 : vector<10000x1xi1> to vector<10000x1xi1>
      %broadcast_in_dim3A_81 = vector.broadcast %broadcast_in_dim3A_80 : vector<10000x1xi1> to vector<10000x64xi1>
      %broadcast_in_dim3A_82 = vector.broadcast %scan3A : f32 to vector<10000x64xf32>
      %select_n3A = arith.select %broadcast_in_dim3A_81, %get3A_1, %broadcast_in_dim3A_82 : vector<10000x64xi1>, vector<10000x64xf32>
      %reduce_max3A = arith.constant dense<0xFF800000> : vector<64xf32>
      %reduce_max3A_83 = vector.multi_reduction <maximumf>, %select_n3A, %reduce_max3A [0] : vector<10000x64xf32> to vector<64xf32>
      %broadcast_in_dim3A_84 = vector.shape_cast %reduce_max3A_83 : vector<64xf32> to vector<1x64xf32>
      %swap3A_85 = arith.index_cast %scan3A_78 : i32 to index
      %swap3A_86 = arith.constant 0 : index
      %swap3A_87 = vector.load %arg12[%swap3A_85, %swap3A_86] : memref<104x64xf32, #tpu.memory_space<vmem>>, vector<1x64xf32>
      tpu.vector_store %arg12[%swap3A_85, %swap3A_86], %broadcast_in_dim3A_84 {strides = array<i32>} : memref<104x64xf32, #tpu.memory_space<vmem>>, vector<1x64xf32>,
      %broadcast_in_dim3A_88 = vector.shape_cast %eq3A_79 : vector<10000x1xi1> to vector<10000x1xi1>
      %broadcast_in_dim3A_89 = vector.broadcast %broadcast_in_dim3A_88 : vector<10000x1xi1> to vector<10000x64xi1>
      %broadcast_in_dim3A_90 = vector.broadcast %scan3A : f32 to vector<10000x64xf32>
      %select_n3A_91 = arith.select %broadcast_in_dim3A_89, %get3A_4, %broadcast_in_dim3A_90 : vector<10000x64xi1>, vector<10000x64xf32>
      %reduce_max3A_92 = arith.constant dense<0xFF800000> : vector<64xf32>
      %reduce_max3A_93 = vector.multi_reduction <maximumf>, %select_n3A_91, %reduce_max3A_92 [0] : vector<10000x64xf32> to vector<64xf32>
      %broadcast_in_dim3A_94 = vector.shape_cast %reduce_max3A_93 : vector<64xf32> to vector<1x64xf32>
      %swap3A_95 = arith.index_cast %scan3A_78 : i32 to index
      %swap3A_96 = arith.constant 0 : index
      %swap3A_97 = vector.load %arg13[%swap3A_95, %swap3A_96] : memref<104x64xf32, #tpu.memory_space<vmem>>, vector<1x64xf32>
      tpu.vector_store %arg13[%swap3A_95, %swap3A_96], %broadcast_in_dim3A_94 {strides = array<i32>} : memref<104x64xf32, #tpu.memory_space<vmem>>, vector<1x64xf32>,
      %broadcast_in_dim3A_98 = vector.shape_cast %eq3A_79 : vector<10000x1xi1> to vector<10000x1xi1>
      %broadcast_in_dim3A_99 = vector.broadcast %broadcast_in_dim3A_98 : vector<10000x1xi1> to vector<10000x64xi1>
      %broadcast_in_dim3A_100 = vector.broadcast %scan3A : f32 to vector<10000x64xf32>
      %select_n3A_101 = arith.select %broadcast_in_dim3A_99, %get3A_7, %broadcast_in_dim3A_100 : vector<10000x64xi1>, vector<10000x64xf32>
      %reduce_max3A_102 = arith.constant dense<0xFF800000> : vector<64xf32>
      %reduce_max3A_103 = vector.multi_reduction <maximumf>, %select_n3A_101, %reduce_max3A_102 [0] : vector<10000x64xf32> to vector<64xf32>
      %broadcast_in_dim3A_104 = vector.shape_cast %reduce_max3A_103 : vector<64xf32> to vector<1x64xf32>
      %swap3A_105 = arith.index_cast %scan3A_78 : i32 to index
      %swap3A_106 = arith.constant 0 : index
      %swap3A_107 = vector.load %arg14[%swap3A_105, %swap3A_106] : memref<104x64xf32, #tpu.memory_space<vmem>>, vector<1x64xf32>
      tpu.vector_store %arg14[%swap3A_105, %swap3A_106], %broadcast_in_dim3A_104 {strides = array<i32>} : memref<104x64xf32, #tpu.memory_space<vmem>>, vector<1x64xf32>,
    }
    %scan3A_15 = arith.constant 100 : i32
    %get3A_16 = arith.constant 0 : index
    %get3A_17 = arith.constant 0 : index
    %get3A_18 = vector.load %arg12[%get3A_16, %get3A_17] : memref<104x64xf32, #tpu.memory_space<vmem>>, vector<104x64xf32>
    %get3A_19 = arith.constant 0 : index
    %get3A_20 = arith.constant 0 : index
    %get3A_21 = vector.load %arg4[%get3A_19, %get3A_20] : memref<64x128xf32, #tpu.memory_space<vmem>>, vector<64x128xf32>
    %dot_general3A = arith.constant dense<0.000000e+00> : vector<104x128xf32>
    %dot_general3A_22 = tpu.matmul %get3A_18, %get3A_21, %dot_general3A {dimension_numbers = #tpu.dot_dimension_numbers<[1], [0], [0], [1], [0, 0, 1, 1], [], []>, transpose_lhs_hint = false} : vector<104x64xf32>, vector<64x128xf32>, vector<104x128xf32> -> vector<104x128xf32>
    %get3A_23 = arith.constant 0 : index
    %get3A_24 = arith.constant 0 : index
    %get3A_25 = vector.load %arg13[%get3A_23, %get3A_24] : memref<104x64xf32, #tpu.memory_space<vmem>>, vector<104x64xf32>
    %get3A_26 = arith.constant 0 : index
    %get3A_27 = arith.constant 0 : index
    %get3A_28 = vector.load %arg5[%get3A_26, %get3A_27] : memref<64x128xf32, #tpu.memory_space<vmem>>, vector<64x128xf32>
    %dot_general3A_29 = arith.constant dense<0.000000e+00> : vector<104x128xf32>
    %dot_general3A_30 = tpu.matmul %get3A_25, %get3A_28, %dot_general3A_29 {dimension_numbers = #tpu.dot_dimension_numbers<[1], [0], [0], [1], [0, 0, 1, 1], [], []>, transpose_lhs_hint = false} : vector<104x64xf32>, vector<64x128xf32>, vector<104x128xf32> -> vector<104x128xf32>
    %add3A = arith.addf %dot_general3A_22, %dot_general3A_30 : vector<104x128xf32>
    %get3A_31 = arith.constant 0 : index
    %get3A_32 = arith.constant 0 : index
    %get3A_33 = vector.load %arg14[%get3A_31, %get3A_32] : memref<104x64xf32, #tpu.memory_space<vmem>>, vector<104x64xf32>
    %get3A_34 = arith.constant 0 : index
    %get3A_35 = arith.constant 0 : index
    %get3A_36 = vector.load %arg6[%get3A_34, %get3A_35] : memref<64x128xf32, #tpu.memory_space<vmem>>, vector<64x128xf32>
    %dot_general3A_37 = arith.constant dense<0.000000e+00> : vector<104x128xf32>
    %dot_general3A_38 = tpu.matmul %get3A_33, %get3A_36, %dot_general3A_37 {dimension_numbers = #tpu.dot_dimension_numbers<[1], [0], [0], [1], [0, 0, 1, 1], [], []>, transpose_lhs_hint = false} : vector<104x64xf32>, vector<64x128xf32>, vector<104x128xf32> -> vector<104x128xf32>
    %add3A_39 = arith.addf %add3A, %dot_general3A_38 : vector<104x128xf32>
    %get3A_40 = arith.constant 0 : index
    %get3A_41 = arith.constant 0 : index
    %get3A_42 = vector.load %arg7[%get3A_40, %get3A_41] : memref<1x128xf32, #tpu.memory_space<vmem>>, vector<1x128xf32>
    %add3A_43 = vector.broadcast %get3A_42 : vector<1x128xf32> to vector<104x128xf32>
    %add3A_44 = arith.addf %add3A_39, %add3A_43 : vector<104x128xf32>
    %get3A_45 = arith.constant 0 : index
    %get3A_46 = arith.constant 0 : index
    %get3A_47 = vector.load %arg8[%get3A_45, %get3A_46] : memref<128x128xf32, #tpu.memory_space<vmem>>, vector<128x128xf32>
    %dot_general3A_48 = arith.constant dense<0.000000e+00> : vector<104x128xf32>
    %dot_general3A_49 = tpu.matmul %add3A_44, %get3A_47, %dot_general3A_48 {dimension_numbers = #tpu.dot_dimension_numbers<[1], [0], [0], [1], [0, 0, 1, 1], [], []>, transpose_lhs_hint = false} : vector<104x128xf32>, vector<128x128xf32>, vector<104x128xf32> -> vector<104x128xf32>
    %mul3A = arith.constant 0.999994993 : f32
    %mul3A_50 = vector.broadcast %mul3A : f32 to vector<104x128xf32>
    %mul3A_51 = arith.mulf %dot_general3A_49, %mul3A_50 : vector<104x128xf32>
    %max3A = arith.constant 0.000000e+00 : f32
    %max3A_52 = vector.broadcast %max3A : f32 to vector<104x128xf32>
    %max3A_53 = arith.maximumf %mul3A_51, %max3A_52 : vector<104x128xf32>
    %get3A_54 = arith.constant 0 : index
    %get3A_55 = arith.constant 0 : index
    %get3A_56 = vector.load %arg9[%get3A_54, %get3A_55] : memref<128x128xf32, #tpu.memory_space<vmem>>, vector<128x128xf32>
    %dot_general3A_57 = arith.constant dense<0.000000e+00> : vector<104x128xf32>
    %dot_general3A_58 = tpu.matmul %max3A_53, %get3A_56, %dot_general3A_57 {dimension_numbers = #tpu.dot_dimension_numbers<[1], [0], [0], [1], [0, 0, 1, 1], [], []>, transpose_lhs_hint = false} : vector<104x128xf32>, vector<128x128xf32>, vector<104x128xf32> -> vector<104x128xf32>
    %mul3A_59 = arith.constant 0.999994993 : f32
    %mul3A_60 = vector.broadcast %mul3A_59 : f32 to vector<104x128xf32>
    %mul3A_61 = arith.mulf %dot_general3A_58, %mul3A_60 : vector<104x128xf32>
    %max3A_62 = arith.constant 0.000000e+00 : f32
    %max3A_63 = vector.broadcast %max3A_62 : f32 to vector<104x128xf32>
    %max3A_64 = arith.maximumf %mul3A_61, %max3A_63 : vector<104x128xf32>
    %get3A_65 = arith.constant 0 : index
    %get3A_66 = arith.constant 0 : index
    %get3A_67 = vector.load %arg10[%get3A_65, %get3A_66] : memref<128x128xf32, #tpu.memory_space<vmem>>, vector<128x128xf32>
    %dot_general3A_68 = arith.constant dense<0.000000e+00> : vector<104x128xf32>
    %dot_general3A_69 = tpu.matmul %max3A_64, %get3A_67, %dot_general3A_68 {dimension_numbers = #tpu.dot_dimension_numbers<[1], [0], [0], [1], [0, 0, 1, 1], [], []>, transpose_lhs_hint = false} : vector<104x128xf32>, vector<128x128xf32>, vector<104x128xf32> -> vector<104x128xf32>
    %mul3A_70 = arith.mulf %dot_general3A_69, %dot_general3A_69 : vector<104x128xf32>
    %reduce_sum3A = arith.constant dense<0.000000e+00> : vector<104xf32>
    %reduce_sum3A_71 = vector.multi_reduction <add>, %mul3A_70, %reduce_sum3A [1] : vector<104x128xf32> to vector<104xf32>
    %broadcast_in_dim3A = vector.shape_cast %reduce_sum3A_71 : vector<104xf32> to vector<104x1xf32>
    %sqrt3A = math.sqrt %broadcast_in_dim3A : vector<104x1xf32>
    %max3A_72 = arith.constant 9.99999996E-13 : f32
    %max3A_73 = vector.broadcast %max3A_72 : f32 to vector<104x1xf32>
    %max3A_74 = arith.maximumf %sqrt3A, %max3A_73 : vector<104x1xf32>
    %div3A = vector.broadcast %max3A_74 : vector<104x1xf32> to vector<104x128xf32>
    %div3A_75 = arith.divf %dot_general3A_69, %div3A : vector<104x128xf32>
    %slice3A = vector.extract_strided_slice %div3A_75 {offsets = [0, 0], sizes = [100, 128], strides = [1, 1]} : vector<104x128xf32> to vector<100x128xf32>
    %swap3A = arith.constant 0 : index
    %swap3A_76 = arith.constant 0 : index
    %swap3A_77 = vector.load %arg11[%swap3A, %swap3A_76] : memref<100x128xf32, #tpu.memory_space<vmem>>, vector<100x128xf32>
    tpu.vector_store %arg11[%swap3A, %swap3A_76], %slice3A {strides = array<i32>} : memref<100x128xf32, #tpu.memory_space<vmem>>, vector<100x128xf32>,
    return
  }
}

</mosaic_0001>

<sc_bundles>
// kernel: kernel.11.cloned.1.call-start
scs
__scs_entry_jumppad:
0x0: {  	(pc) =	sbr.rel $0x88, $3  }
0x1: {  	(tag) =	ssettag $0x0;
	lr =	simm.s32 $0x1  }
0x2: {  	[smem:$0x3F76] =	sst lr;
	_ =	strace $0xD0000000  }
0x3: {  	_ = 	snop  }
0x4: {  	_ = 	snop  }
0x5: {  	_ = 	snop  }
0x6: {  	_ = 	snop  }
0x7: {  	_ = 	snop  }
__scs_overlays_trampoline_lowered:
0x8: {  	[smem:$0x3F85] =	sst s0  }
0x9: {  	[smem:$0x3F86] =	sst s1  }
0xa: {  	[smem:$0x3F87] =	sst s2  }
0xb: {  	[smem:$0x3F88] =	sst s3  }
0xc: {  	[smem:$0x3F89] =	sst s4  }
0xd: {  	[smem:$0x3F8A] =	sst s5  }
0xe: {  	[smem:$0x3F8B] =	sst s6  }
0xf: {  	[smem:$0x3F8C] =	sst s7  }
0x10: {  	[smem:$0x3F8D] =	sst s8  }
0x11: {  	[smem:$0x3F8E] =	sst s9;
	s0 =	simm.s32 @!p0 $0x0  }
0x12: {  	s1 =	sld [smem:$0x3F74];
	s0 =	simm.s32 @p0 $0x1  }
0x13: {  	[smem:$0x3F8F] =	sst s0;
	s0 =	simm.s32 @!p1 $0x0  }
0x14: {  	s2 =	sld [smem:$0x3F73];
	s0 =	simm.s32 @p1 $0x1  }
0x15: {  	[smem:$0x3F90] =	sst s0;
	s0 =	simm.s32 @!p2 $0x0  }
0x16: {  	s3 =	sld [smem:$0x3FDB];
	s0 =	simm.s32 @p2 $0x1  }
0x17: {  	s4 =	simm.s32 $0x1BF5;
	[smem:$0x3F92] =	sst s0  }
0x18: {  	s0 =	sld [smem:$0x3F75];
	_ =	swait.ge [sflag:s4], $0x0  }
0x19: {  	s7 =	sld [smem:$0x3F76]  }
0x1a: {  	s8 =	sadd.s32 $0xFFFFE003, lr  }
0x1b: {  	s9 =	sadd.s32 $0xFFFFFEF7, lr;
	s5 =	simm.s32 $0xFFFFFFFF;
	p2 =	slt.u32 s8, $0xFFFFF086  }
0x1c: {  	p1 =	slt.u32 s9, $0xF7A;
	s5 =	simm.s32 @!p2 $0x0  }
0x1d: {  	s5 =	simm.s32 @p1 $0x1;
	p0 =	seq.s32 s7, s2  }
0x1e: {  	s7 =	smul.u32 @!p0 $0xF7A, s2;
	p2 =	seq.s32 @!p0 s5, $0x0  }
0x1f: {  	s9 =	smul.u32 $0xF7A, s1;
	s8 =	simm.s32 @!p0 $0x1BF5;
	p2 =	por !p2, p0  }
0x20: {  	[sflag:s8] =	ssyncset.s32 @!p0 $0xFFFFF086;
	s6 =	sadd.s32 @!p0 s3, s7;
	s7 =	simm.s32 @!p0 $0x108  }
0x21: {  	s3 =	sadd.s32 s3, s9;
	s6 =	sadd.s32 @!p0 $0x88, s6;
	s7 =	simm.s32 @p2 $0x1082  }
0x22: {  	[simem:s7], [sflag:s8] =	dma.local @!p0 [hbm:s6], $0xF7A  }
0x23: {  	s9 =	sor.u32 $0xD0000000, s2;
	s6 =	simm.s32 $0x108;
	_ =	swait.ge @!p0 [sflag:s8], $0x0  }
0x24: {  	s3 =	sadd.s32 $0x88, s3;
	s6 =	simm.s32 @!p1 $0x1082;
	[sflag:s4] =	ssyncset.s32 $0xFFFFF086  }
0x25: {  	[simem:s6], [sflag:s4] =	dma.local [hbm:s3], $0xF7A  }
0x26: {  	[smem:$0x3F76] =	sst s1;
	(tag) =	ssettag s2;
	_ =	strace s9  }
0x27: {  	s1 =	sld [smem:$0x3F86]  }
0x28: {  	s2 =	sld [smem:$0x3F87]  }
0x29: {  	s4 =	sld [smem:$0x3F89]  }
0x2a: {  	p0 =	seq.s32 s5, $0x0;
	s5 =	sld [smem:$0x3F8A]  }
0x2b: {  	s6 =	sld [smem:$0x3F8B]  }
0x2c: {  	s7 =	sld [smem:$0x3F8C]  }
0x2d: {  	s3 =	simm.s32 $0x108;
	s8 =	sld [smem:$0x3F8D]  }
0x2e: {  	s3 =	simm.s32 @!p0 $0x1082;
	s9 =	sld [smem:$0x3F8E]  }
0x2f: {  	lr =	sadd.s32 s0, s3;
	s0 =	sld [smem:$0x3F85]  }
0x30: {  	s3 =	sld [smem:$0x3F88]  }
0x31: {  	[smem:$0x3F91] =	sst s10  }
0x32: {  	s10 =	sld [smem:$0x3F8F];
	_ =	sdelay $0x3  }
0x33: {  	p0 =	seq.s32 s10, $0x1;
	s10 =	sld [smem:$0x3F91];
	_ =	sdelay $0x3  }
0x34: {  	[smem:$0x3F91] =	sst s10  }
0x35: {  	s10 =	sld [smem:$0x3F90];
	_ =	sdelay $0x3  }
0x36: {  	p1 =	seq.s32 s10, $0x1;
	s10 =	sld [smem:$0x3F91];
	_ =	sdelay $0x3  }
0x37: {  	[smem:$0x3F91] =	sst s10  }
0x38: {  	s10 =	sld [smem:$0x3F92]  }
0x39: {  	_ = 	snop;
	(pc) =	sbr.ind lr, $3  }
0x3a: {  	_ = 	snop  }
0x3b: {  	_ = 	snop  }
0x3c: {  	p2 =	seq.s32 s10, $0x1;
	s10 =	sld [smem:$0x3F91]  }
0x3d: {  	_ =	shalt  }
0x3e: {  	_ =	shalt  }
0x3f: {  	_ =	shalt  }
0x40: {  	_ =	shalt  }
0x41: {  	_ =	shalt  }
0x42: {  	_ =	shalt  }
0x43: {  	_ =	shalt  }
0x44: {  	_ =	shalt  }
0x45: {  	_ =	shalt  }
0x46: {  	_ =	shalt  }
0x47: {  	_ =	shalt  }
0x48: {  	_ =	shalt  }
0x49: {  	_ =	shalt  }
0x4a: {  	_ =	shalt  }
0x4b: {  	_ =	shalt  }
0x4c: {  	_ =	shalt  }
0x4d: {  	_ =	shalt  }
0x4e: {  	_ =	shalt  }
0x4f: {  	_ =	shalt  }
0x50: {  	_ =	shalt  }
0x51: {  	_ =	shalt  }
0x52: {  	_ =	shalt  }
0x53: {  	_ =	shalt  }
0x54: {  	_ =	shalt  }
0x55: {  	_ =	shalt  }
0x56: {  	_ =	shalt  }
0x57: {  	_ =	shalt  }
0x58: {  	_ =	shalt  }
0x59: {  	_ =	shalt  }
0x5a: {  	_ =	shalt  }
0x5b: {  	_ =	shalt  }
0x5c: {  	_ =	shalt  }
0x5d: {  	_ =	shalt  }
0x5e: {  	_ =	shalt  }
0x5f: {  	_ =	shalt  }
0x60: {  	_ =	shalt  }
0x61: {  	_ =	shalt  }
0x62: {  	_ =	shalt  }
0x63: {  	_ =	shalt  }
0x64: {  	_ =	shalt  }
0x65: {  	_ =	shalt  }
0x66: {  	_ =	shalt  }
0x67: {  	_ =	shalt  }
0x68: {  	_ =	shalt  }
0x69: {  	_ =	shalt  }
0x6a: {  	_ =	shalt  }
0x6b: {  	_ =	shalt  }
0x6c: {  	_ =	shalt  }
0x6d: {  	_ =	shalt  }
0x6e: {  	_ =	shalt  }
0x6f: {  	_ =	shalt  }
0x70: {  	_ =	shalt  }
0x71: {  	_ =	shalt  }
0x72: {  	_ =	shalt  }
0x73: {  	_ =	shalt  }
0x74: {  	_ =	shalt  }
0x75: {  	_ =	shalt  }
0x76: {  	_ =	shalt  }
0x77: {  	_ =	shalt  }
0x78: {  	_ =	shalt  }
0x79: {  	_ =	shalt  }
0x7a: {  	_ =	shalt  }
0x7b: {  	_ =	shalt  }
0x7c: {  	_ =	shalt  }
0x7d: {  	_ =	shalt  }
0x7e: {  	_ =	shalt  }
0x7f: {  	_ =	shalt  }
0x80: {  	_ =	shalt  }
0x81: {  	_ =	shalt  }
0x82: {  	_ =	shalt  }
0x83: {  	_ =	shalt  }
0x84: {  	_ =	shalt  }
0x85: {  	_ =	shalt  }
0x86: {  	_ =	shalt  }
0x87: {  	_ =	shalt  }
.Lfunc_end0:
.L_simem_size_0:
called_computation_lowered:
.L_overlay_start_0:
0x88: {  	s2 =	sld [smem:$0x3FD9]  }
0x89: {  	s3 =	sld [smem:$0x3FFE];
	_ =	sdelay $0x1  }
0x8a: {  	s1 =	srdreg.scid  }
0x8b: {  	s0 =	sand.u32 $0x1, s1  }
0x8c: {  	s17 =	sshll.u32 s0, $0xA;
	s2 =	sadd.s32 s3, s2  }
0x8d: {  	s2 =	sadd.s32 s2, s17  }
0x8e: {  	[smem:$0x3F9D] =	sst s2  }
0x8f: {  	_ = 	snop  }
0x90: {  	s2 =	sld [smem:$0x3FA1]  }
0x91: {  	s18 =	sld [smem:$0x3FA0];
	(tm) =	ssettm $0x1  }
0x92: {  	s4 =	sld [smem:$0x3FFB];
	_ =	sdelay $0x3  }
0x93: {  	_ =	strace s4  }
0x94: {  	s4 =	sld [smem:$0x3FFC];
	_ =	sdelay $0x3  }
0x95: {  	_ =	strace s4  }
0x96: {  	s4 =	sld [smem:$0x3FFD];
	_ =	sdelay $0x3  }
0x97: {  	_ =	strace s4  }
0x98: {  	_ =	strace $0x8FFFFFFF  }
0x99: {  	s19 =	sld [smem:$0x3FDB];
	_ =	sdelay $0x1  }
0x9a: {  	s5 =	simm.s32 $_scs_section_size  }
0x9b: {  	s6 =	simm.s32 $_size__tile_overlayer_lowered;
	s7 =	simm.s32 $_tile_overlayer_lowered  }
0x9c: {  	s22 =	simm.s32 $0x1BFF;
	s21 =	sshll.u32 s7, $0x1;
	s4 =	sadd.s32 s5, s19  }
0x9d: {  	s8 =	simm.s32 $0x0;
	s20 =	sshll.u32 s6, $0x1;
	s6 =	sadd.s32 s21, s4  }
0x9e: {  	[timem:s8], [sflag:s22] =	dma.local [hbm:s6], s20  }
0x9f: {  	_ =	swait.ge [sflag:s22], s20  }
0xa0: {  	s5 =	ssub.s32 $0x0, s20;
	[sflag:s22] =	ssyncset.done $0x0  }
0xa1: {  	[sflag:s22] =	ssyncadd.s32 s5;
	_ =	sdelay $0x1  }
0xa2: {  	s23 =	simm.s32 $0x1B8B  }
0xa3: {  	_ =	swait.ge [sflag:s23], $0x1  }
0xa4: {  	[sflag:s23] =	ssyncset.done $0x0  }
0xa5: {  	s25 =	simm.s32 $0x1B8E;
	s24 =	sld [smem:$0x3FFE];
	[sflag:s23] =	ssyncadd.s32 $0xFFFFFFFF  }
0xa6: {  	s26 =	simm.s32 $execute0_lowered;
	[smem:$0x3FD2] =	sst s25  }
0xa7: {  	s6 =	sshll.u32 s26, $0x1;
	_ =	strace $0x80000046;
	[dreg:$0x1] =	wrdreg $0xFFFFFFFF  }
0xa8: {  	s28 =	simm.s32 $_size_execute0_lowered;
	s4 =	sadd.s32 s4, s6;
	[dreg:$0x0] =	wrdreg $0x0  }
0xa9: {  	s6 =	sshll.u32 s28, $0x1;
	[dreg:$0x2] =	wrdreg s4  }
0xaa: {  	[dreg:$0x3] =	wrdreg s6  }
0xab: {  	[dreg:$0x4] =	wrdreg $0xC0  }
0xac: {  	_ =	task [dreg:s8], $0x5FFFF  }
0xad: {  	[dreg:$0x1] =	wrdreg $0xFFFFFFFF  }
0xae: {  	[dreg:$0x0] =	wrdreg $0x60  }
0xaf: {  	[dreg:$0x2] =	wrdreg s24  }
0xb0: {  	[dreg:$0x3] =	wrdreg s2  }
0xb1: {  	[dreg:$0x4] =	wrdreg s18  }
0xb2: {  	[dreg:$0x5] =	wrdreg $0x81000  }
0xb3: {  	[dreg:$0x6] =	wrdreg $0x9  }
0xb4: {  	_ =	task.clear_ibuf [dreg:s8], $0x7FFFF;
	_ =	strace $0x90000046  }
0xb5: {  	s29 =	simm.s32 $0x9;
	_ =	strace $0x80000048  }
0xb6: {  	_ =	swait.ge [sflag:s29], $0x1  }
0xb7: {  	[sflag:s29] =	ssyncadd.s32 $0xFFFFFFFF  }
0xb8: {  	_ =	strace $0x90000048  }
0xb9: {  	_ =	sfence  }
0xba: {  	s30 =	sld [smem:$0x0];
	_ =	sdelay $0x2  }
0xbb: {  	s31 =	sshll.u32 s1, $0xD;
	s1 =	sshrl.u32 s1, $0x2  }
0xbc: {  	s3 =	sand.u32 $0x4000, s31;
	s1 =	sadd.s32 s1, s30  }
0xbd: {  	s0 =	sor.u32 s3, s0;
	s1 =	sshll.u32 s1, $0x11  }
0xbe: {  	s0 =	sor.u32 s1, s0  }
0xbf: {  	s0 =	sadd.s32 $0x8F2B, s0  }
0xc0: {  	[sflag:s0] =	ssyncadd.remote.s32 $0x1  }
0xc1: {  	_ =	sfence.sel $0xFFFF  }
0xc2: {  	[dreg:$0x0] =	wrdreg $0xFFFFFFFF;
	(pc) =	sbr.abs _section_cstart, $3  }
0xc3: {  	[dreg:$0x1] =	wrdreg $0xFFFFFFFF  }
0xc4: {  	_ =	task.clear_ibuf [dreg:s8], $0x2FFFF;
	_ =	strace $0x9FFFFFFF  }
0xc5: {  	(tm) =	ssettm $0x7FFFFFFF  }
tec
execute0_lowered:
.L_overlay_start_1:
0x0: {  	(tag) =	ssettag $0x1  }
0x1: {  	s6 =	rddreg [dreg:$0x0]  }
0x2: {  	s11 =	rddreg [dreg:$0x1]  }
0x3: {  	s10 =	rddreg [dreg:$0x2]  }
0x4: {  	s1 =	rddreg [dreg:$0x3];
	s3 =	simm.s32 $0x0;
	s2 =	srdreg.scid  }
0x5: {  	[smem:$0x7FF] =	sst s3;
	s12 =	sand.u32 $0x1, s2  }
0x6: {  	s2 =	stileid.u32;
	s4 =	sadd.s32 $0x121200, s6;
	s5 =	smul.u32 $0x27100, s12  }
0x7: {  	s0 =	rddreg [dreg:$0x4];
	_ =	strace $0x80000047;
	s8 =	smul.u32 $0x3E80, s2  }
0x8: {  	s7 =	sshll.u32 s2, $0xC;
	s28 =	ssub.s32 $0x2, s12;
	s14 =	smul.u32 $0x7D000, s2  }
0x9: {  	s30 =	sshll.u32 s12, $0xB;
	s31 =	sshll.u32 s2, $0x5;
	s12 =	sshll.u32 s12, $0x4  }
0xa: {  	p0 =	sgt.u32 s2, $0x9;
	s9 =	sadd.s32 s7, s6;
	s13 =	sshrl.u32 s28, $0x1  }
0xb: {  	s10 =	sadd.s32 s31, s10;
	s11 =	sadd.s32 s31, s11;
	s8 =	sadd.s32 s8, s5  }
0xc: {  	s5 =	sadd.s32 $0x9600, s6;
	s13 =	ssub.s32 s28, s13;
	s29 =	sshrl.u32 s14, $0x2  }
0xd: {  	s9 =	sadd.s32 s30, s9;
	s10 =	sadd.s32 s12, s10;
	s11 =	sadd.s32 s12, s11  }
0xe: {  	s8 =	sadd.s32 s8, s6;
	s6 =	sshll.u32 s2, $0x1;
	s15 =	sadd.s32 s29, s1  }
0xf: {  	s7 =	sadd.s32 $0xD600, s8;
	s8 =	smax.u32 s13, $0x1;
	s13 =	sshll.u32 @!p0 s2, $0x6  }
0x10: {  	s9 =	sadd.s32 $0x42E600, s9;
	s12 =	sor.u32 @!p0 $0x1C01, s13;
	s13 =	sshrl.u32 @!p0 s15, $0x3  }
.LBB2_1:
0x11: {  	[spmem:s13], [sflag:s12] =	dma.local @!p0 [hbm:s5], $0x3E80  }
0x12: {  	s14 =	simm.s32 @!p0 $0x1  }
0x13: {  	_ =	swait.ge @!p0 [sflag:s14], $0x3E80  }
0x14: {  	p1 =	sgt.u32 s6, $0x4E1;
	[sflag:s14] =	ssyncset.done @!p0 $0x0  }
0x15: {  	s15 =	simm.s32 @!p1 $0x0;
	[sflag:s14] =	ssyncadd.s32 @!p0 $0xFFFFC180  }
0x16: {  	s16 =	simm.s32 @!p1 $0x2;
	s14 =	sadd.s32 @!p1 $0x0, s11;
	[bflag:$0x0] =	sbarrier.arrive $0xFFFF  }
0x17: {  	[tilespmem:s15], [sflag:$0x2] =	stream.linear.gather @!p1 [hbm4b:s14+s15], $0x80, $0x38;
	[tilespmem:$0x1B980] =	vst v63  }
0x18: {  	_ =	swait.ge @!p1 [sflag:s16], $0x80;
	p1 =	por p1, p1  }
0x19: {  	[sflag:s16] =	ssyncset.done @!p1 $0x0  }
0x1a: {  	s14 =	sadd.s32 @!p1 $0x0, s10;
	s17 =	simm.s32 @!p1 $0x80;
	[sflag:s16] =	ssyncadd.s32 @!p1 $0xFFFFFF80  }
0x1b: {  	[tilespmem:s17], [sflag:$0x2] =	stream.linear.gather @!p1 [hbm4b:s14+s15], $0x80, $0x38;
	[tilespmem:$0x1B980] =	vst v63  }
0x1c: {  	_ =	swait.ge @!p1 [sflag:s16], $0x80  }
0x1d: {  	[sflag:s16] =	ssyncset.done @!p1 $0x0  }
0x1e: {  	s14 =	simm.s32 @!p1 $0x100;
	[sflag:s16] =	ssyncadd.s32 @!p1 $0xFFFFFF80  }
0x1f: {  	[tilespmem:s14], [sflag:$0x2] =	stream.indirect.gather @!p1 [hbm4b:s4+s17], $0x80, s15, s17, $0xb8;
	[tilespmem:$0x1B980] =	vst v63  }
0x20: {  	_ =	swait.ge @!p1 [sflag:s16], $0x4000  }
0x21: {  	[sflag:s16] =	ssyncset.done @!p1 $0x0  }
0x22: {  	s18 =	simm.s32 @!p1 $0x4100;
	[sflag:s16] =	ssyncadd.s32 @!p1 $0xFFFFC000  }
0x23: {  	[tilespmem:s18], [sflag:$0x2] =	stream.linear.gather @!p1 [hbm4b:s9+s15], $0x4000, $0x38;
	[tilespmem:$0x1B980] =	vst v63  }
0x24: {  	_ =	swait.ge @!p1 [sflag:s16], $0x4000  }
0x25: {  	[sflag:s16] =	ssyncset.done @!p1 $0x0  }
0x26: {  	[sflag:s16] =	ssyncadd.s32 @!p1 $0xFFFFC000  }
0x27: {  	[spmem:s1] =	stream.indirect.scatter.add.f32 @!p1 [tilespmem:s14], [sflag:$0x2], $0x80, s17, s17, $0xb8;
	[tilespmem:$0x1B980] =	vst v63  }
0x28: {  	_ =	swait.ge @!p1 [sflag:s16], $0x4000  }
0x29: {  	[sflag:s16] =	ssyncset.done @!p1 $0x0  }
0x2a: {  	s15 =	simm.s32 $0x200;
	[sflag:s16] =	ssyncadd.s32 @!p1 $0xFFFFC000  }
0x2b: {  	[spmem:s1] =	stream.indirect.scatter.add.f32 @!p1 [tilespmem:s18], [sflag:$0x1], $0x80, s17, s17, $0xb8;
	[tilespmem:$0x1B980] =	vst v63  }
0x2c: {  	s14 =	sadd.s32 $0x10000, s9;
	s18 =	simm.s32 @!p1 $0x1;
	s17 =	sadd.s32 $0x20, s6  }
0x2d: {  	s16 =	simm.s32 $0x400;
	p3 =	sgt.u32 s17, $0x4E1;
	_ =	swait.ge @!p1 [sflag:s18], $0x4000  }
.LBB2_2:
0x2e: {  	s19 =	sadd.s32 @!p3 s15, s11  }
0x2f: {  	s20 =	simm.s32 @!p3 $0x0;
	[sflag:s18] =	ssyncset.done @!p1 $0x0;
	s21 =	smov.u32 s16  }
0x30: {  	s16 =	sadd.s32 $0x200, s16;
	s22 =	simm.s32 @!p3 $0x2;
	[sflag:s18] =	ssyncadd.s32 @!p1 $0xFFFFC000  }
0x31: {  	[tilespmem:s20], [sflag:$0x2] =	stream.linear.gather @!p3 [hbm4b:s19+s20], $0x80, $0x38;
	[tilespmem:$0x1B980] =	vst v63  }
0x32: {  	p2 =	sne.s32 s16, $0x5000;
	p1 =	por p3, p3;
	_ =	swait.ge @!p3 [sflag:s22], $0x80  }
0x33: {  	[sflag:s22] =	ssyncset.done @!p1 $0x0  }
0x34: {  	s15 =	sadd.s32 @!p1 s15, s10;
	s19 =	simm.s32 @!p1 $0x80;
	[sflag:s22] =	ssyncadd.s32 @!p1 $0xFFFFFF80  }
0x35: {  	[tilespmem:s19], [sflag:$0x2] =	stream.linear.gather @!p1 [hbm4b:s15+s20], $0x80, $0x38;
	[tilespmem:$0x1B980] =	vst v63  }
0x36: {  	s15 =	smov.u32 s21;
	_ =	swait.ge @!p1 [sflag:s22], $0x80  }
0x37: {  	[sflag:s22] =	ssyncset.done @!p1 $0x0  }
0x38: {  	s18 =	simm.s32 @!p1 $0x100;
	[sflag:s22] =	ssyncadd.s32 @!p1 $0xFFFFFF80  }
0x39: {  	[tilespmem:s18], [sflag:$0x2] =	stream.indirect.gather @!p1 [hbm4b:s4+s19], $0x80, s20, s19, $0xb8;
	[tilespmem:$0x1B980] =	vst v63  }
0x3a: {  	_ =	swait.ge @!p1 [sflag:s22], $0x4000  }
0x3b: {  	[sflag:s22] =	ssyncset.done @!p1 $0x0  }
0x3c: {  	s21 =	simm.s32 @!p1 $0x4100;
	[sflag:s22] =	ssyncadd.s32 @!p1 $0xFFFFC000  }
0x3d: {  	[tilespmem:s21], [sflag:$0x2] =	stream.linear.gather @!p1 [hbm4b:s14+s20], $0x4000, $0x38;
	[tilespmem:$0x1B980] =	vst v63  }
0x3e: {  	_ =	swait.ge @!p1 [sflag:s22], $0x4000  }
0x3f: {  	[sflag:s22] =	ssyncset.done @!p1 $0x0  }
0x40: {  	[sflag:s22] =	ssyncadd.s32 @!p1 $0xFFFFC000  }
0x41: {  	[spmem:s1] =	stream.indirect.scatter.add.f32 @!p1 [tilespmem:s18], [sflag:$0x2], $0x80, s19, s19, $0xb8;
	[tilespmem:$0x1B980] =	vst v63  }
.Ltmp0:
0x42: {  	_ =	swait.ge @!p1 [sflag:s22], $0x4000;
	(pc) =	sbr.rel @p2 .LBB2_2-.Ltmp0, $4  }
0x43: {  	[sflag:s22] =	ssyncset.done @!p1 $0x0  }
0x44: {  	s17 =	sadd.s32 $0x20, s17;
	s18 =	simm.s32 @!p1 $0x1;
	[sflag:s22] =	ssyncadd.s32 @!p1 $0xFFFFC000  }
0x45: {  	[spmem:s1] =	stream.indirect.scatter.add.f32 @!p1 [tilespmem:s21], [sflag:$0x1], $0x80, s19, s19, $0xb8;
	[tilespmem:$0x1B980] =	vst v63  }
0x46: {  	p3 =	sgt.u32 s17, $0x4E1;
	s14 =	sadd.s32 $0x10000, s14;
	_ =	swait.ge @!p1 [sflag:s18], $0x4000  }
0x47: {  	s16 =	sadd.s32 @!p3 s15, s11;
	[sflag:s18] =	ssyncset.done @!p1 $0x0  }
0x48: {  	s17 =	simm.s32 @!p3 $0x0;
	s19 =	simm.s32 @!p3 $0x2;
	[sflag:s18] =	ssyncadd.s32 @!p1 $0xFFFFC000  }
0x49: {  	[tilespmem:s17], [sflag:$0x2] =	stream.linear.gather @!p3 [hbm4b:s16+s17], $0x80, $0x38;
	[tilespmem:$0x1B980] =	vst v63  }
0x4a: {  	p1 =	por p3, p3;
	_ =	swait.ge @!p3 [sflag:s19], $0x80  }
0x4b: {  	[sflag:s19] =	ssyncset.done @!p1 $0x0  }
0x4c: {  	s15 =	sadd.s32 @!p1 s15, s10;
	s16 =	simm.s32 @!p1 $0x80;
	[sflag:s19] =	ssyncadd.s32 @!p1 $0xFFFFFF80  }
0x4d: {  	[tilespmem:s16], [sflag:$0x2] =	stream.linear.gather @!p1 [hbm4b:s15+s17], $0x80, $0x38;
	[tilespmem:$0x1B980] =	vst v63  }
0x4e: {  	_ =	swait.ge @!p1 [sflag:s19], $0x80  }
0x4f: {  	[sflag:s19] =	ssyncset.done @!p1 $0x0  }
0x50: {  	s15 =	simm.s32 @!p1 $0x100;
	[sflag:s19] =	ssyncadd.s32 @!p1 $0xFFFFFF80  }
0x51: {  	[tilespmem:s15], [sflag:$0x2] =	stream.indirect.gather @!p1 [hbm4b:s4+s16], $0x80, s17, s16, $0xb8;
	[tilespmem:$0x1B980] =	vst v63  }
0x52: {  	_ =	swait.ge @!p1 [sflag:s19], $0x4000  }
0x53: {  	[sflag:s19] =	ssyncset.done @!p1 $0x0  }
0x54: {  	s18 =	simm.s32 @!p1 $0x4100;
	[sflag:s19] =	ssyncadd.s32 @!p1 $0xFFFFC000  }
0x55: {  	[tilespmem:s18], [sflag:$0x2] =	stream.linear.gather @!p1 [hbm4b:s14+s17], $0x4000, $0x38;
	[tilespmem:$0x1B980] =	vst v63  }
0x56: {  	_ =	swait.ge @!p1 [sflag:s19], $0x4000  }
0x57: {  	[sflag:s19] =	ssyncset.done @!p1 $0x0  }
0x58: {  	[sflag:s19] =	ssyncadd.s32 @!p1 $0xFFFFC000  }
0x59: {  	[spmem:s1] =	stream.indirect.scatter.add.f32 @!p1 [tilespmem:s15], [sflag:$0x2], $0x80, s16, s16, $0xb8;
	[tilespmem:$0x1B980] =	vst v63  }
0x5a: {  	_ =	swait.ge @!p1 [sflag:s19], $0x4000  }
0x5b: {  	[sflag:s19] =	ssyncset.done @!p1 $0x0  }
0x5c: {  	s14 =	simm.s32 @!p1 $0x1;
	[sflag:s19] =	ssyncadd.s32 @!p1 $0xFFFFC000  }
0x5d: {  	[spmem:s1] =	stream.indirect.scatter.add.f32 @!p1 [tilespmem:s18], [sflag:$0x1], $0x80, s16, s16, $0xb8;
	[tilespmem:$0x1B980] =	vst v63  }
0x5e: {  	_ =	swait.ge @!p1 [sflag:s14], $0x4000  }
0x5f: {  	s3 =	sadd.s32 $0x1, s3;
	[sflag:s14] =	ssyncset.done @!p1 $0x0  }
0x60: {  	[sflag:s14] =	ssyncadd.s32 @!p1 $0xFFFFC000;
	p1 =	sne.s32 s3, s8  }
.Ltmp1:
0x61: {  	s14 =	simm.s32 @!p0 $0x1;
	[bflag:$0x0] =	sbarrier.arrive $0xFFFF;
	(pc) =	sbr.rel @p1 .LBB2_1-.Ltmp1, $4  }
0x62: {  	[hbm:s7], [sflag:s12] =	dma.local @!p0 [spmem:s13], $0x3E80  }
0x63: {  	_ =	swait.ge @!p0 [sflag:s14], $0x3E80  }
0x64: {  	[sflag:s14] =	ssyncset.done @!p0 $0x0  }
0x65: {  	[sflag:s14] =	ssyncadd.s32 @!p0 $0xFFFFC180  }
0x66: {  	_ =	sfence.sel $0x180000  }
0x67: {  	[bflag:$0x0] =	sbarrier.arrive $0xFFFF  }
0x68: {  	p0 =	sne.s32 s2, $0x0;
	_ =	strace $0x90000047  }
0x69: {  	s0 =	sadd.s32 @!p0 $0x100000, s0;
	[bflag:$0x2] =	sbarrier.arrive $0xFFFF  }
0x6a: {  	[sflag:s0] =	ssyncadd.tile.s32 @!p0 $0x1;
	_ =	shalt  }
.Lfunc_end2:
_tile_overlayer_lowered:
.L_overlay_start_2:
0x6b: {  	(tag) =	ssettag $0x2  }
0x6c: {  	s0 =	rddreg [dreg:$0x0];
	s2 =	stileid.u32  }
0x6d: {  	s1 =	rddreg [dreg:$0x1];
	p0 =	sne.s32 s2, $0x0  }
0x6e: {  	s3 =	rddreg [dreg:$0x2];
	[bflag:$0x3] =	sbarrier.arrive $0xFFFF;
	s2 =	simm.s32 @!p0 $0x1C01  }
0x6f: {  	[timem:s3], [sflag:s2] =	dma.local @!p0 [hbm:s0], s1  }
0x70: {  	s0 =	simm.s32 @!p0 $0x1  }
0x71: {  	_ =	swait.ge @!p0 [sflag:s0], s1  }
0x72: {  	s1 =	ssub.s32 @!p0 $0x0, s1;
	[sflag:s0] =	ssyncset.done @!p0 $0x0  }
0x73: {  	[sflag:s0] =	ssyncadd.s32 @!p0 s1  }
0x74: {  	[bflag:$0x3] =	sbarrier.arrive $0xFFFF  }
0x75: {  	_ =	shalt  }

// kernel: kernel.14.cloned.1.call-start
scs
__scs_entry_jumppad:
0x0: {  	(pc) =	sbr.rel $0x88, $3  }
0x1: {  	(tag) =	ssettag $0x0;
	lr =	simm.s32 $0x1  }
0x2: {  	[smem:$0x3F76] =	sst lr;
	_ =	strace $0xD0000000  }
0x3: {  	_ = 	snop  }
0x4: {  	_ = 	snop  }
0x5: {  	_ = 	snop  }
0x6: {  	_ = 	snop  }
0x7: {  	_ = 	snop  }
__scs_overlays_trampoline_lowered:
0x8: {  	[smem:$0x3F85] =	sst s0  }
0x9: {  	[smem:$0x3F86] =	sst s1  }
0xa: {  	[smem:$0x3F87] =	sst s2  }
0xb: {  	[smem:$0x3F88] =	sst s3  }
0xc: {  	[smem:$0x3F89] =	sst s4  }
0xd: {  	[smem:$0x3F8A] =	sst s5  }
0xe: {  	[smem:$0x3F8B] =	sst s6  }
0xf: {  	[smem:$0x3F8C] =	sst s7  }
0x10: {  	[smem:$0x3F8D] =	sst s8  }
0x11: {  	[smem:$0x3F8E] =	sst s9;
	s0 =	simm.s32 @!p0 $0x0  }
0x12: {  	s1 =	sld [smem:$0x3F74];
	s0 =	simm.s32 @p0 $0x1  }
0x13: {  	[smem:$0x3F8F] =	sst s0;
	s0 =	simm.s32 @!p1 $0x0  }
0x14: {  	s2 =	sld [smem:$0x3F73];
	s0 =	simm.s32 @p1 $0x1  }
0x15: {  	[smem:$0x3F90] =	sst s0;
	s0 =	simm.s32 @!p2 $0x0  }
0x16: {  	s3 =	sld [smem:$0x3FDB];
	s0 =	simm.s32 @p2 $0x1  }
0x17: {  	s4 =	simm.s32 $0x1BF5;
	[smem:$0x3F92] =	sst s0  }
0x18: {  	s0 =	sld [smem:$0x3F75];
	_ =	swait.ge [sflag:s4], $0x0  }
0x19: {  	s7 =	sld [smem:$0x3F76]  }
0x1a: {  	s8 =	sadd.s32 $0xFFFFE003, lr  }
0x1b: {  	s9 =	sadd.s32 $0xFFFFFEF7, lr;
	s5 =	simm.s32 $0xFFFFFFFF;
	p2 =	slt.u32 s8, $0xFFFFF086  }
0x1c: {  	p1 =	slt.u32 s9, $0xF7A;
	s5 =	simm.s32 @!p2 $0x0  }
0x1d: {  	s5 =	simm.s32 @p1 $0x1;
	p0 =	seq.s32 s7, s2  }
0x1e: {  	s7 =	smul.u32 @!p0 $0xF7A, s2;
	p2 =	seq.s32 @!p0 s5, $0x0  }
0x1f: {  	s9 =	smul.u32 $0xF7A, s1;
	s8 =	simm.s32 @!p0 $0x1BF5;
	p2 =	por !p2, p0  }
0x20: {  	[sflag:s8] =	ssyncset.s32 @!p0 $0xFFFFF086;
	s6 =	sadd.s32 @!p0 s3, s7;
	s7 =	simm.s32 @!p0 $0x108  }
0x21: {  	s3 =	sadd.s32 s3, s9;
	s6 =	sadd.s32 @!p0 $0x88, s6;
	s7 =	simm.s32 @p2 $0x1082  }
0x22: {  	[simem:s7], [sflag:s8] =	dma.local @!p0 [hbm:s6], $0xF7A  }
0x23: {  	s9 =	sor.u32 $0xD0000000, s2;
	s6 =	simm.s32 $0x108;
	_ =	swait.ge @!p0 [sflag:s8], $0x0  }
0x24: {  	s3 =	sadd.s32 $0x88, s3;
	s6 =	simm.s32 @!p1 $0x1082;
	[sflag:s4] =	ssyncset.s32 $0xFFFFF086  }
0x25: {  	[simem:s6], [sflag:s4] =	dma.local [hbm:s3], $0xF7A  }
0x26: {  	[smem:$0x3F76] =	sst s1;
	(tag) =	ssettag s2;
	_ =	strace s9  }
0x27: {  	s1 =	sld [smem:$0x3F86]  }
0x28: {  	s2 =	sld [smem:$0x3F87]  }
0x29: {  	s4 =	sld [smem:$0x3F89]  }
0x2a: {  	p0 =	seq.s32 s5, $0x0;
	s5 =	sld [smem:$0x3F8A]  }
0x2b: {  	s6 =	sld [smem:$0x3F8B]  }
0x2c: {  	s7 =	sld [smem:$0x3F8C]  }
0x2d: {  	s3 =	simm.s32 $0x108;
	s8 =	sld [smem:$0x3F8D]  }
0x2e: {  	s3 =	simm.s32 @!p0 $0x1082;
	s9 =	sld [smem:$0x3F8E]  }
0x2f: {  	lr =	sadd.s32 s0, s3;
	s0 =	sld [smem:$0x3F85]  }
0x30: {  	s3 =	sld [smem:$0x3F88]  }
0x31: {  	[smem:$0x3F91] =	sst s10  }
0x32: {  	s10 =	sld [smem:$0x3F8F];
	_ =	sdelay $0x3  }
0x33: {  	p0 =	seq.s32 s10, $0x1;
	s10 =	sld [smem:$0x3F91];
	_ =	sdelay $0x3  }
0x34: {  	[smem:$0x3F91] =	sst s10  }
0x35: {  	s10 =	sld [smem:$0x3F90];
	_ =	sdelay $0x3  }
0x36: {  	p1 =	seq.s32 s10, $0x1;
	s10 =	sld [smem:$0x3F91];
	_ =	sdelay $0x3  }
0x37: {  	[smem:$0x3F91] =	sst s10  }
0x38: {  	s10 =	sld [smem:$0x3F92]  }
0x39: {  	_ = 	snop;
	(pc) =	sbr.ind lr, $3  }
0x3a: {  	_ = 	snop  }
0x3b: {  	_ = 	snop  }
0x3c: {  	p2 =	seq.s32 s10, $0x1;
	s10 =	sld [smem:$0x3F91]  }
0x3d: {  	_ =	shalt  }
0x3e: {  	_ =	shalt  }
0x3f: {  	_ =	shalt  }
0x40: {  	_ =	shalt  }
0x41: {  	_ =	shalt  }
0x42: {  	_ =	shalt  }
0x43: {  	_ =	shalt  }
0x44: {  	_ =	shalt  }
0x45: {  	_ =	shalt  }
0x46: {  	_ =	shalt  }
0x47: {  	_ =	shalt  }
0x48: {  	_ =	shalt  }
0x49: {  	_ =	shalt  }
0x4a: {  	_ =	shalt  }
0x4b: {  	_ =	shalt  }
0x4c: {  	_ =	shalt  }
0x4d: {  	_ =	shalt  }
0x4e: {  	_ =	shalt  }
0x4f: {  	_ =	shalt  }
0x50: {  	_ =	shalt  }
0x51: {  	_ =	shalt  }
0x52: {  	_ =	shalt  }
0x53: {  	_ =	shalt  }
0x54: {  	_ =	shalt  }
0x55: {  	_ =	shalt  }
0x56: {  	_ =	shalt  }
0x57: {  	_ =	shalt  }
0x58: {  	_ =	shalt  }
0x59: {  	_ =	shalt  }
0x5a: {  	_ =	shalt  }
0x5b: {  	_ =	shalt  }
0x5c: {  	_ =	shalt  }
0x5d: {  	_ =	shalt  }
0x5e: {  	_ =	shalt  }
0x5f: {  	_ =	shalt  }
0x60: {  	_ =	shalt  }
0x61: {  	_ =	shalt  }
0x62: {  	_ =	shalt  }
0x63: {  	_ =	shalt  }
0x64: {  	_ =	shalt  }
0x65: {  	_ =	shalt  }
0x66: {  	_ =	shalt  }
0x67: {  	_ =	shalt  }
0x68: {  	_ =	shalt  }
0x69: {  	_ =	shalt  }
0x6a: {  	_ =	shalt  }
0x6b: {  	_ =	shalt  }
0x6c: {  	_ =	shalt  }
0x6d: {  	_ =	shalt  }
0x6e: {  	_ =	shalt  }
0x6f: {  	_ =	shalt  }
0x70: {  	_ =	shalt  }
0x71: {  	_ =	shalt  }
0x72: {  	_ =	shalt  }
0x73: {  	_ =	shalt  }
0x74: {  	_ =	shalt  }
0x75: {  	_ =	shalt  }
0x76: {  	_ =	shalt  }
0x77: {  	_ =	shalt  }
0x78: {  	_ =	shalt  }
0x79: {  	_ =	shalt  }
0x7a: {  	_ =	shalt  }
0x7b: {  	_ =	shalt  }
0x7c: {  	_ =	shalt  }
0x7d: {  	_ =	shalt  }
0x7e: {  	_ =	shalt  }
0x7f: {  	_ =	shalt  }
0x80: {  	_ =	shalt  }
0x81: {  	_ =	shalt  }
0x82: {  	_ =	shalt  }
0x83: {  	_ =	shalt  }
0x84: {  	_ =	shalt  }
0x85: {  	_ =	shalt  }
0x86: {  	_ =	shalt  }
0x87: {  	_ =	shalt  }
.Lfunc_end0:
.L_simem_size_0:
called_computation.1_lowered:
.L_overlay_start_0:
0x88: {  	s2 =	sld [smem:$0x3FD9]  }
0x89: {  	s3 =	sld [smem:$0x3FFE];
	_ =	sdelay $0x1  }
0x8a: {  	s1 =	srdreg.scid  }
0x8b: {  	s0 =	sand.u32 $0x1, s1  }
0x8c: {  	s17 =	sshll.u32 s0, $0xA;
	s2 =	sadd.s32 s3, s2  }
0x8d: {  	s2 =	sadd.s32 s2, s17  }
0x8e: {  	[smem:$0x3F9D] =	sst s2  }
0x8f: {  	_ = 	snop  }
0x90: {  	s2 =	sld [smem:$0x3FA1]  }
0x91: {  	s18 =	sld [smem:$0x3FA0];
	(tm) =	ssettm $0x1  }
0x92: {  	s4 =	sld [smem:$0x3FFB];
	_ =	sdelay $0x3  }
0x93: {  	_ =	strace s4  }
0x94: {  	s4 =	sld [smem:$0x3FFC];
	_ =	sdelay $0x3  }
0x95: {  	_ =	strace s4  }
0x96: {  	s4 =	sld [smem:$0x3FFD];
	_ =	sdelay $0x3  }
0x97: {  	_ =	strace s4  }
0x98: {  	_ =	strace $0x8FFFFFFF  }
0x99: {  	s19 =	sld [smem:$0x3FDB];
	_ =	sdelay $0x1  }
0x9a: {  	s5 =	simm.s32 $_scs_section_size  }
0x9b: {  	s6 =	simm.s32 $_size__tile_overlayer_lowered;
	s7 =	simm.s32 $_tile_overlayer_lowered  }
0x9c: {  	s22 =	simm.s32 $0x1BFF;
	s21 =	sshll.u32 s7, $0x1;
	s4 =	sadd.s32 s5, s19  }
0x9d: {  	s8 =	simm.s32 $0x0;
	s20 =	sshll.u32 s6, $0x1;
	s6 =	sadd.s32 s21, s4  }
0x9e: {  	[timem:s8], [sflag:s22] =	dma.local [hbm:s6], s20  }
0x9f: {  	_ =	swait.ge [sflag:s22], s20  }
0xa0: {  	s5 =	ssub.s32 $0x0, s20;
	[sflag:s22] =	ssyncset.done $0x0  }
0xa1: {  	[sflag:s22] =	ssyncadd.s32 s5;
	_ =	sdelay $0x1  }
0xa2: {  	s23 =	simm.s32 $0x1B8B  }
0xa3: {  	_ =	swait.ge [sflag:s23], $0x1  }
0xa4: {  	[sflag:s23] =	ssyncset.done $0x0  }
0xa5: {  	s25 =	simm.s32 $0x1B8E;
	s24 =	sld [smem:$0x3FFE];
	[sflag:s23] =	ssyncadd.s32 $0xFFFFFFFF  }
0xa6: {  	s26 =	simm.s32 $execute0_lowered;
	[smem:$0x3FD2] =	sst s25  }
0xa7: {  	s6 =	sshll.u32 s26, $0x1;
	_ =	strace $0x80000049;
	[dreg:$0x1] =	wrdreg $0xFFFFFFFF  }
0xa8: {  	s28 =	simm.s32 $_size_execute0_lowered;
	s4 =	sadd.s32 s4, s6;
	[dreg:$0x0] =	wrdreg $0x0  }
0xa9: {  	s6 =	sshll.u32 s28, $0x1;
	[dreg:$0x2] =	wrdreg s4  }
0xaa: {  	[dreg:$0x3] =	wrdreg s6  }
0xab: {  	[dreg:$0x4] =	wrdreg $0xC0  }
0xac: {  	_ =	task [dreg:s8], $0x5FFFF  }
0xad: {  	[dreg:$0x1] =	wrdreg $0xFFFFFFFF  }
0xae: {  	[dreg:$0x0] =	wrdreg $0x60  }
0xaf: {  	[dreg:$0x2] =	wrdreg s24  }
0xb0: {  	[dreg:$0x3] =	wrdreg s2  }
0xb1: {  	[dreg:$0x4] =	wrdreg s18  }
0xb2: {  	[dreg:$0x5] =	wrdreg $0x9  }
0xb3: {  	_ =	task.clear_ibuf [dreg:s8], $0x6FFFF;
	_ =	strace $0x90000049  }
0xb4: {  	s29 =	simm.s32 $0x9;
	_ =	strace $0x8000004B  }
0xb5: {  	_ =	swait.ge [sflag:s29], $0x1  }
0xb6: {  	[sflag:s29] =	ssyncadd.s32 $0xFFFFFFFF  }
0xb7: {  	_ =	strace $0x9000004B  }
0xb8: {  	_ =	sfence  }
0xb9: {  	s30 =	sld [smem:$0x0];
	_ =	sdelay $0x2  }
0xba: {  	s31 =	sshll.u32 s1, $0xD;
	s1 =	sshrl.u32 s1, $0x2  }
0xbb: {  	s3 =	sand.u32 $0x4000, s31;
	s1 =	sadd.s32 s1, s30  }
0xbc: {  	s0 =	sor.u32 s3, s0;
	s1 =	sshll.u32 s1, $0x11  }
0xbd: {  	s0 =	sor.u32 s1, s0  }
0xbe: {  	s0 =	sadd.s32 $0x8F2B, s0  }
0xbf: {  	[sflag:s0] =	ssyncadd.remote.s32 $0x1  }
0xc0: {  	_ =	sfence.sel $0xFFFF  }
0xc1: {  	[dreg:$0x0] =	wrdreg $0xFFFFFFFF;
	(pc) =	sbr.abs _section_cstart, $3  }
0xc2: {  	[dreg:$0x1] =	wrdreg $0xFFFFFFFF  }
0xc3: {  	_ =	task.clear_ibuf [dreg:s8], $0x2FFFF;
	_ =	strace $0x9FFFFFFF  }
0xc4: {  	(tm) =	ssettm $0x7FFFFFFF  }
0xc5: {  	_ =	shalt  }
tec
execute0_lowered:
.L_overlay_start_1:
0x0: {  	(tag) =	ssettag $0x1  }
0x1: {  	s4 =	rddreg [dreg:$0x0]  }
0x2: {  	s7 =	rddreg [dreg:$0x1]  }
0x3: {  	s6 =	rddreg [dreg:$0x2];
	s1 =	srdreg.scid  }
0x4: {  	s0 =	rddreg [dreg:$0x3];
	s2 =	simm.s32 $0x0;
	s8 =	sand.u32 $0x1, s1  }
0x5: {  	[smem:$0x7FF] =	sst s2;
	s1 =	stileid.u32;
	s3 =	sadd.s32 $0xD600, s4  }
0x6: {  	s5 =	ssub.s32 $0x2, s8;
	_ =	strace $0x8000004A;
	s9 =	sshll.u32 s1, $0xC  }
0x7: {  	s31 =	sshll.u32 s1, $0x5;
	s11 =	sshll.u32 s8, $0x4;
	s8 =	sshll.u32 s8, $0xB  }
0x8: {  	s10 =	sshrl.u32 s5, $0x1;
	s9 =	sadd.s32 s9, s4;
	s4 =	sshll.u32 s1, $0x1  }
0x9: {  	s6 =	sadd.s32 s31, s6;
	s7 =	sadd.s32 s31, s7;
	s5 =	ssub.s32 s5, s10  }
0xa: {  	s6 =	sadd.s32 s11, s6;
	s9 =	sadd.s32 s8, s9;
	s7 =	sadd.s32 s11, s7  }
0xb: {  	s5 =	smax.u32 s5, $0x1;
	s8 =	sadd.s32 $0x3B9400, s9;
	s9 =	sadd.s32 $0x148400, s9  }
.LBB2_1:
0xc: {  	p0 =	sgt.u32 s4, $0x4E1  }
0xd: {  	s10 =	sadd.s32 @!p0 $0x0, s7;
	s11 =	simm.s32 @!p0 $0x0;
	s14 =	simm.s32 @!p0 $0x2  }
0xe: {  	[tilespmem:s11], [sflag:$0x2] =	stream.linear.gather @!p0 [hbm4b:s10+s11], $0x80, $0x38;
	[tilespmem:$0x8100] =	vst v63  }
0xf: {  	_ =	swait.ge @!p0 [sflag:s14], $0x80;
	p0 =	por p0, p0  }
0x10: {  	[sflag:s14] =	ssyncset.done @!p0 $0x0  }
0x11: {  	s10 =	sadd.s32 @!p0 $0x0, s6;
	s12 =	simm.s32 @!p0 $0x80;
	[sflag:s14] =	ssyncadd.s32 @!p0 $0xFFFFFF80  }
0x12: {  	[tilespmem:s12], [sflag:$0x2] =	stream.linear.gather @!p0 [hbm4b:s10+s11], $0x80, $0x38;
	[tilespmem:$0x8100] =	vst v63  }
0x13: {  	_ =	swait.ge @!p0 [sflag:s14], $0x80  }
0x14: {  	[sflag:s14] =	ssyncset.done @!p0 $0x0  }
0x15: {  	s10 =	simm.s32 @!p0 $0x100;
	[sflag:s14] =	ssyncadd.s32 @!p0 $0xFFFFFF80  }
0x16: {  	[tilespmem:s10], [sflag:$0x2] =	stream.indirect.gather @!p0 [hbm4b:s3+s12], $0x80, s11, s12, $0xb8;
	[tilespmem:$0x8100] =	vst v63  }
0x17: {  	_ =	swait.ge @!p0 [sflag:s14], $0x4000  }
0x18: {  	[sflag:s14] =	ssyncset.done @!p0 $0x0  }
0x19: {  	s15 =	simm.s32 @!p0 $0x4100;
	[sflag:s14] =	ssyncadd.s32 @!p0 $0xFFFFC000  }
0x1a: {  	[tilespmem:s15], [sflag:$0x2] =	stream.indirect.gather @!p0 [hbm4b:s3+s12], $0x80, s12, s12, $0xb8;
	[tilespmem:$0x8100] =	vst v63  }
0x1b: {  	_ =	swait.ge @!p0 [sflag:s14], $0x4000  }
0x1c: {  	[sflag:s14] =	ssyncset.done @!p0 $0x0  }
0x1d: {  	[sflag:s14] =	ssyncadd.s32 @!p0 $0xFFFFC000  }
0x1e: {  	[hbm4b:s9+s11] =	stream.linear.scatter @!p0 [tilespmem:s10], [sflag:$0x2], $0x4000, $0x38;
	[tilespmem:$0x8100] =	vst v63  }
0x1f: {  	_ =	swait.ge @!p0 [sflag:s14], $0x4000  }
0x20: {  	[sflag:s14] =	ssyncset.done @!p0 $0x0  }
0x21: {  	s13 =	simm.s32 $0x400;
	s12 =	simm.s32 $0x200;
	[sflag:s14] =	ssyncadd.s32 @!p0 $0xFFFFC000  }
0x22: {  	[hbm4b:s8+s11] =	stream.linear.scatter @!p0 [tilespmem:s15], [sflag:$0x1], $0x4000, $0x38;
	[tilespmem:$0x8100] =	vst v63  }
0x23: {  	s10 =	sadd.s32 $0x10000, s9;
	s14 =	sadd.s32 $0x20, s4;
	s15 =	simm.s32 @!p0 $0x1  }
0x24: {  	p2 =	sgt.u32 s14, $0x4E1;
	s11 =	sadd.s32 $0x10000, s8;
	_ =	swait.ge @!p0 [sflag:s15], $0x4000  }
.LBB2_2:
0x25: {  	s16 =	sadd.s32 @!p2 s12, s7  }
0x26: {  	s17 =	simm.s32 @!p2 $0x0;
	[sflag:s15] =	ssyncset.done @!p0 $0x0;
	s18 =	smov.u32 s13  }
0x27: {  	s13 =	sadd.s32 $0x200, s13;
	s19 =	simm.s32 @!p2 $0x2;
	[sflag:s15] =	ssyncadd.s32 @!p0 $0xFFFFC000  }
0x28: {  	[tilespmem:s17], [sflag:$0x2] =	stream.linear.gather @!p2 [hbm4b:s16+s17], $0x80, $0x38;
	[tilespmem:$0x8100] =	vst v63  }
0x29: {  	p1 =	sne.s32 s13, $0x5000;
	p0 =	por p2, p2;
	_ =	swait.ge @!p2 [sflag:s19], $0x80  }
0x2a: {  	[sflag:s19] =	ssyncset.done @!p0 $0x0  }
0x2b: {  	s12 =	sadd.s32 @!p0 s12, s6;
	s15 =	simm.s32 @!p0 $0x80;
	[sflag:s19] =	ssyncadd.s32 @!p0 $0xFFFFFF80  }
0x2c: {  	[tilespmem:s15], [sflag:$0x2] =	stream.linear.gather @!p0 [hbm4b:s12+s17], $0x80, $0x38;
	[tilespmem:$0x8100] =	vst v63  }
0x2d: {  	s12 =	smov.u32 s18;
	_ =	swait.ge @!p0 [sflag:s19], $0x80  }
0x2e: {  	[sflag:s19] =	ssyncset.done @!p0 $0x0  }
0x2f: {  	s16 =	simm.s32 @!p0 $0x100;
	[sflag:s19] =	ssyncadd.s32 @!p0 $0xFFFFFF80  }
0x30: {  	[tilespmem:s16], [sflag:$0x2] =	stream.indirect.gather @!p0 [hbm4b:s3+s15], $0x80, s17, s15, $0xb8;
	[tilespmem:$0x8100] =	vst v63  }
0x31: {  	_ =	swait.ge @!p0 [sflag:s19], $0x4000  }
0x32: {  	[sflag:s19] =	ssyncset.done @!p0 $0x0  }
0x33: {  	s18 =	simm.s32 @!p0 $0x4100;
	[sflag:s19] =	ssyncadd.s32 @!p0 $0xFFFFC000  }
0x34: {  	[tilespmem:s18], [sflag:$0x2] =	stream.indirect.gather @!p0 [hbm4b:s3+s15], $0x80, s15, s15, $0xb8;
	[tilespmem:$0x8100] =	vst v63  }
0x35: {  	_ =	swait.ge @!p0 [sflag:s19], $0x4000  }
0x36: {  	[sflag:s19] =	ssyncset.done @!p0 $0x0  }
0x37: {  	[sflag:s19] =	ssyncadd.s32 @!p0 $0xFFFFC000  }
0x38: {  	[hbm4b:s10+s17] =	stream.linear.scatter @!p0 [tilespmem:s16], [sflag:$0x2], $0x4000, $0x38;
	[tilespmem:$0x8100] =	vst v63  }
.Ltmp0:
0x39: {  	_ =	swait.ge @!p0 [sflag:s19], $0x4000;
	(pc) =	sbr.rel @p1 .LBB2_2-.Ltmp0, $4  }
0x3a: {  	s10 =	sadd.s32 $0x10000, s10;
	[sflag:s19] =	ssyncset.done @!p0 $0x0  }
0x3b: {  	s14 =	sadd.s32 $0x20, s14;
	s15 =	simm.s32 @!p0 $0x1;
	[sflag:s19] =	ssyncadd.s32 @!p0 $0xFFFFC000  }
0x3c: {  	[hbm4b:s11+s17] =	stream.linear.scatter @!p0 [tilespmem:s18], [sflag:$0x1], $0x4000, $0x38;
	[tilespmem:$0x8100] =	vst v63  }
0x3d: {  	p2 =	sgt.u32 s14, $0x4E1;
	s11 =	sadd.s32 $0x10000, s11;
	_ =	swait.ge @!p0 [sflag:s15], $0x4000  }
0x3e: {  	s13 =	sadd.s32 @!p2 s12, s7;
	[sflag:s15] =	ssyncset.done @!p0 $0x0  }
0x3f: {  	s14 =	simm.s32 @!p2 $0x0;
	s16 =	simm.s32 @!p2 $0x2;
	[sflag:s15] =	ssyncadd.s32 @!p0 $0xFFFFC000  }
0x40: {  	[tilespmem:s14], [sflag:$0x2] =	stream.linear.gather @!p2 [hbm4b:s13+s14], $0x80, $0x38;
	[tilespmem:$0x8100] =	vst v63  }
0x41: {  	p0 =	por p2, p2;
	_ =	swait.ge @!p2 [sflag:s16], $0x80  }
0x42: {  	[sflag:s16] =	ssyncset.done @!p0 $0x0  }
0x43: {  	s12 =	sadd.s32 @!p0 s12, s6;
	s13 =	simm.s32 @!p0 $0x80;
	[sflag:s16] =	ssyncadd.s32 @!p0 $0xFFFFFF80  }
0x44: {  	[tilespmem:s13], [sflag:$0x2] =	stream.linear.gather @!p0 [hbm4b:s12+s14], $0x80, $0x38;
	[tilespmem:$0x8100] =	vst v63  }
0x45: {  	_ =	swait.ge @!p0 [sflag:s16], $0x80  }
0x46: {  	[sflag:s16] =	ssyncset.done @!p0 $0x0  }
0x47: {  	s12 =	simm.s32 @!p0 $0x100;
	[sflag:s16] =	ssyncadd.s32 @!p0 $0xFFFFFF80  }
0x48: {  	[tilespmem:s12], [sflag:$0x2] =	stream.indirect.gather @!p0 [hbm4b:s3+s13], $0x80, s14, s13, $0xb8;
	[tilespmem:$0x8100] =	vst v63  }
0x49: {  	_ =	swait.ge @!p0 [sflag:s16], $0x4000  }
0x4a: {  	[sflag:s16] =	ssyncset.done @!p0 $0x0  }
0x4b: {  	s15 =	simm.s32 @!p0 $0x4100;
	[sflag:s16] =	ssyncadd.s32 @!p0 $0xFFFFC000  }
0x4c: {  	[tilespmem:s15], [sflag:$0x2] =	stream.indirect.gather @!p0 [hbm4b:s3+s13], $0x80, s13, s13, $0xb8;
	[tilespmem:$0x8100] =	vst v63  }
0x4d: {  	_ =	swait.ge @!p0 [sflag:s16], $0x4000  }
0x4e: {  	[sflag:s16] =	ssyncset.done @!p0 $0x0  }
0x4f: {  	[sflag:s16] =	ssyncadd.s32 @!p0 $0xFFFFC000  }
0x50: {  	[hbm4b:s10+s14] =	stream.linear.scatter @!p0 [tilespmem:s12], [sflag:$0x2], $0x4000, $0x38;
	[tilespmem:$0x8100] =	vst v63  }
0x51: {  	s2 =	sadd.s32 $0x1, s2;
	_ =	swait.ge @!p0 [sflag:s16], $0x4000  }
0x52: {  	p1 =	sne.s32 s2, s5;
	[sflag:s16] =	ssyncset.done @!p0 $0x0  }
.Ltmp1:
0x53: {  	s10 =	simm.s32 @!p0 $0x1;
	[sflag:s16] =	ssyncadd.s32 @!p0 $0xFFFFC000;
	(pc) =	sbr.rel @p1 .LBB2_1-.Ltmp1, $4  }
0x54: {  	[hbm4b:s11+s14] =	stream.linear.scatter @!p0 [tilespmem:s15], [sflag:$0x1], $0x4000, $0x38;
	[tilespmem:$0x8100] =	vst v63  }
0x55: {  	_ =	swait.ge @!p0 [sflag:s10], $0x4000  }
0x56: {  	[sflag:s10] =	ssyncset.done @!p0 $0x0  }
0x57: {  	[sflag:s10] =	ssyncadd.s32 @!p0 $0xFFFFC000  }
0x58: {  	_ =	sfence.sel $0x180000  }
0x59: {  	[bflag:$0x0] =	sbarrier.arrive $0xFFFF  }
0x5a: {  	p0 =	sne.s32 s1, $0x0;
	_ =	strace $0x9000004A  }
0x5b: {  	s0 =	sadd.s32 @!p0 $0x100000, s0;
	[bflag:$0x2] =	sbarrier.arrive $0xFFFF  }
0x5c: {  	[sflag:s0] =	ssyncadd.tile.s32 @!p0 $0x1;
	_ =	shalt  }
.Lfunc_end2:
_tile_overlayer_lowered:
.L_overlay_start_2:
0x5d: {  	(tag) =	ssettag $0x2  }
0x5e: {  	s0 =	rddreg [dreg:$0x0];
	s2 =	stileid.u32  }
0x5f: {  	s1 =	rddreg [dreg:$0x1];
	p0 =	sne.s32 s2, $0x0  }
0x60: {  	s3 =	rddreg [dreg:$0x2];
	[bflag:$0x3] =	sbarrier.arrive $0xFFFF;
	s2 =	simm.s32 @!p0 $0x1C01  }
0x61: {  	[timem:s3], [sflag:s2] =	dma.local @!p0 [hbm:s0], s1  }
0x62: {  	s0 =	simm.s32 @!p0 $0x1  }
0x63: {  	_ =	swait.ge @!p0 [sflag:s0], s1  }
0x64: {  	s1 =	ssub.s32 @!p0 $0x0, s1;
	[sflag:s0] =	ssyncset.done @!p0 $0x0  }
0x65: {  	[sflag:s0] =	ssyncadd.s32 @!p0 s1  }
0x66: {  	[bflag:$0x3] =	sbarrier.arrive $0xFFFF  }
0x67: {  	_ =	shalt  }

// kernel: kernel.17.cloned.1.call-start
scs
__scs_entry_jumppad:
0x0: {  	(pc) =	sbr.rel $0x88, $3  }
0x1: {  	(tag) =	ssettag $0x0;
	lr =	simm.s32 $0x1  }
0x2: {  	[smem:$0x3F76] =	sst lr;
	_ =	strace $0xD0000000  }
0x3: {  	_ = 	snop  }
0x4: {  	_ = 	snop  }
0x5: {  	_ = 	snop  }
0x6: {  	_ = 	snop  }
0x7: {  	_ = 	snop  }
__scs_overlays_trampoline_lowered:
0x8: {  	[smem:$0x3F85] =	sst s0  }
0x9: {  	[smem:$0x3F86] =	sst s1  }
0xa: {  	[smem:$0x3F87] =	sst s2  }
0xb: {  	[smem:$0x3F88] =	sst s3  }
0xc: {  	[smem:$0x3F89] =	sst s4  }
0xd: {  	[smem:$0x3F8A] =	sst s5  }
0xe: {  	[smem:$0x3F8B] =	sst s6  }
0xf: {  	[smem:$0x3F8C] =	sst s7  }
0x10: {  	[smem:$0x3F8D] =	sst s8  }
0x11: {  	[smem:$0x3F8E] =	sst s9;
	s0 =	simm.s32 @!p0 $0x0  }
0x12: {  	s1 =	sld [smem:$0x3F74];
	s0 =	simm.s32 @p0 $0x1  }
0x13: {  	[smem:$0x3F8F] =	sst s0;
	s0 =	simm.s32 @!p1 $0x0  }
0x14: {  	s2 =	sld [smem:$0x3F73];
	s0 =	simm.s32 @p1 $0x1  }
0x15: {  	[smem:$0x3F90] =	sst s0;
	s0 =	simm.s32 @!p2 $0x0  }
0x16: {  	s3 =	sld [smem:$0x3FDB];
	s0 =	simm.s32 @p2 $0x1  }
0x17: {  	s4 =	simm.s32 $0x1BF5;
	[smem:$0x3F92] =	sst s0  }
0x18: {  	s0 =	sld [smem:$0x3F75];
	_ =	swait.ge [sflag:s4], $0x0  }
0x19: {  	s7 =	sld [smem:$0x3F76]  }
0x1a: {  	s8 =	sadd.s32 $0xFFFFE003, lr  }
0x1b: {  	s9 =	sadd.s32 $0xFFFFFEF7, lr;
	s5 =	simm.s32 $0xFFFFFFFF;
	p2 =	slt.u32 s8, $0xFFFFF086  }
0x1c: {  	p1 =	slt.u32 s9, $0xF7A;
	s5 =	simm.s32 @!p2 $0x0  }
0x1d: {  	s5 =	simm.s32 @p1 $0x1;
	p0 =	seq.s32 s7, s2  }
0x1e: {  	s7 =	smul.u32 @!p0 $0xF7A, s2;
	p2 =	seq.s32 @!p0 s5, $0x0  }
0x1f: {  	s9 =	smul.u32 $0xF7A, s1;
	s8 =	simm.s32 @!p0 $0x1BF5;
	p2 =	por !p2, p0  }
0x20: {  	[sflag:s8] =	ssyncset.s32 @!p0 $0xFFFFF086;
	s6 =	sadd.s32 @!p0 s3, s7;
	s7 =	simm.s32 @!p0 $0x108  }
0x21: {  	s3 =	sadd.s32 s3, s9;
	s6 =	sadd.s32 @!p0 $0x88, s6;
	s7 =	simm.s32 @p2 $0x1082  }
0x22: {  	[simem:s7], [sflag:s8] =	dma.local @!p0 [hbm:s6], $0xF7A  }
0x23: {  	s9 =	sor.u32 $0xD0000000, s2;
	s6 =	simm.s32 $0x108;
	_ =	swait.ge @!p0 [sflag:s8], $0x0  }
0x24: {  	s3 =	sadd.s32 $0x88, s3;
	s6 =	simm.s32 @!p1 $0x1082;
	[sflag:s4] =	ssyncset.s32 $0xFFFFF086  }
0x25: {  	[simem:s6], [sflag:s4] =	dma.local [hbm:s3], $0xF7A  }
0x26: {  	[smem:$0x3F76] =	sst s1;
	(tag) =	ssettag s2;
	_ =	strace s9  }
0x27: {  	s1 =	sld [smem:$0x3F86]  }
0x28: {  	s2 =	sld [smem:$0x3F87]  }
0x29: {  	s4 =	sld [smem:$0x3F89]  }
0x2a: {  	p0 =	seq.s32 s5, $0x0;
	s5 =	sld [smem:$0x3F8A]  }
0x2b: {  	s6 =	sld [smem:$0x3F8B]  }
0x2c: {  	s7 =	sld [smem:$0x3F8C]  }
0x2d: {  	s3 =	simm.s32 $0x108;
	s8 =	sld [smem:$0x3F8D]  }
0x2e: {  	s3 =	simm.s32 @!p0 $0x1082;
	s9 =	sld [smem:$0x3F8E]  }
0x2f: {  	lr =	sadd.s32 s0, s3;
	s0 =	sld [smem:$0x3F85]  }
0x30: {  	s3 =	sld [smem:$0x3F88]  }
0x31: {  	[smem:$0x3F91] =	sst s10  }
0x32: {  	s10 =	sld [smem:$0x3F8F];
	_ =	sdelay $0x3  }
0x33: {  	p0 =	seq.s32 s10, $0x1;
	s10 =	sld [smem:$0x3F91];
	_ =	sdelay $0x3  }
0x34: {  	[smem:$0x3F91] =	sst s10  }
0x35: {  	s10 =	sld [smem:$0x3F90];
	_ =	sdelay $0x3  }
0x36: {  	p1 =	seq.s32 s10, $0x1;
	s10 =	sld [smem:$0x3F91];
	_ =	sdelay $0x3  }
0x37: {  	[smem:$0x3F91] =	sst s10  }
0x38: {  	s10 =	sld [smem:$0x3F92]  }
0x39: {  	_ = 	snop;
	(pc) =	sbr.ind lr, $3  }
0x3a: {  	_ = 	snop  }
0x3b: {  	_ = 	snop  }
0x3c: {  	p2 =	seq.s32 s10, $0x1;
	s10 =	sld [smem:$0x3F91]  }
0x3d: {  	_ =	shalt  }
0x3e: {  	_ =	shalt  }
0x3f: {  	_ =	shalt  }
0x40: {  	_ =	shalt  }
0x41: {  	_ =	shalt  }
0x42: {  	_ =	shalt  }
0x43: {  	_ =	shalt  }
0x44: {  	_ =	shalt  }
0x45: {  	_ =	shalt  }
0x46: {  	_ =	shalt  }
0x47: {  	_ =	shalt  }
0x48: {  	_ =	shalt  }
0x49: {  	_ =	shalt  }
0x4a: {  	_ =	shalt  }
0x4b: {  	_ =	shalt  }
0x4c: {  	_ =	shalt  }
0x4d: {  	_ =	shalt  }
0x4e: {  	_ =	shalt  }
0x4f: {  	_ =	shalt  }
0x50: {  	_ =	shalt  }
0x51: {  	_ =	shalt  }
0x52: {  	_ =	shalt  }
0x53: {  	_ =	shalt  }
0x54: {  	_ =	shalt  }
0x55: {  	_ =	shalt  }
0x56: {  	_ =	shalt  }
0x57: {  	_ =	shalt  }
0x58: {  	_ =	shalt  }
0x59: {  	_ =	shalt  }
0x5a: {  	_ =	shalt  }
0x5b: {  	_ =	shalt  }
0x5c: {  	_ =	shalt  }
0x5d: {  	_ =	shalt  }
0x5e: {  	_ =	shalt  }
0x5f: {  	_ =	shalt  }
0x60: {  	_ =	shalt  }
0x61: {  	_ =	shalt  }
0x62: {  	_ =	shalt  }
0x63: {  	_ =	shalt  }
0x64: {  	_ =	shalt  }
0x65: {  	_ =	shalt  }
0x66: {  	_ =	shalt  }
0x67: {  	_ =	shalt  }
0x68: {  	_ =	shalt  }
0x69: {  	_ =	shalt  }
0x6a: {  	_ =	shalt  }
0x6b: {  	_ =	shalt  }
0x6c: {  	_ =	shalt  }
0x6d: {  	_ =	shalt  }
0x6e: {  	_ =	shalt  }
0x6f: {  	_ =	shalt  }
0x70: {  	_ =	shalt  }
0x71: {  	_ =	shalt  }
0x72: {  	_ =	shalt  }
0x73: {  	_ =	shalt  }
0x74: {  	_ =	shalt  }
0x75: {  	_ =	shalt  }
0x76: {  	_ =	shalt  }
0x77: {  	_ =	shalt  }
0x78: {  	_ =	shalt  }
0x79: {  	_ =	shalt  }
0x7a: {  	_ =	shalt  }
0x7b: {  	_ =	shalt  }
0x7c: {  	_ =	shalt  }
0x7d: {  	_ =	shalt  }
0x7e: {  	_ =	shalt  }
0x7f: {  	_ =	shalt  }
0x80: {  	_ =	shalt  }
0x81: {  	_ =	shalt  }
0x82: {  	_ =	shalt  }
0x83: {  	_ =	shalt  }
0x84: {  	_ =	shalt  }
0x85: {  	_ =	shalt  }
0x86: {  	_ =	shalt  }
0x87: {  	_ =	shalt  }
.Lfunc_end0:
.L_simem_size_0:
called_computation.2_lowered:
.L_overlay_start_0:
0x88: {  	s2 =	sld [smem:$0x3FD9]  }
0x89: {  	s3 =	sld [smem:$0x3FFE];
	_ =	sdelay $0x1  }
0x8a: {  	s1 =	srdreg.scid  }
0x8b: {  	s0 =	sand.u32 $0x1, s1  }
0x8c: {  	s17 =	sshll.u32 s0, $0xA;
	s2 =	sadd.s32 s3, s2  }
0x8d: {  	s2 =	sadd.s32 s2, s17  }
0x8e: {  	[smem:$0x3F9D] =	sst s2  }
0x8f: {  	_ = 	snop  }
0x90: {  	s2 =	sld [smem:$0x3FA1]  }
0x91: {  	s18 =	sld [smem:$0x3FA0];
	(tm) =	ssettm $0x1  }
0x92: {  	s4 =	sld [smem:$0x3FFB];
	_ =	sdelay $0x3  }
0x93: {  	_ =	strace s4  }
0x94: {  	s4 =	sld [smem:$0x3FFC];
	_ =	sdelay $0x3  }
0x95: {  	_ =	strace s4  }
0x96: {  	s4 =	sld [smem:$0x3FFD];
	_ =	sdelay $0x3  }
0x97: {  	_ =	strace s4  }
0x98: {  	_ =	strace $0x8FFFFFFF  }
0x99: {  	s19 =	sld [smem:$0x3FDB];
	_ =	sdelay $0x1  }
0x9a: {  	s5 =	simm.s32 $_scs_section_size  }
0x9b: {  	s6 =	simm.s32 $_size__tile_overlayer_lowered;
	s7 =	simm.s32 $_tile_overlayer_lowered  }
0x9c: {  	s22 =	simm.s32 $0x1BFF;
	s21 =	sshll.u32 s7, $0x1;
	s4 =	sadd.s32 s5, s19  }
0x9d: {  	s8 =	simm.s32 $0x0;
	s20 =	sshll.u32 s6, $0x1;
	s6 =	sadd.s32 s21, s4  }
0x9e: {  	[timem:s8], [sflag:s22] =	dma.local [hbm:s6], s20  }
0x9f: {  	_ =	swait.ge [sflag:s22], s20  }
0xa0: {  	s5 =	ssub.s32 $0x0, s20;
	[sflag:s22] =	ssyncset.done $0x0  }
0xa1: {  	[sflag:s22] =	ssyncadd.s32 s5;
	_ =	sdelay $0x1  }
0xa2: {  	s23 =	simm.s32 $0x1B8B  }
0xa3: {  	_ =	swait.ge [sflag:s23], $0x1  }
0xa4: {  	[sflag:s23] =	ssyncset.done $0x0  }
0xa5: {  	s25 =	simm.s32 $0x1B8E;
	s24 =	sld [smem:$0x3FFE];
	[sflag:s23] =	ssyncadd.s32 $0xFFFFFFFF  }
0xa6: {  	s26 =	simm.s32 $execute0_lowered;
	[smem:$0x3FD2] =	sst s25  }
0xa7: {  	s6 =	sshll.u32 s26, $0x1;
	_ =	strace $0x8000004C;
	[dreg:$0x1] =	wrdreg $0xFFFFFFFF  }
0xa8: {  	s28 =	simm.s32 $_size_execute0_lowered;
	s4 =	sadd.s32 s4, s6;
	[dreg:$0x0] =	wrdreg $0x0  }
0xa9: {  	s6 =	sshll.u32 s28, $0x1;
	[dreg:$0x2] =	wrdreg s4  }
0xaa: {  	[dreg:$0x3] =	wrdreg s6  }
0xab: {  	[dreg:$0x4] =	wrdreg $0xC0  }
0xac: {  	_ =	task [dreg:s8], $0x5FFFF  }
0xad: {  	[dreg:$0x1] =	wrdreg $0xFFFFFFFF  }
0xae: {  	[dreg:$0x0] =	wrdreg $0x60  }
0xaf: {  	[dreg:$0x2] =	wrdreg s24  }
0xb0: {  	[dreg:$0x3] =	wrdreg s2  }
0xb1: {  	[dreg:$0x4] =	wrdreg s18  }
0xb2: {  	[dreg:$0x5] =	wrdreg $0x81000  }
0xb3: {  	[dreg:$0x6] =	wrdreg $0x9  }
0xb4: {  	_ =	task.clear_ibuf [dreg:s8], $0x7FFFF;
	_ =	strace $0x9000004C  }
0xb5: {  	s29 =	simm.s32 $0x9;
	_ =	strace $0x8000004E  }
0xb6: {  	_ =	swait.ge [sflag:s29], $0x1  }
0xb7: {  	[sflag:s29] =	ssyncadd.s32 $0xFFFFFFFF  }
0xb8: {  	_ =	strace $0x9000004E  }
0xb9: {  	_ =	sfence  }
0xba: {  	s30 =	sld [smem:$0x0];
	_ =	sdelay $0x2  }
0xbb: {  	s31 =	sshll.u32 s1, $0xD;
	s1 =	sshrl.u32 s1, $0x2  }
0xbc: {  	s3 =	sand.u32 $0x4000, s31;
	s1 =	sadd.s32 s1, s30  }
0xbd: {  	s0 =	sor.u32 s3, s0;
	s1 =	sshll.u32 s1, $0x11  }
0xbe: {  	s0 =	sor.u32 s1, s0  }
0xbf: {  	s0 =	sadd.s32 $0x8F2B, s0  }
0xc0: {  	[sflag:s0] =	ssyncadd.remote.s32 $0x1  }
0xc1: {  	_ =	sfence.sel $0xFFFF  }
0xc2: {  	[dreg:$0x0] =	wrdreg $0xFFFFFFFF;
	(pc) =	sbr.abs _section_cstart, $3  }
0xc3: {  	[dreg:$0x1] =	wrdreg $0xFFFFFFFF  }
0xc4: {  	_ =	task.clear_ibuf [dreg:s8], $0x2FFFF;
	_ =	strace $0x9FFFFFFF  }
0xc5: {  	(tm) =	ssettm $0x7FFFFFFF  }
tec
execute0_lowered:
.L_overlay_start_1:
0x0: {  	(tag) =	ssettag $0x1  }
0x1: {  	s6 =	rddreg [dreg:$0x0]  }
0x2: {  	s11 =	rddreg [dreg:$0x1]  }
0x3: {  	s10 =	rddreg [dreg:$0x2]  }
0x4: {  	s1 =	rddreg [dreg:$0x3]  }
0x5: {  	s0 =	rddreg [dreg:$0x4];
	s3 =	simm.s32 $0x0;
	s2 =	srdreg.scid  }
0x6: {  	[smem:$0x7FF] =	sst s3;
	s12 =	sand.u32 $0x1, s2  }
0x7: {  	s2 =	stileid.u32;
	s5 =	smul.u32 $0x27100, s12  }
0x8: {  	s4 =	sadd.s32 $0x34800, s6;
	_ =	strace $0x8000004D;
	s8 =	smul.u32 $0x3E80, s2  }
0x9: {  	s7 =	sshll.u32 s2, $0xC;
	s28 =	ssub.s32 $0x2, s12;
	s14 =	smul.u32 $0x7D000, s2  }
0xa: {  	s30 =	sshll.u32 s12, $0xB;
	s31 =	sshll.u32 s2, $0x5;
	s12 =	sshll.u32 s12, $0x4  }
0xb: {  	p0 =	sgt.u32 s2, $0x9;
	s9 =	sadd.s32 s7, s6;
	s13 =	sshrl.u32 s28, $0x1  }
0xc: {  	s10 =	sadd.s32 s31, s10;
	s11 =	sadd.s32 s31, s11;
	s8 =	sadd.s32 s8, s5  }
0xd: {  	s5 =	sadd.s32 $0x9600, s6;
	s13 =	ssub.s32 s28, s13;
	s29 =	sshrl.u32 s14, $0x2  }
0xe: {  	s9 =	sadd.s32 s30, s9;
	s10 =	sadd.s32 s12, s10;
	s11 =	sadd.s32 s12, s11  }
0xf: {  	s8 =	sadd.s32 s8, s6;
	s6 =	sshll.u32 s2, $0x1;
	s15 =	sadd.s32 s29, s1  }
0x10: {  	s7 =	sadd.s32 $0x5BA00, s8;
	s8 =	smax.u32 s13, $0x1;
	s13 =	sshll.u32 @!p0 s2, $0x6  }
0x11: {  	s9 =	sadd.s32 $0x910600, s9;
	s12 =	sor.u32 @!p0 $0x1C01, s13;
	s13 =	sshrl.u32 @!p0 s15, $0x3  }
.LBB2_1:
0x12: {  	[spmem:s13], [sflag:s12] =	dma.local @!p0 [hbm:s5], $0x3E80  }
0x13: {  	s14 =	simm.s32 @!p0 $0x1  }
0x14: {  	_ =	swait.ge @!p0 [sflag:s14], $0x3E80  }
0x15: {  	p1 =	sgt.u32 s6, $0x4E1;
	[sflag:s14] =	ssyncset.done @!p0 $0x0  }
0x16: {  	s15 =	simm.s32 @!p1 $0x0;
	[sflag:s14] =	ssyncadd.s32 @!p0 $0xFFFFC180  }
0x17: {  	s16 =	simm.s32 @!p1 $0x2;
	s14 =	sadd.s32 @!p1 $0x0, s11;
	[bflag:$0x0] =	sbarrier.arrive $0xFFFF  }
0x18: {  	[tilespmem:s15], [sflag:$0x2] =	stream.linear.gather @!p1 [hbm4b:s14+s15], $0x80, $0x38;
	[tilespmem:$0x1B980] =	vst v63  }
0x19: {  	_ =	swait.ge @!p1 [sflag:s16], $0x80;
	p1 =	por p1, p1  }
0x1a: {  	[sflag:s16] =	ssyncset.done @!p1 $0x0  }
0x1b: {  	s14 =	sadd.s32 @!p1 $0x0, s10;
	s17 =	simm.s32 @!p1 $0x80;
	[sflag:s16] =	ssyncadd.s32 @!p1 $0xFFFFFF80  }
0x1c: {  	[tilespmem:s17], [sflag:$0x2] =	stream.linear.gather @!p1 [hbm4b:s14+s15], $0x80, $0x38;
	[tilespmem:$0x1B980] =	vst v63  }
0x1d: {  	_ =	swait.ge @!p1 [sflag:s16], $0x80  }
0x1e: {  	[sflag:s16] =	ssyncset.done @!p1 $0x0  }
0x1f: {  	s14 =	simm.s32 @!p1 $0x100;
	[sflag:s16] =	ssyncadd.s32 @!p1 $0xFFFFFF80  }
0x20: {  	[tilespmem:s14], [sflag:$0x2] =	stream.indirect.gather @!p1 [hbm4b:s4+s17], $0x80, s15, s17, $0xb8;
	[tilespmem:$0x1B980] =	vst v63  }
0x21: {  	_ =	swait.ge @!p1 [sflag:s16], $0x4000  }
0x22: {  	[sflag:s16] =	ssyncset.done @!p1 $0x0  }
0x23: {  	s18 =	simm.s32 @!p1 $0x4100;
	[sflag:s16] =	ssyncadd.s32 @!p1 $0xFFFFC000  }
0x24: {  	[tilespmem:s18], [sflag:$0x2] =	stream.linear.gather @!p1 [hbm4b:s9+s15], $0x4000, $0x38;
	[tilespmem:$0x1B980] =	vst v63  }
0x25: {  	_ =	swait.ge @!p1 [sflag:s16], $0x4000  }
0x26: {  	[sflag:s16] =	ssyncset.done @!p1 $0x0  }
0x27: {  	[sflag:s16] =	ssyncadd.s32 @!p1 $0xFFFFC000  }
0x28: {  	[spmem:s1] =	stream.indirect.scatter.add.f32 @!p1 [tilespmem:s14], [sflag:$0x2], $0x80, s17, s17, $0xb8;
	[tilespmem:$0x1B980] =	vst v63  }
0x29: {  	_ =	swait.ge @!p1 [sflag:s16], $0x4000  }
0x2a: {  	[sflag:s16] =	ssyncset.done @!p1 $0x0  }
0x2b: {  	s15 =	simm.s32 $0x200;
	[sflag:s16] =	ssyncadd.s32 @!p1 $0xFFFFC000  }
0x2c: {  	[spmem:s1] =	stream.indirect.scatter.add.f32 @!p1 [tilespmem:s18], [sflag:$0x1], $0x80, s17, s17, $0xb8;
	[tilespmem:$0x1B980] =	vst v63  }
0x2d: {  	s14 =	sadd.s32 $0x10000, s9;
	s18 =	simm.s32 @!p1 $0x1;
	s17 =	sadd.s32 $0x20, s6  }
0x2e: {  	s16 =	simm.s32 $0x400;
	p3 =	sgt.u32 s17, $0x4E1;
	_ =	swait.ge @!p1 [sflag:s18], $0x4000  }
.LBB2_2:
0x2f: {  	s19 =	sadd.s32 @!p3 s15, s11  }
0x30: {  	s20 =	simm.s32 @!p3 $0x0;
	[sflag:s18] =	ssyncset.done @!p1 $0x0;
	s21 =	smov.u32 s16  }
0x31: {  	s16 =	sadd.s32 $0x200, s16;
	s22 =	simm.s32 @!p3 $0x2;
	[sflag:s18] =	ssyncadd.s32 @!p1 $0xFFFFC000  }
0x32: {  	[tilespmem:s20], [sflag:$0x2] =	stream.linear.gather @!p3 [hbm4b:s19+s20], $0x80, $0x38;
	[tilespmem:$0x1B980] =	vst v63  }
0x33: {  	p2 =	sne.s32 s16, $0x5000;
	p1 =	por p3, p3;
	_ =	swait.ge @!p3 [sflag:s22], $0x80  }
0x34: {  	[sflag:s22] =	ssyncset.done @!p1 $0x0  }
0x35: {  	s15 =	sadd.s32 @!p1 s15, s10;
	s19 =	simm.s32 @!p1 $0x80;
	[sflag:s22] =	ssyncadd.s32 @!p1 $0xFFFFFF80  }
0x36: {  	[tilespmem:s19], [sflag:$0x2] =	stream.linear.gather @!p1 [hbm4b:s15+s20], $0x80, $0x38;
	[tilespmem:$0x1B980] =	vst v63  }
0x37: {  	s15 =	smov.u32 s21;
	_ =	swait.ge @!p1 [sflag:s22], $0x80  }
0x38: {  	[sflag:s22] =	ssyncset.done @!p1 $0x0  }
0x39: {  	s18 =	simm.s32 @!p1 $0x100;
	[sflag:s22] =	ssyncadd.s32 @!p1 $0xFFFFFF80  }
0x3a: {  	[tilespmem:s18], [sflag:$0x2] =	stream.indirect.gather @!p1 [hbm4b:s4+s19], $0x80, s20, s19, $0xb8;
	[tilespmem:$0x1B980] =	vst v63  }
0x3b: {  	_ =	swait.ge @!p1 [sflag:s22], $0x4000  }
0x3c: {  	[sflag:s22] =	ssyncset.done @!p1 $0x0  }
0x3d: {  	s21 =	simm.s32 @!p1 $0x4100;
	[sflag:s22] =	ssyncadd.s32 @!p1 $0xFFFFC000  }
0x3e: {  	[tilespmem:s21], [sflag:$0x2] =	stream.linear.gather @!p1 [hbm4b:s14+s20], $0x4000, $0x38;
	[tilespmem:$0x1B980] =	vst v63  }
0x3f: {  	_ =	swait.ge @!p1 [sflag:s22], $0x4000  }
0x40: {  	[sflag:s22] =	ssyncset.done @!p1 $0x0  }
0x41: {  	[sflag:s22] =	ssyncadd.s32 @!p1 $0xFFFFC000  }
0x42: {  	[spmem:s1] =	stream.indirect.scatter.add.f32 @!p1 [tilespmem:s18], [sflag:$0x2], $0x80, s19, s19, $0xb8;
	[tilespmem:$0x1B980] =	vst v63  }
.Ltmp0:
0x43: {  	_ =	swait.ge @!p1 [sflag:s22], $0x4000;
	(pc) =	sbr.rel @p2 .LBB2_2-.Ltmp0, $4  }
0x44: {  	[sflag:s22] =	ssyncset.done @!p1 $0x0  }
0x45: {  	s17 =	sadd.s32 $0x20, s17;
	s18 =	simm.s32 @!p1 $0x1;
	[sflag:s22] =	ssyncadd.s32 @!p1 $0xFFFFC000  }
0x46: {  	[spmem:s1] =	stream.indirect.scatter.add.f32 @!p1 [tilespmem:s21], [sflag:$0x1], $0x80, s19, s19, $0xb8;
	[tilespmem:$0x1B980] =	vst v63  }
0x47: {  	p3 =	sgt.u32 s17, $0x4E1;
	s14 =	sadd.s32 $0x10000, s14;
	_ =	swait.ge @!p1 [sflag:s18], $0x4000  }
0x48: {  	s16 =	sadd.s32 @!p3 s15, s11;
	[sflag:s18] =	ssyncset.done @!p1 $0x0  }
0x49: {  	s17 =	simm.s32 @!p3 $0x0;
	s19 =	simm.s32 @!p3 $0x2;
	[sflag:s18] =	ssyncadd.s32 @!p1 $0xFFFFC000  }
0x4a: {  	[tilespmem:s17], [sflag:$0x2] =	stream.linear.gather @!p3 [hbm4b:s16+s17], $0x80, $0x38;
	[tilespmem:$0x1B980] =	vst v63  }
0x4b: {  	p1 =	por p3, p3;
	_ =	swait.ge @!p3 [sflag:s19], $0x80  }
0x4c: {  	[sflag:s19] =	ssyncset.done @!p1 $0x0  }
0x4d: {  	s15 =	sadd.s32 @!p1 s15, s10;
	s16 =	simm.s32 @!p1 $0x80;
	[sflag:s19] =	ssyncadd.s32 @!p1 $0xFFFFFF80  }
0x4e: {  	[tilespmem:s16], [sflag:$0x2] =	stream.linear.gather @!p1 [hbm4b:s15+s17], $0x80, $0x38;
	[tilespmem:$0x1B980] =	vst v63  }
0x4f: {  	_ =	swait.ge @!p1 [sflag:s19], $0x80  }
0x50: {  	[sflag:s19] =	ssyncset.done @!p1 $0x0  }
0x51: {  	s15 =	simm.s32 @!p1 $0x100;
	[sflag:s19] =	ssyncadd.s32 @!p1 $0xFFFFFF80  }
0x52: {  	[tilespmem:s15], [sflag:$0x2] =	stream.indirect.gather @!p1 [hbm4b:s4+s16], $0x80, s17, s16, $0xb8;
	[tilespmem:$0x1B980] =	vst v63  }
0x53: {  	_ =	swait.ge @!p1 [sflag:s19], $0x4000  }
0x54: {  	[sflag:s19] =	ssyncset.done @!p1 $0x0  }
0x55: {  	s18 =	simm.s32 @!p1 $0x4100;
	[sflag:s19] =	ssyncadd.s32 @!p1 $0xFFFFC000  }
0x56: {  	[tilespmem:s18], [sflag:$0x2] =	stream.linear.gather @!p1 [hbm4b:s14+s17], $0x4000, $0x38;
	[tilespmem:$0x1B980] =	vst v63  }
0x57: {  	_ =	swait.ge @!p1 [sflag:s19], $0x4000  }
0x58: {  	[sflag:s19] =	ssyncset.done @!p1 $0x0  }
0x59: {  	[sflag:s19] =	ssyncadd.s32 @!p1 $0xFFFFC000  }
0x5a: {  	[spmem:s1] =	stream.indirect.scatter.add.f32 @!p1 [tilespmem:s15], [sflag:$0x2], $0x80, s16, s16, $0xb8;
	[tilespmem:$0x1B980] =	vst v63  }
0x5b: {  	_ =	swait.ge @!p1 [sflag:s19], $0x4000  }
0x5c: {  	[sflag:s19] =	ssyncset.done @!p1 $0x0  }
0x5d: {  	s14 =	simm.s32 @!p1 $0x1;
	[sflag:s19] =	ssyncadd.s32 @!p1 $0xFFFFC000  }
0x5e: {  	[spmem:s1] =	stream.indirect.scatter.add.f32 @!p1 [tilespmem:s18], [sflag:$0x1], $0x80, s16, s16, $0xb8;
	[tilespmem:$0x1B980] =	vst v63  }
0x5f: {  	_ =	swait.ge @!p1 [sflag:s14], $0x4000  }
0x60: {  	s3 =	sadd.s32 $0x1, s3;
	[sflag:s14] =	ssyncset.done @!p1 $0x0  }
0x61: {  	[sflag:s14] =	ssyncadd.s32 @!p1 $0xFFFFC000;
	p1 =	sne.s32 s3, s8  }
.Ltmp1:
0x62: {  	s14 =	simm.s32 @!p0 $0x1;
	[bflag:$0x0] =	sbarrier.arrive $0xFFFF;
	(pc) =	sbr.rel @p1 .LBB2_1-.Ltmp1, $4  }
0x63: {  	[hbm:s7], [sflag:s12] =	dma.local @!p0 [spmem:s13], $0x3E80  }
0x64: {  	_ =	swait.ge @!p0 [sflag:s14], $0x3E80  }
0x65: {  	[sflag:s14] =	ssyncset.done @!p0 $0x0  }
0x66: {  	[sflag:s14] =	ssyncadd.s32 @!p0 $0xFFFFC180  }
0x67: {  	_ =	sfence.sel $0x180000  }
0x68: {  	[bflag:$0x0] =	sbarrier.arrive $0xFFFF  }
0x69: {  	p0 =	sne.s32 s2, $0x0;
	_ =	strace $0x9000004D  }
0x6a: {  	s0 =	sadd.s32 @!p0 $0x100000, s0;
	[bflag:$0x2] =	sbarrier.arrive $0xFFFF  }
0x6b: {  	[sflag:s0] =	ssyncadd.tile.s32 @!p0 $0x1;
	_ =	shalt  }
.Lfunc_end2:
_tile_overlayer_lowered:
.L_overlay_start_2:
0x6c: {  	(tag) =	ssettag $0x2  }
0x6d: {  	s0 =	rddreg [dreg:$0x0];
	s2 =	stileid.u32  }
0x6e: {  	s1 =	rddreg [dreg:$0x1];
	p0 =	sne.s32 s2, $0x0  }
0x6f: {  	s3 =	rddreg [dreg:$0x2];
	[bflag:$0x3] =	sbarrier.arrive $0xFFFF;
	s2 =	simm.s32 @!p0 $0x1C01  }
0x70: {  	[timem:s3], [sflag:s2] =	dma.local @!p0 [hbm:s0], s1  }
0x71: {  	s0 =	simm.s32 @!p0 $0x1  }
0x72: {  	_ =	swait.ge @!p0 [sflag:s0], s1  }
0x73: {  	s1 =	ssub.s32 @!p0 $0x0, s1;
	[sflag:s0] =	ssyncset.done @!p0 $0x0  }
0x74: {  	[sflag:s0] =	ssyncadd.s32 @!p0 s1  }
0x75: {  	[bflag:$0x3] =	sbarrier.arrive $0xFFFF  }
0x76: {  	_ =	shalt  }

</sc_bundles>
